<compile_context>
chip_gen: v7x
topology: tpu7x:2x2x1
jax: 0.10.2.dev20260603
libtpu: 0.0.44.dev20260713+nightly
codegen_flags: <defaults>
</compile_context>

<pallas_src>
import functools

import jax
import jax.numpy as jnp
import numpy as np
from jax import lax
from jax.experimental import pallas as pl
from jax.experimental.pallas import tpu as pltpu
from jax.experimental.pallas import tpu_sc as plsc

B = 2
H = 224
W = 224
LEN = H * W
D = 128
NH = 8
P = 4
DH = D // NH
T = 896
NBLK = LEN // T
GRID = B * NBLK
NGROUP = B * LEN * NH
NW = 32
GPW = NGROUP // NW
CG = 128
NCHUNK = GPW // CG
KS = CG * DH // 128
IDX_ROWS = NGROUP * DH // 128

_f32 = jnp.float32
_i32 = jnp.int32


def _selection_mats():
  sx = np.zeros((NH * P * 2, 128), np.float32)
  sy = np.zeros((NH * P * 2, 128), np.float32)
  sa = np.zeros((NH * P, 128), np.float32)
  for h in range(NH):
    for p in range(P):
      for c in range(4):
        tgt = h * 16 + p * 4 + c
        sx[(h * P + p) * 2 + 0, tgt] = 1.0
        sy[(h * P + p) * 2 + 1, tgt] = 1.0
        sa[h * P + p, tgt] = 1.0
  s4 = np.kron(np.eye(NH, dtype=np.float32), np.ones((P, P), np.float32))
  return jnp.asarray(sx), jnp.asarray(sy), jnp.asarray(sa), jnp.asarray(s4)


def _prep_body(nbr_ref, ext_ref, wv_ref, bv_ref, wox_ref, box_ref,
               woy_ref, boy_ref, wa_ref, ba_ref, s4_ref, sa_ref,
               val_ref, idx_ref, wt_ref):
  i = pl.program_id(0)
  dn_t = (((0,), (0,)), ((), ()))
  dn_n = (((1,), (0,)), ((), ()))
  x = nbr_ref[0]
  q = ext_ref[0]
  val = lax.dot_general(x, wv_ref[...], dn_t, preferred_element_type=_f32)
  val_ref[...] = val + bv_ref[...]
  offx = 10.0 * jnp.tanh(
      lax.dot_general(q, wox_ref[...], dn_t, preferred_element_type=_f32)
      + box_ref[...])
  offy = 10.0 * jnp.tanh(
      lax.dot_general(q, woy_ref[...], dn_t, preferred_element_type=_f32)
      + boy_ref[...])
  la = lax.dot_general(q, wa_ref[...], dn_t, preferred_element_type=_f32)
  la = la + ba_ref[...]
  la = la - jnp.max(la, axis=-1, keepdims=True)
  e = jnp.exp(la)
  den = lax.dot_general(e, s4_ref[...], dn_n, preferred_element_type=_f32)
  attn = lax.dot_general(e / den, sa_ref[...], dn_n,
                         preferred_element_type=_f32)

  qx3 = lax.broadcasted_iota(_i32, (4, W, 128), 1)
  qr3 = lax.broadcasted_iota(_i32, (4, W, 128), 0)
  qx = qx3.reshape(T, 128).astype(_f32)
  qy = ((i % NBLK) * 4 + qr3.reshape(T, 128)).astype(_f32)

  lane = lax.broadcasted_iota(_i32, (T, 128), 1)
  cx = (lane % 2).astype(_f32)
  cy = ((lane % 4) // 2).astype(_f32)
  px = qx + offx
  py = qy + offy
  x0 = jnp.floor(px)
  y0 = jnp.floor(py)
  fx = px - x0
  fy = py - y0
  xi = x0 + cx
  yi = y0 + cy
  wx = cx * fx + (1.0 - cx) * (1.0 - fx)
  wy = cy * fy + (1.0 - cy) * (1.0 - fy)
  valid = ((xi >= 0.0) & (xi <= W - 1.0) & (yi >= 0.0) & (yi <= H - 1.0))
  wt_ref[...] = wx * wy * attn * valid.astype(_f32)
  xi_i = jnp.clip(xi, 0.0, W - 1.0).astype(_i32)
  yi_i = jnp.clip(yi, 0.0, H - 1.0).astype(_i32)
  b = i // NBLK
  idx_ref[...] = (b * LEN + yi_i * W + xi_i) * NH + lane // 16


def _post_body(s_ref, wo_ref, bo_ref, out_ref):
  dn = (((1,), (0,)), ((), ()))
  out_ref[0] = (lax.dot_general(s_ref[...], wo_ref[...], dn,
                                preferred_element_type=_f32) + bo_ref[...])


def _sc_sample(table, idx2d, wtflat):
  mesh = plsc.VectorSubcoreMesh(core_axis_name="c", subcore_axis_name="s")

  @functools.partial(
      pl.kernel, mesh=mesh,
      compiler_params=pltpu.CompilerParams(use_tc_tiling_on_sc=False),
      out_type=jax.ShapeDtypeStruct((NGROUP, DH), _f32),
      scratch_types=[
          pltpu.VMEM((KS, 128), _i32),
          pltpu.VMEM((KS, 128), _i32),
          pltpu.VMEM((CG, DH), _f32),
          pltpu.VMEM((CG, DH), _f32),
          pltpu.VMEM((CG * DH, DH), _f32),
          pltpu.VMEM((CG * DH, DH), _f32),
          pltpu.VMEM((CG, DH), _f32),
          pltpu.VMEM((CG, DH), _f32),
          pltpu.SemaphoreType.DMA,
          pltpu.SemaphoreType.DMA,
          pltpu.SemaphoreType.DMA,
          pltpu.SemaphoreType.DMA,
      ],
  )
  def k(table_hbm, idx_hbm, wt_hbm, out_hbm, idx_a, idx_b, wt_a, wt_b,
        rows_a, rows_b, out_a, out_b, sem_a, sem_b, sem_oa, sem_ob):
    wid = lax.axis_index("s") * 2 + lax.axis_index("c")

    def fire_idx(ci, idx_v, sem):
      gbase = pl.multiple_of(wid * GPW + ci * CG, CG)
      pltpu.async_copy(
          idx_hbm.at[pl.ds(pl.multiple_of(gbase * DH // 128, 8), KS)], idx_v,
          sem)

    def fire_wt(ci, wt_v, sem):
      gbase = pl.multiple_of(wid * GPW + ci * CG, CG)
      pltpu.async_copy(wt_hbm.at[pl.ds(gbase, CG)], wt_v, sem)

    def fire_gathers(idx_v, rows_v, sem):
      pltpu.make_async_copy(
          idx_hbm.at[pl.ds(0, KS)], idx_v, sem).wait()
      for s in range(KS):
        pltpu.async_copy(table_hbm.at[idx_v.at[s]],
                         rows_v.at[pl.ds(s * 128, 128)], sem)

    def compute(ci, idx_v, wt_v, rows_v, sem, out_v, sem_o):
      gbase = pl.multiple_of(wid * GPW + ci * CG, CG)
      pltpu.make_async_copy(table_hbm.at[pl.ds(0, CG * DH)], rows_v,
                            sem).wait()
      pltpu.make_async_copy(wt_hbm.at[pl.ds(0, CG)], wt_v, sem).wait()

      @pl.when(ci + 2 < NCHUNK)
      def _():
        fire_idx(ci + 2, idx_v, sem)

      @pl.when(ci >= 2)
      def _():
        pltpu.make_async_copy(out_v, out_hbm.at[pl.ds(0, CG)], sem_o).wait()

      @plsc.parallel_loop(0, CG, unroll=16)
      def group_body(g):
        wb = g * DH
        w_vec = wt_v[g]
        acc = jnp.zeros((DH,), _f32)
        for j in range(DH):
          wj = lax.gather(
              w_vec, jnp.full((DH, 1), j, _i32),
              lax.GatherDimensionNumbers(offset_dims=(),
                                         collapsed_slice_dims=(0,),
                                         start_index_map=(0,)),
              slice_sizes=(1,),
              mode=lax.GatherScatterMode.PROMISE_IN_BOUNDS)
          acc = acc + wj * rows_v[wb + j]
        out_v[g] = acc

      @pl.when(ci + 2 < NCHUNK)
      def _():
        fire_wt(ci + 2, wt_v, sem)

      pltpu.async_copy(out_v, out_hbm.at[pl.ds(gbase, CG)], sem_o)

    fire_idx(0, idx_a, sem_a)
    fire_wt(0, wt_a, sem_a)
    fire_idx(1, idx_b, sem_b)
    fire_wt(1, wt_b, sem_b)
    fire_gathers(idx_a, rows_a, sem_a)

    def pair_body(t, _):
      fire_gathers(idx_b, rows_b, sem_b)
      compute(2 * t, idx_a, wt_a, rows_a, sem_a, out_a, sem_oa)

      @pl.when(t < NCHUNK // 2 - 1)
      def _():
        fire_gathers(idx_a, rows_a, sem_a)

      compute(2 * t + 1, idx_b, wt_b, rows_b, sem_b, out_b, sem_ob)
      return 0

    lax.fori_loop(0, NCHUNK // 2, pair_body, 0)
    pltpu.make_async_copy(out_a, out_hbm.at[pl.ds(0, CG)], sem_oa).wait()
    pltpu.make_async_copy(out_b, out_hbm.at[pl.ds(0, CG)], sem_ob).wait()

  return k(table, idx2d, wtflat)


def kernel(nbr_fea, ext_fea, W_value, b_value, W_off, b_off, W_attn, b_attn,
           W_out, b_out):
  sx, sy, sa, s4 = _selection_mats()
  wox = W_off @ sx
  box = (b_off @ sx).reshape(1, 128)
  woy = W_off @ sy
  boy = (b_off @ sy).reshape(1, 128)

  nbr = nbr_fea.reshape(B, D, LEN)
  ext = ext_fea.reshape(B, D, LEN)
  full = lambda s: pl.BlockSpec(s, lambda i: (0,) * len(s))
  val, idx, wt = pl.pallas_call(
      _prep_body,
      grid=(GRID,),
      in_specs=[
          pl.BlockSpec((1, D, T), lambda i: (i // NBLK, 0, i % NBLK)),
          pl.BlockSpec((1, D, T), lambda i: (i // NBLK, 0, i % NBLK)),
          full((D, D)), full((1, D)),
          full((D, 128)), full((1, 128)),
          full((D, 128)), full((1, 128)),
          full((D, NH * P)), full((1, NH * P)),
          full((NH * P, NH * P)), full((NH * P, 128)),
      ],
      out_specs=[
          pl.BlockSpec((T, D), lambda i: (i, 0)),
          pl.BlockSpec((T, 128), lambda i: (i, 0)),
          pl.BlockSpec((T, 128), lambda i: (i, 0)),
      ],
      out_shape=[
          jax.ShapeDtypeStruct((B * LEN, D), _f32),
          jax.ShapeDtypeStruct((B * LEN, 128), _i32),
          jax.ShapeDtypeStruct((B * LEN, 128), _f32),
      ],
  )(nbr, ext, W_value, b_value.reshape(1, D), wox, box, woy, boy,
    W_attn, b_attn.reshape(1, NH * P), s4, sa)

  sampled = _sc_sample(val.reshape(NGROUP, DH),
                       idx.reshape(IDX_ROWS, 128),
                       wt.reshape(NGROUP, DH))

  out = pl.pallas_call(
      _post_body,
      grid=(GRID,),
      in_specs=[
          pl.BlockSpec((T, D), lambda i: (i, 0)),
          full((D, D)), full((1, D)),
      ],
      out_specs=pl.BlockSpec((1, T, D), lambda i: (i // NBLK, i % NBLK, 0)),
      out_shape=jax.ShapeDtypeStruct((B, LEN, D), _f32),
  )(sampled.reshape(B * LEN, D), W_out, b_out.reshape(1, D))
  return out

# --- scband reference (transcript-rebuilt; emitter-appended) ---
"""Pipeline reference for scband-multiscale-deform-attn-align-6579889897614 (READ-ONLY COPY).

The authoritative reference and input builder live on the scoring server;
editing this copy changes nothing except your own understanding.
"""

import jax, jax.numpy as jnp
import numpy as np

B = 2; H = 224; W = 224
D_MODEL = 128; N_HEADS = 8; N_LEVELS = 1; N_POINTS = 4
MAX_RESIDUE_MAGNITUDE = 10.0


def _offset_bias():
    nh, L, P = N_HEADS, N_LEVELS, N_POINTS
    thetas = np.arange(nh, dtype=np.float32) * (2.0 * np.pi / nh)
    grid = np.stack([np.cos(thetas), np.sin(thetas)], -1)
    grid = grid / np.abs(grid).max(-1, keepdims=True)
    grid = np.tile(grid[:, None, None, :], (1, L, P, 1))
    for i in range(P):
        grid[:, :, i, :] *= (i + 1)
    return jnp.asarray(grid.reshape(-1), dtype=jnp.float32)


def setup_inputs(seed: int = 0):
    key = jax.random.key(seed)
    ks = jax.random.split(key, 10)
    d = D_MODEL; nh = N_HEADS; L = N_LEVELS; P = N_POINTS
    s = 0.02
    return {
        "nbr_fea": jax.random.normal(ks[0], (B, d, H, W), jnp.float32),
        "ext_fea": jax.random.normal(ks[1], (B, d, H, W), jnp.float32),
        "W_value": jax.random.normal(ks[2], (d, d), jnp.float32) * s,
        "b_value": jnp.zeros((d,), jnp.float32),
        "W_off": jax.random.normal(ks[3], (d, nh * L * P * 2), jnp.float32) * s,
        "b_off": _offset_bias(),
        "W_attn": jax.random.normal(ks[4], (d, nh * L * P), jnp.float32) * s,
        "b_attn": jnp.zeros((nh * L * P,), jnp.float32),
        "W_out": jax.random.normal(ks[5], (d, d), jnp.float32) * s,
        "b_out": jnp.zeros((d,), jnp.float32),
    }


def _ms_deform_core(value, h, w, loc, attn):
    # value: [b, Len, nh, dh]; loc: [b, Lq, nh, P, 2] in [0,1]; attn: [b, Lq, nh, P]
    b, Len, nh, dh = value.shape
    Lq = loc.shape[1]; P = loc.shape[3]
    v = value.transpose(0, 2, 1, 3)  # [b, nh, Len, dh]
    px = (loc[..., 0] * w - 0.5).transpose(0, 2, 1, 3).reshape(b, nh, Lq * P)
    py = (loc[..., 1] * h - 0.5).transpose(0, 2, 1, 3).reshape(b, nh, Lq * P)
    x0f = jnp.floor(px); y0f = jnp.floor(py)
    lx = px - x0f; ly = py - y0f
    x0 = x0f.astype(jnp.int32); y0 = y0f.astype(jnp.int32)
    x1 = x0 + 1; y1 = y0 + 1

    def gather(ix, iy):
        valid = ((ix >= 0) & (ix < w) & (iy >= 0) & (iy < h)).astype(v.dtype)
        idx = jnp.clip(iy, 0, h - 1) * w + jnp.clip(ix, 0, w - 1)
        g = jnp.take_along_axis(v, idx[..., None], axis=2)
        return g * valid[..., None]

    out = (gather(x0, y0) * ((1 - lx) * (1 - ly))[..., None]
           + gather(x1, y0) * (lx * (1 - ly))[..., None]
           + gather(x0, y1) * ((1 - lx) * ly)[..., None]
           + gather(x1, y1) * (lx * ly)[..., None])  # [b, nh, Lq*P, dh]
    out = out.reshape(b, nh, Lq, P, dh)
    aw = attn.transpose(0, 2, 1, 3)  # [b, nh, Lq, P]
    out = (out * aw[..., None]).sum(3)  # [b, nh, Lq, dh]
    return out.transpose(0, 2, 1, 3).reshape(b, Lq, nh * dh)


def reference(nbr_fea, ext_fea, W_value, b_value, W_off, b_off, W_attn, b_attn, W_out, b_out):
    b, c, h, w = nbr_fea.shape
    nh, L, P = N_HEADS, N_LEVELS, N_POINTS
    dh = c // nh
    Len = h * w
    # mask is all-False -> valid ratios are all ones; reference points as in get_reference_points
    ref_y, ref_x = jnp.meshgrid(
        jnp.linspace(0.5, h - 0.5, h, dtype=jnp.float32),
        jnp.linspace(0.5, w - 0.5, w, dtype=jnp.float32), indexing="ij")
    ref = jnp.stack([ref_x.reshape(-1) / w, ref_y.reshape(-1) / h], -1)  # [Len, 2]
    ref = jnp.broadcast_to(ref[None, :, None, :], (b, Len, L, 2))
    # value path (nbr_fea flattened)
    value = nbr_fea.reshape(b, c, Len).transpose(0, 2, 1)
    value = (value @ W_value + b_value).reshape(b, Len, nh, dh)
    # query path (ext_fea flattened)
    query = ext_fea.reshape(b, c, Len).transpose(0, 2, 1)
    off = (query @ W_off + b_off).reshape(b, Len, nh, L, P, 2)
    off = MAX_RESIDUE_MAGNITUDE * jnp.tanh(off)
    attn = (query @ W_attn + b_attn).reshape(b, Len, nh, L * P)
    attn = jax.nn.softmax(attn, axis=-1).reshape(b, Len, nh, L, P)
    offset_normalizer = jnp.array([[w, h]], jnp.float32)  # [L, 2]
    loc = ref[:, :, None, :, None, :] + off / offset_normalizer[None, None, None, :, None, :]
    out = _ms_deform_core(value, h, w, loc[:, :, :, 0], attn[:, :, :, 0])
    return out @ W_out + b_out

if __name__ == "__main__":
    import jax
    _d = setup_inputs()
    print(jax.jit(kernel)(*tuple(_d.values())))

</pallas_src>

<mosaic_0001>
#map = affine_map<(d0, d1) -> (0, 0)>
module attributes {stable_mosaic.version = 14 : i64} {
  func.func @k(%arg0: i32, %arg1: i32, %arg2: memref<802816x16xf32, #tpu.memory_space<hbm>>, %arg3: memref<100352x128xi32, #tpu.memory_space<hbm>>, %arg4: memref<802816x16xf32, #tpu.memory_space<hbm>>, %arg5: memref<802816x16xf32, #tpu.memory_space<hbm>>, %arg6: memref<16x128xi32, #tpu.memory_space<vmem>>, %arg7: memref<16x128xi32, #tpu.memory_space<vmem>>, %arg8: memref<128x16xf32, #tpu.memory_space<vmem>>, %arg9: memref<128x16xf32, #tpu.memory_space<vmem>>, %arg10: memref<2048x16xf32, #tpu.memory_space<vmem>>, %arg11: memref<2048x16xf32, #tpu.memory_space<vmem>>, %arg12: memref<128x16xf32, #tpu.memory_space<vmem>>, %arg13: memref<128x16xf32, #tpu.memory_space<vmem>>, %arg14: memref<!tpu.dma_semaphore, #tpu.memory_space<semaphore_mem>>, %arg15: memref<!tpu.dma_semaphore, #tpu.memory_space<semaphore_mem>>, %arg16: memref<!tpu.dma_semaphore, #tpu.memory_space<semaphore_mem>>, %arg17: memref<!tpu.dma_semaphore, #tpu.memory_space<semaphore_mem>>) attributes {dimension_semantics = [#tpu.dimension_semantics<core_parallel>, #tpu.dimension_semantics<subcore_parallel>], iteration_bounds = array<i64: 2, 16>, scalar_prefetch = 0 : i64, scratch_operands = 12 : i64, tpu.core_type = #tpu.core_type<sc_vector_subcore>, window_params = [{transform_indices = #map}, {transform_indices = #map}, {transform_indices = #map}, {transform_indices = #map}]} {
    %mul3A = arith.constant 2 : i32
    %mul3A_0 = arith.muli %arg1, %mul3A : i32
    %add3A = arith.addi %mul3A_0, %arg0 : i32
    %mul3A_1 = arith.constant 25088 : i32
    %mul3A_2 = arith.muli %add3A, %mul3A_1 : i32
    %add3A_3 = arith.constant 0 : i32
    %add3A_4 = arith.addi %mul3A_2, %add3A_3 : i32
    %multiple_of3A = tpu.assume_multiple %add3A_4, 128 : i32
    %mul3A_5 = arith.constant 16 : i32
    %mul3A_6 = arith.muli %multiple_of3A, %mul3A_5 : i32
    %jit3A = arith.constant 128 : i32
    %div3A = arith.divsi %mul3A_6, %jit3A : i32
    %sign3A = arith.constant 0 : i32
    %sign3A_7 = arith.cmpi sgt, %mul3A_6, %sign3A : i32
    %sign3A_8 = arith.extui %sign3A_7 : i1 to i32
    %sign3A_9 = arith.constant 0 : i32
    %sign3A_10 = arith.cmpi slt, %mul3A_6, %sign3A_9 : i32
    %sign3A_11 = arith.extui %sign3A_10 : i1 to i32
    %sign3A_12 = arith.subi %sign3A_8, %sign3A_11 : i32
    %sign3A_13 = arith.constant 0 : i32
    %sign3A_14 = arith.cmpi sgt, %jit3A, %sign3A_13 : i32
    %sign3A_15 = arith.extui %sign3A_14 : i1 to i32
    %sign3A_16 = arith.constant 0 : i32
    %sign3A_17 = arith.cmpi slt, %jit3A, %sign3A_16 : i32
    %sign3A_18 = arith.extui %sign3A_17 : i1 to i32
    %sign3A_19 = arith.subi %sign3A_15, %sign3A_18 : i32
    %ne3A = arith.cmpi ne, %sign3A_12, %sign3A_19 : i32
    %rem3A = arith.remsi %mul3A_6, %jit3A : i32
    %ne3A_20 = arith.constant 0 : i32
    %ne3A_21 = arith.cmpi ne, %rem3A, %ne3A_20 : i32
    %and3A = arith.andi %ne3A, %ne3A_21 : i1
    %sub3A = arith.constant 1 : i32
    %sub3A_22 = arith.subi %div3A, %sub3A : i32
    %select_n3A = arith.select %and3A, %sub3A_22, %div3A : i32
    %multiple_of3A_23 = tpu.assume_multiple %select_n3A, 8 : i32
    %dma_start3A = arith.constant 0 : i32
    %dma_start3A_24 = tpu.memref_slice %arg3[%multiple_of3A_23, %dma_start3A] : memref<100352x128xi32, #tpu.memory_space<hbm>> -> memref<16x128xi32, #tpu.memory_space<hbm>>
    %dma_start3A_25 = arith.constant 0 : i32
    %dma_start3A_26 = tpu.memref_slice %arg3[%multiple_of3A_23, %dma_start3A_25] : memref<100352x128xi32, #tpu.memory_space<hbm>> -> memref<16x128xi32, #tpu.memory_space<hbm>>
    tpu.enqueue_dma source(%dma_start3A_26 : memref<16x128xi32, #tpu.memory_space<hbm>>) target(%arg6 : memref<16x128xi32, #tpu.memory_space<vmem>>) target_semaphore(%arg14 : memref<!tpu.dma_semaphore, #tpu.memory_space<semaphore_mem>>)
    %mul3A_27 = arith.constant 25088 : i32
    %mul3A_28 = arith.muli %add3A, %mul3A_27 : i32
    %add3A_29 = arith.constant 0 : i32
    %add3A_30 = arith.addi %mul3A_28, %add3A_29 : i32
    %multiple_of3A_31 = tpu.assume_multiple %add3A_30, 128 : i32
    %dma_start3A_32 = arith.constant 0 : i32
    %dma_start3A_33 = tpu.memref_slice %arg4[%multiple_of3A_31, %dma_start3A_32] : memref<802816x16xf32, #tpu.memory_space<hbm>> -> memref<128x16xf32, #tpu.memory_space<hbm>>
    %dma_start3A_34 = arith.constant 0 : i32
    %dma_start3A_35 = tpu.memref_slice %arg4[%multiple_of3A_31, %dma_start3A_34] : memref<802816x16xf32, #tpu.memory_space<hbm>> -> memref<128x16xf32, #tpu.memory_space<hbm>>
    tpu.enqueue_dma source(%dma_start3A_35 : memref<128x16xf32, #tpu.memory_space<hbm>>) target(%arg8 : memref<128x16xf32, #tpu.memory_space<vmem>>) target_semaphore(%arg14 : memref<!tpu.dma_semaphore, #tpu.memory_space<semaphore_mem>>)
    %mul3A_36 = arith.constant 25088 : i32
    %mul3A_37 = arith.muli %add3A, %mul3A_36 : i32
    %add3A_38 = arith.constant 128 : i32
    %add3A_39 = arith.addi %mul3A_37, %add3A_38 : i32
    %multiple_of3A_40 = tpu.assume_multiple %add3A_39, 128 : i32
    %mul3A_41 = arith.constant 16 : i32
    %mul3A_42 = arith.muli %multiple_of3A_40, %mul3A_41 : i32
    %jit3A_43 = arith.constant 128 : i32
    %div3A_44 = arith.divsi %mul3A_42, %jit3A_43 : i32
    %sign3A_45 = arith.constant 0 : i32
    %sign3A_46 = arith.cmpi sgt, %mul3A_42, %sign3A_45 : i32
    %sign3A_47 = arith.extui %sign3A_46 : i1 to i32
    %sign3A_48 = arith.constant 0 : i32
    %sign3A_49 = arith.cmpi slt, %mul3A_42, %sign3A_48 : i32
    %sign3A_50 = arith.extui %sign3A_49 : i1 to i32
    %sign3A_51 = arith.subi %sign3A_47, %sign3A_50 : i32
    %sign3A_52 = arith.constant 0 : i32
    %sign3A_53 = arith.cmpi sgt, %jit3A_43, %sign3A_52 : i32
    %sign3A_54 = arith.extui %sign3A_53 : i1 to i32
    %sign3A_55 = arith.constant 0 : i32
    %sign3A_56 = arith.cmpi slt, %jit3A_43, %sign3A_55 : i32
    %sign3A_57 = arith.extui %sign3A_56 : i1 to i32
    %sign3A_58 = arith.subi %sign3A_54, %sign3A_57 : i32
    %ne3A_59 = arith.cmpi ne, %sign3A_51, %sign3A_58 : i32
    %rem3A_60 = arith.remsi %mul3A_42, %jit3A_43 : i32
    %ne3A_61 = arith.constant 0 : i32
    %ne3A_62 = arith.cmpi ne, %rem3A_60, %ne3A_61 : i32
    %and3A_63 = arith.andi %ne3A_59, %ne3A_62 : i1
    %sub3A_64 = arith.constant 1 : i32
    %sub3A_65 = arith.subi %div3A_44, %sub3A_64 : i32
    %select_n3A_66 = arith.select %and3A_63, %sub3A_65, %div3A_44 : i32
    %multiple_of3A_67 = tpu.assume_multiple %select_n3A_66, 8 : i32
    %dma_start3A_68 = arith.constant 0 : i32
    %dma_start3A_69 = tpu.memref_slice %arg3[%multiple_of3A_67, %dma_start3A_68] : memref<100352x128xi32, #tpu.memory_space<hbm>> -> memref<16x128xi32, #tpu.memory_space<hbm>>
    %dma_start3A_70 = arith.constant 0 : i32
    %dma_start3A_71 = tpu.memref_slice %arg3[%multiple_of3A_67, %dma_start3A_70] : memref<100352x128xi32, #tpu.memory_space<hbm>> -> memref<16x128xi32, #tpu.memory_space<hbm>>
    tpu.enqueue_dma source(%dma_start3A_71 : memref<16x128xi32, #tpu.memory_space<hbm>>) target(%arg7 : memref<16x128xi32, #tpu.memory_space<vmem>>) target_semaphore(%arg15 : memref<!tpu.dma_semaphore, #tpu.memory_space<semaphore_mem>>)
    %mul3A_72 = arith.constant 25088 : i32
    %mul3A_73 = arith.muli %add3A, %mul3A_72 : i32
    %add3A_74 = arith.constant 128 : i32
    %add3A_75 = arith.addi %mul3A_73, %add3A_74 : i32
    %multiple_of3A_76 = tpu.assume_multiple %add3A_75, 128 : i32
    %dma_start3A_77 = arith.constant 0 : i32
    %dma_start3A_78 = tpu.memref_slice %arg4[%multiple_of3A_76, %dma_start3A_77] : memref<802816x16xf32, #tpu.memory_space<hbm>> -> memref<128x16xf32, #tpu.memory_space<hbm>>
    %dma_start3A_79 = arith.constant 0 : i32
    %dma_start3A_80 = tpu.memref_slice %arg4[%multiple_of3A_76, %dma_start3A_79] : memref<802816x16xf32, #tpu.memory_space<hbm>> -> memref<128x16xf32, #tpu.memory_space<hbm>>
    tpu.enqueue_dma source(%dma_start3A_80 : memref<128x16xf32, #tpu.memory_space<hbm>>) target(%arg9 : memref<128x16xf32, #tpu.memory_space<vmem>>) target_semaphore(%arg15 : memref<!tpu.dma_semaphore, #tpu.memory_space<semaphore_mem>>)
    %dma_wait3A = arith.constant 0 : i32
    %dma_wait3A_81 = arith.constant 0 : i32
    %dma_wait3A_82 = tpu.memref_slice %arg3[%dma_wait3A, %dma_wait3A_81] : memref<100352x128xi32, #tpu.memory_space<hbm>> -> memref<16x128xi32, #tpu.memory_space<hbm>>
    %dma_wait3A_83 = arith.constant 0 : i32
    %dma_wait3A_84 = arith.constant 0 : i32
    %dma_wait3A_85 = tpu.memref_slice %arg3[%dma_wait3A_83, %dma_wait3A_84] : memref<100352x128xi32, #tpu.memory_space<hbm>> -> memref<16x128xi32, #tpu.memory_space<hbm>>
    tpu.wait_dma2 semaphore(%arg14 : memref<!tpu.dma_semaphore, #tpu.memory_space<semaphore_mem>>) src(%dma_wait3A_85 : memref<16x128xi32, #tpu.memory_space<hbm>>) dst(%arg6 : memref<16x128xi32, #tpu.memory_space<vmem>>)
    %dma_start3A_86 = arith.constant 0 : i32
    %dma_start3A_87 = arith.constant 0 : i32
    %dma_start3A_88 = arith.constant 0 : i32
    %dma_start3A_89 = tpu.memref_slice %arg10[%dma_start3A_87, %dma_start3A_88] : memref<2048x16xf32, #tpu.memory_space<vmem>> -> memref<128x16xf32, #tpu.memory_space<vmem>>
    %dma_start3A_90 = arith.constant 0 : i32
    %dma_start3A_91 = tpu.memref_slice %arg6[%dma_start3A_86, %dma_start3A_90] : memref<16x128xi32, #tpu.memory_space<vmem>> -> memref<1x128xi32, #tpu.memory_space<vmem>>
    %dma_start3A_92 = tpu.memref_squeeze %dma_start3A_91 : memref<1x128xi32, #tpu.memory_space<vmem>> -> memref<128xi32, #tpu.memory_space<vmem>>
    %dma_start3A_93 = arith.constant 0 : i32
    %dma_start3A_94 = arith.constant 0 : i32
    %dma_start3A_95 = tpu.memref_slice %arg2[%dma_start3A_93, %dma_start3A_94] : memref<802816x16xf32, #tpu.memory_space<hbm>> -> memref<802816x16xf32, #tpu.memory_space<hbm>>
    tpu.enqueue_indirect_dma source(%dma_start3A_95 : memref<802816x16xf32, #tpu.memory_space<hbm>>) target(%dma_start3A_89 : memref<128x16xf32, #tpu.memory_space<vmem>>) offsets(%dma_start3A_92 : memref<128xi32, #tpu.memory_space<vmem>>) semaphore(%arg14 : memref<!tpu.dma_semaphore, #tpu.memory_space<semaphore_mem>>)
    %dma_start3A_96 = arith.constant 1 : i32
    %dma_start3A_97 = arith.constant 128 : i32
    %dma_start3A_98 = arith.constant 0 : i32
    %dma_start3A_99 = tpu.memref_slice %arg10[%dma_start3A_97, %dma_start3A_98] : memref<2048x16xf32, #tpu.memory_space<vmem>> -> memref<128x16xf32, #tpu.memory_space<vmem>>
    %dma_start3A_100 = arith.constant 0 : i32
    %dma_start3A_101 = tpu.memref_slice %arg6[%dma_start3A_96, %dma_start3A_100] : memref<16x128xi32, #tpu.memory_space<vmem>> -> memref<1x128xi32, #tpu.memory_space<vmem>>
    %dma_start3A_102 = tpu.memref_squeeze %dma_start3A_101 : memref<1x128xi32, #tpu.memory_space<vmem>> -> memref<128xi32, #tpu.memory_space<vmem>>
    %dma_start3A_103 = arith.constant 0 : i32
    %dma_start3A_104 = arith.constant 0 : i32
    %dma_start3A_105 = tpu.memref_slice %arg2[%dma_start3A_103, %dma_start3A_104] : memref<802816x16xf32, #tpu.memory_space<hbm>> -> memref<802816x16xf32, #tpu.memory_space<hbm>>
    tpu.enqueue_indirect_dma source(%dma_start3A_105 : memref<802816x16xf32, #tpu.memory_space<hbm>>) target(%dma_start3A_99 : memref<128x16xf32, #tpu.memory_space<vmem>>) offsets(%dma_start3A_102 : memref<128xi32, #tpu.memory_space<vmem>>) semaphore(%arg14 : memref<!tpu.dma_semaphore, #tpu.memory_space<semaphore_mem>>)
    %dma_start3A_106 = arith.constant 2 : i32
    %dma_start3A_107 = arith.constant 256 : i32
    %dma_start3A_108 = arith.constant 0 : i32
    %dma_start3A_109 = tpu.memref_slice %arg10[%dma_start3A_107, %dma_start3A_108] : memref<2048x16xf32, #tpu.memory_space<vmem>> -> memref<128x16xf32, #tpu.memory_space<vmem>>
    %dma_start3A_110 = arith.constant 0 : i32
    %dma_start3A_111 = tpu.memref_slice %arg6[%dma_start3A_106, %dma_start3A_110] : memref<16x128xi32, #tpu.memory_space<vmem>> -> memref<1x128xi32, #tpu.memory_space<vmem>>
    %dma_start3A_112 = tpu.memref_squeeze %dma_start3A_111 : memref<1x128xi32, #tpu.memory_space<vmem>> -> memref<128xi32, #tpu.memory_space<vmem>>
    %dma_start3A_113 = arith.constant 0 : i32
    %dma_start3A_114 = arith.constant 0 : i32
    %dma_start3A_115 = tpu.memref_slice %arg2[%dma_start3A_113, %dma_start3A_114] : memref<802816x16xf32, #tpu.memory_space<hbm>> -> memref<802816x16xf32, #tpu.memory_space<hbm>>
    tpu.enqueue_indirect_dma source(%dma_start3A_115 : memref<802816x16xf32, #tpu.memory_space<hbm>>) target(%dma_start3A_109 : memref<128x16xf32, #tpu.memory_space<vmem>>) offsets(%dma_start3A_112 : memref<128xi32, #tpu.memory_space<vmem>>) semaphore(%arg14 : memref<!tpu.dma_semaphore, #tpu.memory_space<semaphore_mem>>)
    %dma_start3A_116 = arith.constant 3 : i32
    %dma_start3A_117 = arith.constant 384 : i32
    %dma_start3A_118 = arith.constant 0 : i32
    %dma_start3A_119 = tpu.memref_slice %arg10[%dma_start3A_117, %dma_start3A_118] : memref<2048x16xf32, #tpu.memory_space<vmem>> -> memref<128x16xf32, #tpu.memory_space<vmem>>
    %dma_start3A_120 = arith.constant 0 : i32
    %dma_start3A_121 = tpu.memref_slice %arg6[%dma_start3A_116, %dma_start3A_120] : memref<16x128xi32, #tpu.memory_space<vmem>> -> memref<1x128xi32, #tpu.memory_space<vmem>>
    %dma_start3A_122 = tpu.memref_squeeze %dma_start3A_121 : memref<1x128xi32, #tpu.memory_space<vmem>> -> memref<128xi32, #tpu.memory_space<vmem>>
    %dma_start3A_123 = arith.constant 0 : i32
    %dma_start3A_124 = arith.constant 0 : i32
    %dma_start3A_125 = tpu.memref_slice %arg2[%dma_start3A_123, %dma_start3A_124] : memref<802816x16xf32, #tpu.memory_space<hbm>> -> memref<802816x16xf32, #tpu.memory_space<hbm>>
    tpu.enqueue_indirect_dma source(%dma_start3A_125 : memref<802816x16xf32, #tpu.memory_space<hbm>>) target(%dma_start3A_119 : memref<128x16xf32, #tpu.memory_space<vmem>>) offsets(%dma_start3A_122 : memref<128xi32, #tpu.memory_space<vmem>>) semaphore(%arg14 : memref<!tpu.dma_semaphore, #tpu.memory_space<semaphore_mem>>)
    %dma_start3A_126 = arith.constant 4 : i32
    %dma_start3A_127 = arith.constant 512 : i32
    %dma_start3A_128 = arith.constant 0 : i32
    %dma_start3A_129 = tpu.memref_slice %arg10[%dma_start3A_127, %dma_start3A_128] : memref<2048x16xf32, #tpu.memory_space<vmem>> -> memref<128x16xf32, #tpu.memory_space<vmem>>
    %dma_start3A_130 = arith.constant 0 : i32
    %dma_start3A_131 = tpu.memref_slice %arg6[%dma_start3A_126, %dma_start3A_130] : memref<16x128xi32, #tpu.memory_space<vmem>> -> memref<1x128xi32, #tpu.memory_space<vmem>>
    %dma_start3A_132 = tpu.memref_squeeze %dma_start3A_131 : memref<1x128xi32, #tpu.memory_space<vmem>> -> memref<128xi32, #tpu.memory_space<vmem>>
    %dma_start3A_133 = arith.constant 0 : i32
    %dma_start3A_134 = arith.constant 0 : i32
    %dma_start3A_135 = tpu.memref_slice %arg2[%dma_start3A_133, %dma_start3A_134] : memref<802816x16xf32, #tpu.memory_space<hbm>> -> memref<802816x16xf32, #tpu.memory_space<hbm>>
    tpu.enqueue_indirect_dma source(%dma_start3A_135 : memref<802816x16xf32, #tpu.memory_space<hbm>>) target(%dma_start3A_129 : memref<128x16xf32, #tpu.memory_space<vmem>>) offsets(%dma_start3A_132 : memref<128xi32, #tpu.memory_space<vmem>>) semaphore(%arg14 : memref<!tpu.dma_semaphore, #tpu.memory_space<semaphore_mem>>)
    %dma_start3A_136 = arith.constant 5 : i32
    %dma_start3A_137 = arith.constant 640 : i32
    %dma_start3A_138 = arith.constant 0 : i32
    %dma_start3A_139 = tpu.memref_slice %arg10[%dma_start3A_137, %dma_start3A_138] : memref<2048x16xf32, #tpu.memory_space<vmem>> -> memref<128x16xf32, #tpu.memory_space<vmem>>
    %dma_start3A_140 = arith.constant 0 : i32
    %dma_start3A_141 = tpu.memref_slice %arg6[%dma_start3A_136, %dma_start3A_140] : memref<16x128xi32, #tpu.memory_space<vmem>> -> memref<1x128xi32, #tpu.memory_space<vmem>>
    %dma_start3A_142 = tpu.memref_squeeze %dma_start3A_141 : memref<1x128xi32, #tpu.memory_space<vmem>> -> memref<128xi32, #tpu.memory_space<vmem>>
    %dma_start3A_143 = arith.constant 0 : i32
    %dma_start3A_144 = arith.constant 0 : i32
    %dma_start3A_145 = tpu.memref_slice %arg2[%dma_start3A_143, %dma_start3A_144] : memref<802816x16xf32, #tpu.memory_space<hbm>> -> memref<802816x16xf32, #tpu.memory_space<hbm>>
    tpu.enqueue_indirect_dma source(%dma_start3A_145 : memref<802816x16xf32, #tpu.memory_space<hbm>>) target(%dma_start3A_139 : memref<128x16xf32, #tpu.memory_space<vmem>>) offsets(%dma_start3A_142 : memref<128xi32, #tpu.memory_space<vmem>>) semaphore(%arg14 : memref<!tpu.dma_semaphore, #tpu.memory_space<semaphore_mem>>)
    %dma_start3A_146 = arith.constant 6 : i32
    %dma_start3A_147 = arith.constant 768 : i32
    %dma_start3A_148 = arith.constant 0 : i32
    %dma_start3A_149 = tpu.memref_slice %arg10[%dma_start3A_147, %dma_start3A_148] : memref<2048x16xf32, #tpu.memory_space<vmem>> -> memref<128x16xf32, #tpu.memory_space<vmem>>
    %dma_start3A_150 = arith.constant 0 : i32
    %dma_start3A_151 = tpu.memref_slice %arg6[%dma_start3A_146, %dma_start3A_150] : memref<16x128xi32, #tpu.memory_space<vmem>> -> memref<1x128xi32, #tpu.memory_space<vmem>>
    %dma_start3A_152 = tpu.memref_squeeze %dma_start3A_151 : memref<1x128xi32, #tpu.memory_space<vmem>> -> memref<128xi32, #tpu.memory_space<vmem>>
    %dma_start3A_153 = arith.constant 0 : i32
    %dma_start3A_154 = arith.constant 0 : i32
    %dma_start3A_155 = tpu.memref_slice %arg2[%dma_start3A_153, %dma_start3A_154] : memref<802816x16xf32, #tpu.memory_space<hbm>> -> memref<802816x16xf32, #tpu.memory_space<hbm>>
    tpu.enqueue_indirect_dma source(%dma_start3A_155 : memref<802816x16xf32, #tpu.memory_space<hbm>>) target(%dma_start3A_149 : memref<128x16xf32, #tpu.memory_space<vmem>>) offsets(%dma_start3A_152 : memref<128xi32, #tpu.memory_space<vmem>>) semaphore(%arg14 : memref<!tpu.dma_semaphore, #tpu.memory_space<semaphore_mem>>)
    %dma_start3A_156 = arith.constant 7 : i32
    %dma_start3A_157 = arith.constant 896 : i32
    %dma_start3A_158 = arith.constant 0 : i32
    %dma_start3A_159 = tpu.memref_slice %arg10[%dma_start3A_157, %dma_start3A_158] : memref<2048x16xf32, #tpu.memory_space<vmem>> -> memref<128x16xf32, #tpu.memory_space<vmem>>
    %dma_start3A_160 = arith.constant 0 : i32
    %dma_start3A_161 = tpu.memref_slice %arg6[%dma_start3A_156, %dma_start3A_160] : memref<16x128xi32, #tpu.memory_space<vmem>> -> memref<1x128xi32, #tpu.memory_space<vmem>>
    %dma_start3A_162 = tpu.memref_squeeze %dma_start3A_161 : memref<1x128xi32, #tpu.memory_space<vmem>> -> memref<128xi32, #tpu.memory_space<vmem>>
    %dma_start3A_163 = arith.constant 0 : i32
    %dma_start3A_164 = arith.constant 0 : i32
    %dma_start3A_165 = tpu.memref_slice %arg2[%dma_start3A_163, %dma_start3A_164] : memref<802816x16xf32, #tpu.memory_space<hbm>> -> memref<802816x16xf32, #tpu.memory_space<hbm>>
    tpu.enqueue_indirect_dma source(%dma_start3A_165 : memref<802816x16xf32, #tpu.memory_space<hbm>>) target(%dma_start3A_159 : memref<128x16xf32, #tpu.memory_space<vmem>>) offsets(%dma_start3A_162 : memref<128xi32, #tpu.memory_space<vmem>>) semaphore(%arg14 : memref<!tpu.dma_semaphore, #tpu.memory_space<semaphore_mem>>)
    %dma_start3A_166 = arith.constant 8 : i32
    %dma_start3A_167 = arith.constant 1024 : i32
    %dma_start3A_168 = arith.constant 0 : i32
    %dma_start3A_169 = tpu.memref_slice %arg10[%dma_start3A_167, %dma_start3A_168] : memref<2048x16xf32, #tpu.memory_space<vmem>> -> memref<128x16xf32, #tpu.memory_space<vmem>>
    %dma_start3A_170 = arith.constant 0 : i32
    %dma_start3A_171 = tpu.memref_slice %arg6[%dma_start3A_166, %dma_start3A_170] : memref<16x128xi32, #tpu.memory_space<vmem>> -> memref<1x128xi32, #tpu.memory_space<vmem>>
    %dma_start3A_172 = tpu.memref_squeeze %dma_start3A_171 : memref<1x128xi32, #tpu.memory_space<vmem>> -> memref<128xi32, #tpu.memory_space<vmem>>
    %dma_start3A_173 = arith.constant 0 : i32
    %dma_start3A_174 = arith.constant 0 : i32
    %dma_start3A_175 = tpu.memref_slice %arg2[%dma_start3A_173, %dma_start3A_174] : memref<802816x16xf32, #tpu.memory_space<hbm>> -> memref<802816x16xf32, #tpu.memory_space<hbm>>
    tpu.enqueue_indirect_dma source(%dma_start3A_175 : memref<802816x16xf32, #tpu.memory_space<hbm>>) target(%dma_start3A_169 : memref<128x16xf32, #tpu.memory_space<vmem>>) offsets(%dma_start3A_172 : memref<128xi32, #tpu.memory_space<vmem>>) semaphore(%arg14 : memref<!tpu.dma_semaphore, #tpu.memory_space<semaphore_mem>>)
    %dma_start3A_176 = arith.constant 9 : i32
    %dma_start3A_177 = arith.constant 1152 : i32
    %dma_start3A_178 = arith.constant 0 : i32
    %dma_start3A_179 = tpu.memref_slice %arg10[%dma_start3A_177, %dma_start3A_178] : memref<2048x16xf32, #tpu.memory_space<vmem>> -> memref<128x16xf32, #tpu.memory_space<vmem>>
    %dma_start3A_180 = arith.constant 0 : i32
    %dma_start3A_181 = tpu.memref_slice %arg6[%dma_start3A_176, %dma_start3A_180] : memref<16x128xi32, #tpu.memory_space<vmem>> -> memref<1x128xi32, #tpu.memory_space<vmem>>
    %dma_start3A_182 = tpu.memref_squeeze %dma_start3A_181 : memref<1x128xi32, #tpu.memory_space<vmem>> -> memref<128xi32, #tpu.memory_space<vmem>>
    %dma_start3A_183 = arith.constant 0 : i32
    %dma_start3A_184 = arith.constant 0 : i32
    %dma_start3A_185 = tpu.memref_slice %arg2[%dma_start3A_183, %dma_start3A_184] : memref<802816x16xf32, #tpu.memory_space<hbm>> -> memref<802816x16xf32, #tpu.memory_space<hbm>>
    tpu.enqueue_indirect_dma source(%dma_start3A_185 : memref<802816x16xf32, #tpu.memory_space<hbm>>) target(%dma_start3A_179 : memref<128x16xf32, #tpu.memory_space<vmem>>) offsets(%dma_start3A_182 : memref<128xi32, #tpu.memory_space<vmem>>) semaphore(%arg14 : memref<!tpu.dma_semaphore, #tpu.memory_space<semaphore_mem>>)
    %dma_start3A_186 = arith.constant 10 : i32
    %dma_start3A_187 = arith.constant 1280 : i32
    %dma_start3A_188 = arith.constant 0 : i32
    %dma_start3A_189 = tpu.memref_slice %arg10[%dma_start3A_187, %dma_start3A_188] : memref<2048x16xf32, #tpu.memory_space<vmem>> -> memref<128x16xf32, #tpu.memory_space<vmem>>
    %dma_start3A_190 = arith.constant 0 : i32
    %dma_start3A_191 = tpu.memref_slice %arg6[%dma_start3A_186, %dma_start3A_190] : memref<16x128xi32, #tpu.memory_space<vmem>> -> memref<1x128xi32, #tpu.memory_space<vmem>>
    %dma_start3A_192 = tpu.memref_squeeze %dma_start3A_191 : memref<1x128xi32, #tpu.memory_space<vmem>> -> memref<128xi32, #tpu.memory_space<vmem>>
    %dma_start3A_193 = arith.constant 0 : i32
    %dma_start3A_194 = arith.constant 0 : i32
    %dma_start3A_195 = tpu.memref_slice %arg2[%dma_start3A_193, %dma_start3A_194] : memref<802816x16xf32, #tpu.memory_space<hbm>> -> memref<802816x16xf32, #tpu.memory_space<hbm>>
    tpu.enqueue_indirect_dma source(%dma_start3A_195 : memref<802816x16xf32, #tpu.memory_space<hbm>>) target(%dma_start3A_189 : memref<128x16xf32, #tpu.memory_space<vmem>>) offsets(%dma_start3A_192 : memref<128xi32, #tpu.memory_space<vmem>>) semaphore(%arg14 : memref<!tpu.dma_semaphore, #tpu.memory_space<semaphore_mem>>)
    %dma_start3A_196 = arith.constant 11 : i32
    %dma_start3A_197 = arith.constant 1408 : i32
    %dma_start3A_198 = arith.constant 0 : i32
    %dma_start3A_199 = tpu.memref_slice %arg10[%dma_start3A_197, %dma_start3A_198] : memref<2048x16xf32, #tpu.memory_space<vmem>> -> memref<128x16xf32, #tpu.memory_space<vmem>>
    %dma_start3A_200 = arith.constant 0 : i32
    %dma_start3A_201 = tpu.memref_slice %arg6[%dma_start3A_196, %dma_start3A_200] : memref<16x128xi32, #tpu.memory_space<vmem>> -> memref<1x128xi32, #tpu.memory_space<vmem>>
    %dma_start3A_202 = tpu.memref_squeeze %dma_start3A_201 : memref<1x128xi32, #tpu.memory_space<vmem>> -> memref<128xi32, #tpu.memory_space<vmem>>
    %dma_start3A_203 = arith.constant 0 : i32
    %dma_start3A_204 = arith.constant 0 : i32
    %dma_start3A_205 = tpu.memref_slice %arg2[%dma_start3A_203, %dma_start3A_204] : memref<802816x16xf32, #tpu.memory_space<hbm>> -> memref<802816x16xf32, #tpu.memory_space<hbm>>
    tpu.enqueue_indirect_dma source(%dma_start3A_205 : memref<802816x16xf32, #tpu.memory_space<hbm>>) target(%dma_start3A_199 : memref<128x16xf32, #tpu.memory_space<vmem>>) offsets(%dma_start3A_202 : memref<128xi32, #tpu.memory_space<vmem>>) semaphore(%arg14 : memref<!tpu.dma_semaphore, #tpu.memory_space<semaphore_mem>>)
    %dma_start3A_206 = arith.constant 12 : i32
    %dma_start3A_207 = arith.constant 1536 : i32
    %dma_start3A_208 = arith.constant 0 : i32
    %dma_start3A_209 = tpu.memref_slice %arg10[%dma_start3A_207, %dma_start3A_208] : memref<2048x16xf32, #tpu.memory_space<vmem>> -> memref<128x16xf32, #tpu.memory_space<vmem>>
    %dma_start3A_210 = arith.constant 0 : i32
    %dma_start3A_211 = tpu.memref_slice %arg6[%dma_start3A_206, %dma_start3A_210] : memref<16x128xi32, #tpu.memory_space<vmem>> -> memref<1x128xi32, #tpu.memory_space<vmem>>
    %dma_start3A_212 = tpu.memref_squeeze %dma_start3A_211 : memref<1x128xi32, #tpu.memory_space<vmem>> -> memref<128xi32, #tpu.memory_space<vmem>>
    %dma_start3A_213 = arith.constant 0 : i32
    %dma_start3A_214 = arith.constant 0 : i32
    %dma_start3A_215 = tpu.memref_slice %arg2[%dma_start3A_213, %dma_start3A_214] : memref<802816x16xf32, #tpu.memory_space<hbm>> -> memref<802816x16xf32, #tpu.memory_space<hbm>>
    tpu.enqueue_indirect_dma source(%dma_start3A_215 : memref<802816x16xf32, #tpu.memory_space<hbm>>) target(%dma_start3A_209 : memref<128x16xf32, #tpu.memory_space<vmem>>) offsets(%dma_start3A_212 : memref<128xi32, #tpu.memory_space<vmem>>) semaphore(%arg14 : memref<!tpu.dma_semaphore, #tpu.memory_space<semaphore_mem>>)
    %dma_start3A_216 = arith.constant 13 : i32
    %dma_start3A_217 = arith.constant 1664 : i32
    %dma_start3A_218 = arith.constant 0 : i32
    %dma_start3A_219 = tpu.memref_slice %arg10[%dma_start3A_217, %dma_start3A_218] : memref<2048x16xf32, #tpu.memory_space<vmem>> -> memref<128x16xf32, #tpu.memory_space<vmem>>
    %dma_start3A_220 = arith.constant 0 : i32
    %dma_start3A_221 = tpu.memref_slice %arg6[%dma_start3A_216, %dma_start3A_220] : memref<16x128xi32, #tpu.memory_space<vmem>> -> memref<1x128xi32, #tpu.memory_space<vmem>>
    %dma_start3A_222 = tpu.memref_squeeze %dma_start3A_221 : memref<1x128xi32, #tpu.memory_space<vmem>> -> memref<128xi32, #tpu.memory_space<vmem>>
    %dma_start3A_223 = arith.constant 0 : i32
    %dma_start3A_224 = arith.constant 0 : i32
    %dma_start3A_225 = tpu.memref_slice %arg2[%dma_start3A_223, %dma_start3A_224] : memref<802816x16xf32, #tpu.memory_space<hbm>> -> memref<802816x16xf32, #tpu.memory_space<hbm>>
    tpu.enqueue_indirect_dma source(%dma_start3A_225 : memref<802816x16xf32, #tpu.memory_space<hbm>>) target(%dma_start3A_219 : memref<128x16xf32, #tpu.memory_space<vmem>>) offsets(%dma_start3A_222 : memref<128xi32, #tpu.memory_space<vmem>>) semaphore(%arg14 : memref<!tpu.dma_semaphore, #tpu.memory_space<semaphore_mem>>)
    %dma_start3A_226 = arith.constant 14 : i32
    %dma_start3A_227 = arith.constant 1792 : i32
    %dma_start3A_228 = arith.constant 0 : i32
    %dma_start3A_229 = tpu.memref_slice %arg10[%dma_start3A_227, %dma_start3A_228] : memref<2048x16xf32, #tpu.memory_space<vmem>> -> memref<128x16xf32, #tpu.memory_space<vmem>>
    %dma_start3A_230 = arith.constant 0 : i32
    %dma_start3A_231 = tpu.memref_slice %arg6[%dma_start3A_226, %dma_start3A_230] : memref<16x128xi32, #tpu.memory_space<vmem>> -> memref<1x128xi32, #tpu.memory_space<vmem>>
    %dma_start3A_232 = tpu.memref_squeeze %dma_start3A_231 : memref<1x128xi32, #tpu.memory_space<vmem>> -> memref<128xi32, #tpu.memory_space<vmem>>
    %dma_start3A_233 = arith.constant 0 : i32
    %dma_start3A_234 = arith.constant 0 : i32
    %dma_start3A_235 = tpu.memref_slice %arg2[%dma_start3A_233, %dma_start3A_234] : memref<802816x16xf32, #tpu.memory_space<hbm>> -> memref<802816x16xf32, #tpu.memory_space<hbm>>
    tpu.enqueue_indirect_dma source(%dma_start3A_235 : memref<802816x16xf32, #tpu.memory_space<hbm>>) target(%dma_start3A_229 : memref<128x16xf32, #tpu.memory_space<vmem>>) offsets(%dma_start3A_232 : memref<128xi32, #tpu.memory_space<vmem>>) semaphore(%arg14 : memref<!tpu.dma_semaphore, #tpu.memory_space<semaphore_mem>>)
    %dma_start3A_236 = arith.constant 15 : i32
    %dma_start3A_237 = arith.constant 1920 : i32
    %dma_start3A_238 = arith.constant 0 : i32
    %dma_start3A_239 = tpu.memref_slice %arg10[%dma_start3A_237, %dma_start3A_238] : memref<2048x16xf32, #tpu.memory_space<vmem>> -> memref<128x16xf32, #tpu.memory_space<vmem>>
    %dma_start3A_240 = arith.constant 0 : i32
    %dma_start3A_241 = tpu.memref_slice %arg6[%dma_start3A_236, %dma_start3A_240] : memref<16x128xi32, #tpu.memory_space<vmem>> -> memref<1x128xi32, #tpu.memory_space<vmem>>
    %dma_start3A_242 = tpu.memref_squeeze %dma_start3A_241 : memref<1x128xi32, #tpu.memory_space<vmem>> -> memref<128xi32, #tpu.memory_space<vmem>>
    %dma_start3A_243 = arith.constant 0 : i32
    %dma_start3A_244 = arith.constant 0 : i32
    %dma_start3A_245 = tpu.memref_slice %arg2[%dma_start3A_243, %dma_start3A_244] : memref<802816x16xf32, #tpu.memory_space<hbm>> -> memref<802816x16xf32, #tpu.memory_space<hbm>>
    tpu.enqueue_indirect_dma source(%dma_start3A_245 : memref<802816x16xf32, #tpu.memory_space<hbm>>) target(%dma_start3A_239 : memref<128x16xf32, #tpu.memory_space<vmem>>) offsets(%dma_start3A_242 : memref<128xi32, #tpu.memory_space<vmem>>) semaphore(%arg14 : memref<!tpu.dma_semaphore, #tpu.memory_space<semaphore_mem>>)
    %scan3A = arith.constant 0 : i32
    %scan3A_246 = arith.constant 0 : i32
    %scan3A_247 = arith.constant 98 : i32
    %scan3A_248 = arith.addi %scan3A_246, %scan3A_247 : i32
    %scan3A_249 = arith.constant 1 : i32
    %scan3A_250 = scf.for %scan3A_264 = %scan3A_246 to %scan3A_248 step %scan3A_249 iter_args(%scan3A_265 = %scan3A) -> (i32)  : i32 {
      %dma_wait3A_266 = arith.constant 0 : i32
      %dma_wait3A_267 = arith.constant 0 : i32
      %dma_wait3A_268 = tpu.memref_slice %arg3[%dma_wait3A_266, %dma_wait3A_267] : memref<100352x128xi32, #tpu.memory_space<hbm>> -> memref<16x128xi32, #tpu.memory_space<hbm>>
      %dma_wait3A_269 = arith.constant 0 : i32
      %dma_wait3A_270 = arith.constant 0 : i32
      %dma_wait3A_271 = tpu.memref_slice %arg3[%dma_wait3A_269, %dma_wait3A_270] : memref<100352x128xi32, #tpu.memory_space<hbm>> -> memref<16x128xi32, #tpu.memory_space<hbm>>
      tpu.wait_dma2 semaphore(%arg15 : memref<!tpu.dma_semaphore, #tpu.memory_space<semaphore_mem>>) src(%dma_wait3A_271 : memref<16x128xi32, #tpu.memory_space<hbm>>) dst(%arg7 : memref<16x128xi32, #tpu.memory_space<vmem>>)
      %dma_start3A_272 = arith.constant 0 : i32
      %dma_start3A_273 = arith.constant 0 : i32
      %dma_start3A_274 = arith.constant 0 : i32
      %dma_start3A_275 = tpu.memref_slice %arg11[%dma_start3A_273, %dma_start3A_274] : memref<2048x16xf32, #tpu.memory_space<vmem>> -> memref<128x16xf32, #tpu.memory_space<vmem>>
      %dma_start3A_276 = arith.constant 0 : i32
      %dma_start3A_277 = tpu.memref_slice %arg7[%dma_start3A_272, %dma_start3A_276] : memref<16x128xi32, #tpu.memory_space<vmem>> -> memref<1x128xi32, #tpu.memory_space<vmem>>
      %dma_start3A_278 = tpu.memref_squeeze %dma_start3A_277 : memref<1x128xi32, #tpu.memory_space<vmem>> -> memref<128xi32, #tpu.memory_space<vmem>>
      %dma_start3A_279 = arith.constant 0 : i32
      %dma_start3A_280 = arith.constant 0 : i32
      %dma_start3A_281 = tpu.memref_slice %arg2[%dma_start3A_279, %dma_start3A_280] : memref<802816x16xf32, #tpu.memory_space<hbm>> -> memref<802816x16xf32, #tpu.memory_space<hbm>>
      tpu.enqueue_indirect_dma source(%dma_start3A_281 : memref<802816x16xf32, #tpu.memory_space<hbm>>) target(%dma_start3A_275 : memref<128x16xf32, #tpu.memory_space<vmem>>) offsets(%dma_start3A_278 : memref<128xi32, #tpu.memory_space<vmem>>) semaphore(%arg15 : memref<!tpu.dma_semaphore, #tpu.memory_space<semaphore_mem>>)
      %dma_start3A_282 = arith.constant 1 : i32
      %dma_start3A_283 = arith.constant 128 : i32
      %dma_start3A_284 = arith.constant 0 : i32
      %dma_start3A_285 = tpu.memref_slice %arg11[%dma_start3A_283, %dma_start3A_284] : memref<2048x16xf32, #tpu.memory_space<vmem>> -> memref<128x16xf32, #tpu.memory_space<vmem>>
      %dma_start3A_286 = arith.constant 0 : i32
      %dma_start3A_287 = tpu.memref_slice %arg7[%dma_start3A_282, %dma_start3A_286] : memref<16x128xi32, #tpu.memory_space<vmem>> -> memref<1x128xi32, #tpu.memory_space<vmem>>
      %dma_start3A_288 = tpu.memref_squeeze %dma_start3A_287 : memref<1x128xi32, #tpu.memory_space<vmem>> -> memref<128xi32, #tpu.memory_space<vmem>>
      %dma_start3A_289 = arith.constant 0 : i32
      %dma_start3A_290 = arith.constant 0 : i32
      %dma_start3A_291 = tpu.memref_slice %arg2[%dma_start3A_289, %dma_start3A_290] : memref<802816x16xf32, #tpu.memory_space<hbm>> -> memref<802816x16xf32, #tpu.memory_space<hbm>>
      tpu.enqueue_indirect_dma source(%dma_start3A_291 : memref<802816x16xf32, #tpu.memory_space<hbm>>) target(%dma_start3A_285 : memref<128x16xf32, #tpu.memory_space<vmem>>) offsets(%dma_start3A_288 : memref<128xi32, #tpu.memory_space<vmem>>) semaphore(%arg15 : memref<!tpu.dma_semaphore, #tpu.memory_space<semaphore_mem>>)
      %dma_start3A_292 = arith.constant 2 : i32
      %dma_start3A_293 = arith.constant 256 : i32
      %dma_start3A_294 = arith.constant 0 : i32
      %dma_start3A_295 = tpu.memref_slice %arg11[%dma_start3A_293, %dma_start3A_294] : memref<2048x16xf32, #tpu.memory_space<vmem>> -> memref<128x16xf32, #tpu.memory_space<vmem>>
      %dma_start3A_296 = arith.constant 0 : i32
      %dma_start3A_297 = tpu.memref_slice %arg7[%dma_start3A_292, %dma_start3A_296] : memref<16x128xi32, #tpu.memory_space<vmem>> -> memref<1x128xi32, #tpu.memory_space<vmem>>
      %dma_start3A_298 = tpu.memref_squeeze %dma_start3A_297 : memref<1x128xi32, #tpu.memory_space<vmem>> -> memref<128xi32, #tpu.memory_space<vmem>>
      %dma_start3A_299 = arith.constant 0 : i32
      %dma_start3A_300 = arith.constant 0 : i32
      %dma_start3A_301 = tpu.memref_slice %arg2[%dma_start3A_299, %dma_start3A_300] : memref<802816x16xf32, #tpu.memory_space<hbm>> -> memref<802816x16xf32, #tpu.memory_space<hbm>>
      tpu.enqueue_indirect_dma source(%dma_start3A_301 : memref<802816x16xf32, #tpu.memory_space<hbm>>) target(%dma_start3A_295 : memref<128x16xf32, #tpu.memory_space<vmem>>) offsets(%dma_start3A_298 : memref<128xi32, #tpu.memory_space<vmem>>) semaphore(%arg15 : memref<!tpu.dma_semaphore, #tpu.memory_space<semaphore_mem>>)
      %dma_start3A_302 = arith.constant 3 : i32
      %dma_start3A_303 = arith.constant 384 : i32
      %dma_start3A_304 = arith.constant 0 : i32
      %dma_start3A_305 = tpu.memref_slice %arg11[%dma_start3A_303, %dma_start3A_304] : memref<2048x16xf32, #tpu.memory_space<vmem>> -> memref<128x16xf32, #tpu.memory_space<vmem>>
      %dma_start3A_306 = arith.constant 0 : i32
      %dma_start3A_307 = tpu.memref_slice %arg7[%dma_start3A_302, %dma_start3A_306] : memref<16x128xi32, #tpu.memory_space<vmem>> -> memref<1x128xi32, #tpu.memory_space<vmem>>
      %dma_start3A_308 = tpu.memref_squeeze %dma_start3A_307 : memref<1x128xi32, #tpu.memory_space<vmem>> -> memref<128xi32, #tpu.memory_space<vmem>>
      %dma_start3A_309 = arith.constant 0 : i32
      %dma_start3A_310 = arith.constant 0 : i32
      %dma_start3A_311 = tpu.memref_slice %arg2[%dma_start3A_309, %dma_start3A_310] : memref<802816x16xf32, #tpu.memory_space<hbm>> -> memref<802816x16xf32, #tpu.memory_space<hbm>>
      tpu.enqueue_indirect_dma source(%dma_start3A_311 : memref<802816x16xf32, #tpu.memory_space<hbm>>) target(%dma_start3A_305 : memref<128x16xf32, #tpu.memory_space<vmem>>) offsets(%dma_start3A_308 : memref<128xi32, #tpu.memory_space<vmem>>) semaphore(%arg15 : memref<!tpu.dma_semaphore, #tpu.memory_space<semaphore_mem>>)
      %dma_start3A_312 = arith.constant 4 : i32
      %dma_start3A_313 = arith.constant 512 : i32
      %dma_start3A_314 = arith.constant 0 : i32
      %dma_start3A_315 = tpu.memref_slice %arg11[%dma_start3A_313, %dma_start3A_314] : memref<2048x16xf32, #tpu.memory_space<vmem>> -> memref<128x16xf32, #tpu.memory_space<vmem>>
      %dma_start3A_316 = arith.constant 0 : i32
      %dma_start3A_317 = tpu.memref_slice %arg7[%dma_start3A_312, %dma_start3A_316] : memref<16x128xi32, #tpu.memory_space<vmem>> -> memref<1x128xi32, #tpu.memory_space<vmem>>
      %dma_start3A_318 = tpu.memref_squeeze %dma_start3A_317 : memref<1x128xi32, #tpu.memory_space<vmem>> -> memref<128xi32, #tpu.memory_space<vmem>>
      %dma_start3A_319 = arith.constant 0 : i32
      %dma_start3A_320 = arith.constant 0 : i32
      %dma_start3A_321 = tpu.memref_slice %arg2[%dma_start3A_319, %dma_start3A_320] : memref<802816x16xf32, #tpu.memory_space<hbm>> -> memref<802816x16xf32, #tpu.memory_space<hbm>>
      tpu.enqueue_indirect_dma source(%dma_start3A_321 : memref<802816x16xf32, #tpu.memory_space<hbm>>) target(%dma_start3A_315 : memref<128x16xf32, #tpu.memory_space<vmem>>) offsets(%dma_start3A_318 : memref<128xi32, #tpu.memory_space<vmem>>) semaphore(%arg15 : memref<!tpu.dma_semaphore, #tpu.memory_space<semaphore_mem>>)
      %dma_start3A_322 = arith.constant 5 : i32
      %dma_start3A_323 = arith.constant 640 : i32
      %dma_start3A_324 = arith.constant 0 : i32
      %dma_start3A_325 = tpu.memref_slice %arg11[%dma_start3A_323, %dma_start3A_324] : memref<2048x16xf32, #tpu.memory_space<vmem>> -> memref<128x16xf32, #tpu.memory_space<vmem>>
      %dma_start3A_326 = arith.constant 0 : i32
      %dma_start3A_327 = tpu.memref_slice %arg7[%dma_start3A_322, %dma_start3A_326] : memref<16x128xi32, #tpu.memory_space<vmem>> -> memref<1x128xi32, #tpu.memory_space<vmem>>
      %dma_start3A_328 = tpu.memref_squeeze %dma_start3A_327 : memref<1x128xi32, #tpu.memory_space<vmem>> -> memref<128xi32, #tpu.memory_space<vmem>>
      %dma_start3A_329 = arith.constant 0 : i32
      %dma_start3A_330 = arith.constant 0 : i32
      %dma_start3A_331 = tpu.memref_slice %arg2[%dma_start3A_329, %dma_start3A_330] : memref<802816x16xf32, #tpu.memory_space<hbm>> -> memref<802816x16xf32, #tpu.memory_space<hbm>>
      tpu.enqueue_indirect_dma source(%dma_start3A_331 : memref<802816x16xf32, #tpu.memory_space<hbm>>) target(%dma_start3A_325 : memref<128x16xf32, #tpu.memory_space<vmem>>) offsets(%dma_start3A_328 : memref<128xi32, #tpu.memory_space<vmem>>) semaphore(%arg15 : memref<!tpu.dma_semaphore, #tpu.memory_space<semaphore_mem>>)
      %dma_start3A_332 = arith.constant 6 : i32
      %dma_start3A_333 = arith.constant 768 : i32
      %dma_start3A_334 = arith.constant 0 : i32
      %dma_start3A_335 = tpu.memref_slice %arg11[%dma_start3A_333, %dma_start3A_334] : memref<2048x16xf32, #tpu.memory_space<vmem>> -> memref<128x16xf32, #tpu.memory_space<vmem>>
      %dma_start3A_336 = arith.constant 0 : i32
      %dma_start3A_337 = tpu.memref_slice %arg7[%dma_start3A_332, %dma_start3A_336] : memref<16x128xi32, #tpu.memory_space<vmem>> -> memref<1x128xi32, #tpu.memory_space<vmem>>
      %dma_start3A_338 = tpu.memref_squeeze %dma_start3A_337 : memref<1x128xi32, #tpu.memory_space<vmem>> -> memref<128xi32, #tpu.memory_space<vmem>>
      %dma_start3A_339 = arith.constant 0 : i32
      %dma_start3A_340 = arith.constant 0 : i32
      %dma_start3A_341 = tpu.memref_slice %arg2[%dma_start3A_339, %dma_start3A_340] : memref<802816x16xf32, #tpu.memory_space<hbm>> -> memref<802816x16xf32, #tpu.memory_space<hbm>>
      tpu.enqueue_indirect_dma source(%dma_start3A_341 : memref<802816x16xf32, #tpu.memory_space<hbm>>) target(%dma_start3A_335 : memref<128x16xf32, #tpu.memory_space<vmem>>) offsets(%dma_start3A_338 : memref<128xi32, #tpu.memory_space<vmem>>) semaphore(%arg15 : memref<!tpu.dma_semaphore, #tpu.memory_space<semaphore_mem>>)
      %dma_start3A_342 = arith.constant 7 : i32
      %dma_start3A_343 = arith.constant 896 : i32
      %dma_start3A_344 = arith.constant 0 : i32
      %dma_start3A_345 = tpu.memref_slice %arg11[%dma_start3A_343, %dma_start3A_344] : memref<2048x16xf32, #tpu.memory_space<vmem>> -> memref<128x16xf32, #tpu.memory_space<vmem>>
      %dma_start3A_346 = arith.constant 0 : i32
      %dma_start3A_347 = tpu.memref_slice %arg7[%dma_start3A_342, %dma_start3A_346] : memref<16x128xi32, #tpu.memory_space<vmem>> -> memref<1x128xi32, #tpu.memory_space<vmem>>
      %dma_start3A_348 = tpu.memref_squeeze %dma_start3A_347 : memref<1x128xi32, #tpu.memory_space<vmem>> -> memref<128xi32, #tpu.memory_space<vmem>>
      %dma_start3A_349 = arith.constant 0 : i32
      %dma_start3A_350 = arith.constant 0 : i32
      %dma_start3A_351 = tpu.memref_slice %arg2[%dma_start3A_349, %dma_start3A_350] : memref<802816x16xf32, #tpu.memory_space<hbm>> -> memref<802816x16xf32, #tpu.memory_space<hbm>>
      tpu.enqueue_indirect_dma source(%dma_start3A_351 : memref<802816x16xf32, #tpu.memory_space<hbm>>) target(%dma_start3A_345 : memref<128x16xf32, #tpu.memory_space<vmem>>) offsets(%dma_start3A_348 : memref<128xi32, #tpu.memory_space<vmem>>) semaphore(%arg15 : memref<!tpu.dma_semaphore, #tpu.memory_space<semaphore_mem>>)
      %dma_start3A_352 = arith.constant 8 : i32
      %dma_start3A_353 = arith.constant 1024 : i32
      %dma_start3A_354 = arith.constant 0 : i32
      %dma_start3A_355 = tpu.memref_slice %arg11[%dma_start3A_353, %dma_start3A_354] : memref<2048x16xf32, #tpu.memory_space<vmem>> -> memref<128x16xf32, #tpu.memory_space<vmem>>
      %dma_start3A_356 = arith.constant 0 : i32
      %dma_start3A_357 = tpu.memref_slice %arg7[%dma_start3A_352, %dma_start3A_356] : memref<16x128xi32, #tpu.memory_space<vmem>> -> memref<1x128xi32, #tpu.memory_space<vmem>>
      %dma_start3A_358 = tpu.memref_squeeze %dma_start3A_357 : memref<1x128xi32, #tpu.memory_space<vmem>> -> memref<128xi32, #tpu.memory_space<vmem>>
      %dma_start3A_359 = arith.constant 0 : i32
      %dma_start3A_360 = arith.constant 0 : i32
      %dma_start3A_361 = tpu.memref_slice %arg2[%dma_start3A_359, %dma_start3A_360] : memref<802816x16xf32, #tpu.memory_space<hbm>> -> memref<802816x16xf32, #tpu.memory_space<hbm>>
      tpu.enqueue_indirect_dma source(%dma_start3A_361 : memref<802816x16xf32, #tpu.memory_space<hbm>>) target(%dma_start3A_355 : memref<128x16xf32, #tpu.memory_space<vmem>>) offsets(%dma_start3A_358 : memref<128xi32, #tpu.memory_space<vmem>>) semaphore(%arg15 : memref<!tpu.dma_semaphore, #tpu.memory_space<semaphore_mem>>)
      %dma_start3A_362 = arith.constant 9 : i32
      %dma_start3A_363 = arith.constant 1152 : i32
      %dma_start3A_364 = arith.constant 0 : i32
      %dma_start3A_365 = tpu.memref_slice %arg11[%dma_start3A_363, %dma_start3A_364] : memref<2048x16xf32, #tpu.memory_space<vmem>> -> memref<128x16xf32, #tpu.memory_space<vmem>>
      %dma_start3A_366 = arith.constant 0 : i32
      %dma_start3A_367 = tpu.memref_slice %arg7[%dma_start3A_362, %dma_start3A_366] : memref<16x128xi32, #tpu.memory_space<vmem>> -> memref<1x128xi32, #tpu.memory_space<vmem>>
      %dma_start3A_368 = tpu.memref_squeeze %dma_start3A_367 : memref<1x128xi32, #tpu.memory_space<vmem>> -> memref<128xi32, #tpu.memory_space<vmem>>
      %dma_start3A_369 = arith.constant 0 : i32
      %dma_start3A_370 = arith.constant 0 : i32
      %dma_start3A_371 = tpu.memref_slice %arg2[%dma_start3A_369, %dma_start3A_370] : memref<802816x16xf32, #tpu.memory_space<hbm>> -> memref<802816x16xf32, #tpu.memory_space<hbm>>
      tpu.enqueue_indirect_dma source(%dma_start3A_371 : memref<802816x16xf32, #tpu.memory_space<hbm>>) target(%dma_start3A_365 : memref<128x16xf32, #tpu.memory_space<vmem>>) offsets(%dma_start3A_368 : memref<128xi32, #tpu.memory_space<vmem>>) semaphore(%arg15 : memref<!tpu.dma_semaphore, #tpu.memory_space<semaphore_mem>>)
      %dma_start3A_372 = arith.constant 10 : i32
      %dma_start3A_373 = arith.constant 1280 : i32
      %dma_start3A_374 = arith.constant 0 : i32
      %dma_start3A_375 = tpu.memref_slice %arg11[%dma_start3A_373, %dma_start3A_374] : memref<2048x16xf32, #tpu.memory_space<vmem>> -> memref<128x16xf32, #tpu.memory_space<vmem>>
      %dma_start3A_376 = arith.constant 0 : i32
      %dma_start3A_377 = tpu.memref_slice %arg7[%dma_start3A_372, %dma_start3A_376] : memref<16x128xi32, #tpu.memory_space<vmem>> -> memref<1x128xi32, #tpu.memory_space<vmem>>
      %dma_start3A_378 = tpu.memref_squeeze %dma_start3A_377 : memref<1x128xi32, #tpu.memory_space<vmem>> -> memref<128xi32, #tpu.memory_space<vmem>>
      %dma_start3A_379 = arith.constant 0 : i32
      %dma_start3A_380 = arith.constant 0 : i32
      %dma_start3A_381 = tpu.memref_slice %arg2[%dma_start3A_379, %dma_start3A_380] : memref<802816x16xf32, #tpu.memory_space<hbm>> -> memref<802816x16xf32, #tpu.memory_space<hbm>>
      tpu.enqueue_indirect_dma source(%dma_start3A_381 : memref<802816x16xf32, #tpu.memory_space<hbm>>) target(%dma_start3A_375 : memref<128x16xf32, #tpu.memory_space<vmem>>) offsets(%dma_start3A_378 : memref<128xi32, #tpu.memory_space<vmem>>) semaphore(%arg15 : memref<!tpu.dma_semaphore, #tpu.memory_space<semaphore_mem>>)
      %dma_start3A_382 = arith.constant 11 : i32
      %dma_start3A_383 = arith.constant 1408 : i32
      %dma_start3A_384 = arith.constant 0 : i32
      %dma_start3A_385 = tpu.memref_slice %arg11[%dma_start3A_383, %dma_start3A_384] : memref<2048x16xf32, #tpu.memory_space<vmem>> -> memref<128x16xf32, #tpu.memory_space<vmem>>
      %dma_start3A_386 = arith.constant 0 : i32
      %dma_start3A_387 = tpu.memref_slice %arg7[%dma_start3A_382, %dma_start3A_386] : memref<16x128xi32, #tpu.memory_space<vmem>> -> memref<1x128xi32, #tpu.memory_space<vmem>>
      %dma_start3A_388 = tpu.memref_squeeze %dma_start3A_387 : memref<1x128xi32, #tpu.memory_space<vmem>> -> memref<128xi32, #tpu.memory_space<vmem>>
      %dma_start3A_389 = arith.constant 0 : i32
      %dma_start3A_390 = arith.constant 0 : i32
      %dma_start3A_391 = tpu.memref_slice %arg2[%dma_start3A_389, %dma_start3A_390] : memref<802816x16xf32, #tpu.memory_space<hbm>> -> memref<802816x16xf32, #tpu.memory_space<hbm>>
      tpu.enqueue_indirect_dma source(%dma_start3A_391 : memref<802816x16xf32, #tpu.memory_space<hbm>>) target(%dma_start3A_385 : memref<128x16xf32, #tpu.memory_space<vmem>>) offsets(%dma_start3A_388 : memref<128xi32, #tpu.memory_space<vmem>>) semaphore(%arg15 : memref<!tpu.dma_semaphore, #tpu.memory_space<semaphore_mem>>)
      %dma_start3A_392 = arith.constant 12 : i32
      %dma_start3A_393 = arith.constant 1536 : i32
      %dma_start3A_394 = arith.constant 0 : i32
      %dma_start3A_395 = tpu.memref_slice %arg11[%dma_start3A_393, %dma_start3A_394] : memref<2048x16xf32, #tpu.memory_space<vmem>> -> memref<128x16xf32, #tpu.memory_space<vmem>>
      %dma_start3A_396 = arith.constant 0 : i32
      %dma_start3A_397 = tpu.memref_slice %arg7[%dma_start3A_392, %dma_start3A_396] : memref<16x128xi32, #tpu.memory_space<vmem>> -> memref<1x128xi32, #tpu.memory_space<vmem>>
      %dma_start3A_398 = tpu.memref_squeeze %dma_start3A_397 : memref<1x128xi32, #tpu.memory_space<vmem>> -> memref<128xi32, #tpu.memory_space<vmem>>
      %dma_start3A_399 = arith.constant 0 : i32
      %dma_start3A_400 = arith.constant 0 : i32
      %dma_start3A_401 = tpu.memref_slice %arg2[%dma_start3A_399, %dma_start3A_400] : memref<802816x16xf32, #tpu.memory_space<hbm>> -> memref<802816x16xf32, #tpu.memory_space<hbm>>
      tpu.enqueue_indirect_dma source(%dma_start3A_401 : memref<802816x16xf32, #tpu.memory_space<hbm>>) target(%dma_start3A_395 : memref<128x16xf32, #tpu.memory_space<vmem>>) offsets(%dma_start3A_398 : memref<128xi32, #tpu.memory_space<vmem>>) semaphore(%arg15 : memref<!tpu.dma_semaphore, #tpu.memory_space<semaphore_mem>>)
      %dma_start3A_402 = arith.constant 13 : i32
      %dma_start3A_403 = arith.constant 1664 : i32
      %dma_start3A_404 = arith.constant 0 : i32
      %dma_start3A_405 = tpu.memref_slice %arg11[%dma_start3A_403, %dma_start3A_404] : memref<2048x16xf32, #tpu.memory_space<vmem>> -> memref<128x16xf32, #tpu.memory_space<vmem>>
      %dma_start3A_406 = arith.constant 0 : i32
      %dma_start3A_407 = tpu.memref_slice %arg7[%dma_start3A_402, %dma_start3A_406] : memref<16x128xi32, #tpu.memory_space<vmem>> -> memref<1x128xi32, #tpu.memory_space<vmem>>
      %dma_start3A_408 = tpu.memref_squeeze %dma_start3A_407 : memref<1x128xi32, #tpu.memory_space<vmem>> -> memref<128xi32, #tpu.memory_space<vmem>>
      %dma_start3A_409 = arith.constant 0 : i32
      %dma_start3A_410 = arith.constant 0 : i32
      %dma_start3A_411 = tpu.memref_slice %arg2[%dma_start3A_409, %dma_start3A_410] : memref<802816x16xf32, #tpu.memory_space<hbm>> -> memref<802816x16xf32, #tpu.memory_space<hbm>>
      tpu.enqueue_indirect_dma source(%dma_start3A_411 : memref<802816x16xf32, #tpu.memory_space<hbm>>) target(%dma_start3A_405 : memref<128x16xf32, #tpu.memory_space<vmem>>) offsets(%dma_start3A_408 : memref<128xi32, #tpu.memory_space<vmem>>) semaphore(%arg15 : memref<!tpu.dma_semaphore, #tpu.memory_space<semaphore_mem>>)
      %dma_start3A_412 = arith.constant 14 : i32
      %dma_start3A_413 = arith.constant 1792 : i32
      %dma_start3A_414 = arith.constant 0 : i32
      %dma_start3A_415 = tpu.memref_slice %arg11[%dma_start3A_413, %dma_start3A_414] : memref<2048x16xf32, #tpu.memory_space<vmem>> -> memref<128x16xf32, #tpu.memory_space<vmem>>
      %dma_start3A_416 = arith.constant 0 : i32
      %dma_start3A_417 = tpu.memref_slice %arg7[%dma_start3A_412, %dma_start3A_416] : memref<16x128xi32, #tpu.memory_space<vmem>> -> memref<1x128xi32, #tpu.memory_space<vmem>>
      %dma_start3A_418 = tpu.memref_squeeze %dma_start3A_417 : memref<1x128xi32, #tpu.memory_space<vmem>> -> memref<128xi32, #tpu.memory_space<vmem>>
      %dma_start3A_419 = arith.constant 0 : i32
      %dma_start3A_420 = arith.constant 0 : i32
      %dma_start3A_421 = tpu.memref_slice %arg2[%dma_start3A_419, %dma_start3A_420] : memref<802816x16xf32, #tpu.memory_space<hbm>> -> memref<802816x16xf32, #tpu.memory_space<hbm>>
      tpu.enqueue_indirect_dma source(%dma_start3A_421 : memref<802816x16xf32, #tpu.memory_space<hbm>>) target(%dma_start3A_415 : memref<128x16xf32, #tpu.memory_space<vmem>>) offsets(%dma_start3A_418 : memref<128xi32, #tpu.memory_space<vmem>>) semaphore(%arg15 : memref<!tpu.dma_semaphore, #tpu.memory_space<semaphore_mem>>)
      %dma_start3A_422 = arith.constant 15 : i32
      %dma_start3A_423 = arith.constant 1920 : i32
      %dma_start3A_424 = arith.constant 0 : i32
      %dma_start3A_425 = tpu.memref_slice %arg11[%dma_start3A_423, %dma_start3A_424] : memref<2048x16xf32, #tpu.memory_space<vmem>> -> memref<128x16xf32, #tpu.memory_space<vmem>>
      %dma_start3A_426 = arith.constant 0 : i32
      %dma_start3A_427 = tpu.memref_slice %arg7[%dma_start3A_422, %dma_start3A_426] : memref<16x128xi32, #tpu.memory_space<vmem>> -> memref<1x128xi32, #tpu.memory_space<vmem>>
      %dma_start3A_428 = tpu.memref_squeeze %dma_start3A_427 : memref<1x128xi32, #tpu.memory_space<vmem>> -> memref<128xi32, #tpu.memory_space<vmem>>
      %dma_start3A_429 = arith.constant 0 : i32
      %dma_start3A_430 = arith.constant 0 : i32
      %dma_start3A_431 = tpu.memref_slice %arg2[%dma_start3A_429, %dma_start3A_430] : memref<802816x16xf32, #tpu.memory_space<hbm>> -> memref<802816x16xf32, #tpu.memory_space<hbm>>
      tpu.enqueue_indirect_dma source(%dma_start3A_431 : memref<802816x16xf32, #tpu.memory_space<hbm>>) target(%dma_start3A_425 : memref<128x16xf32, #tpu.memory_space<vmem>>) offsets(%dma_start3A_428 : memref<128xi32, #tpu.memory_space<vmem>>) semaphore(%arg15 : memref<!tpu.dma_semaphore, #tpu.memory_space<semaphore_mem>>)
      %mul3A_432 = arith.constant 2 : i32
      %mul3A_433 = arith.muli %mul3A_432, %scan3A_264 : i32
      %mul3A_434 = arith.constant 25088 : i32
      %mul3A_435 = arith.muli %add3A, %mul3A_434 : i32
      %mul3A_436 = arith.constant 128 : i32
      %mul3A_437 = arith.muli %mul3A_433, %mul3A_436 : i32
      %add3A_438 = arith.addi %mul3A_435, %mul3A_437 : i32
      %multiple_of3A_439 = tpu.assume_multiple %add3A_438, 128 : i32
      %dma_wait3A_440 = arith.constant 0 : i32
      %dma_wait3A_441 = arith.constant 0 : i32
      %dma_wait3A_442 = tpu.memref_slice %arg2[%dma_wait3A_440, %dma_wait3A_441] : memref<802816x16xf32, #tpu.memory_space<hbm>> -> memref<2048x16xf32, #tpu.memory_space<hbm>>
      %dma_wait3A_443 = arith.constant 0 : i32
      %dma_wait3A_444 = arith.constant 0 : i32
      %dma_wait3A_445 = tpu.memref_slice %arg2[%dma_wait3A_443, %dma_wait3A_444] : memref<802816x16xf32, #tpu.memory_space<hbm>> -> memref<2048x16xf32, #tpu.memory_space<hbm>>
      tpu.wait_dma2 semaphore(%arg14 : memref<!tpu.dma_semaphore, #tpu.memory_space<semaphore_mem>>) src(%dma_wait3A_445 : memref<2048x16xf32, #tpu.memory_space<hbm>>) dst(%arg10 : memref<2048x16xf32, #tpu.memory_space<vmem>>)
      %dma_wait3A_446 = arith.constant 0 : i32
      %dma_wait3A_447 = arith.constant 0 : i32
      %dma_wait3A_448 = tpu.memref_slice %arg4[%dma_wait3A_446, %dma_wait3A_447] : memref<802816x16xf32, #tpu.memory_space<hbm>> -> memref<128x16xf32, #tpu.memory_space<hbm>>
      %dma_wait3A_449 = arith.constant 0 : i32
      %dma_wait3A_450 = arith.constant 0 : i32
      %dma_wait3A_451 = tpu.memref_slice %arg4[%dma_wait3A_449, %dma_wait3A_450] : memref<802816x16xf32, #tpu.memory_space<hbm>> -> memref<128x16xf32, #tpu.memory_space<hbm>>
      tpu.wait_dma2 semaphore(%arg14 : memref<!tpu.dma_semaphore, #tpu.memory_space<semaphore_mem>>) src(%dma_wait3A_451 : memref<128x16xf32, #tpu.memory_space<hbm>>) dst(%arg8 : memref<128x16xf32, #tpu.memory_space<vmem>>)
      %add3A_452 = arith.constant 2 : i32
      %add3A_453 = arith.addi %mul3A_433, %add3A_452 : i32
      %lt3A = arith.constant 196 : i32
      %lt3A_454 = arith.cmpi slt, %add3A_453, %lt3A : i32
      %convert_element_type3A = arith.extui %lt3A_454 : i1 to i32
      %cond3A = arith.constant 0 : i32
      %cond3A_455 = arith.cmpi ne, %convert_element_type3A, %cond3A : i32
      scf.if %cond3A_455 {
        %add3A_527 = arith.constant 2 : i32
        %add3A_528 = arith.addi %mul3A_433, %add3A_527 : i32
        %mul3A_529 = arith.constant 25088 : i32
        %mul3A_530 = arith.muli %add3A, %mul3A_529 : i32
        %mul3A_531 = arith.constant 128 : i32
        %mul3A_532 = arith.muli %add3A_528, %mul3A_531 : i32
        %add3A_533 = arith.addi %mul3A_530, %mul3A_532 : i32
        %multiple_of3A_534 = tpu.assume_multiple %add3A_533, 128 : i32
        %mul3A_535 = arith.constant 16 : i32
        %mul3A_536 = arith.muli %multiple_of3A_534, %mul3A_535 : i32
        %jit3A_537 = arith.constant 128 : i32
        %div3A_538 = arith.divsi %mul3A_536, %jit3A_537 : i32
        %sign3A_539 = arith.constant 0 : i32
        %sign3A_540 = arith.cmpi sgt, %mul3A_536, %sign3A_539 : i32
        %sign3A_541 = arith.extui %sign3A_540 : i1 to i32
        %sign3A_542 = arith.constant 0 : i32
        %sign3A_543 = arith.cmpi slt, %mul3A_536, %sign3A_542 : i32
        %sign3A_544 = arith.extui %sign3A_543 : i1 to i32
        %sign3A_545 = arith.subi %sign3A_541, %sign3A_544 : i32
        %sign3A_546 = arith.constant 0 : i32
        %sign3A_547 = arith.cmpi sgt, %jit3A_537, %sign3A_546 : i32
        %sign3A_548 = arith.extui %sign3A_547 : i1 to i32
        %sign3A_549 = arith.constant 0 : i32
        %sign3A_550 = arith.cmpi slt, %jit3A_537, %sign3A_549 : i32
        %sign3A_551 = arith.extui %sign3A_550 : i1 to i32
        %sign3A_552 = arith.subi %sign3A_548, %sign3A_551 : i32
        %ne3A_553 = arith.cmpi ne, %sign3A_545, %sign3A_552 : i32
        %rem3A_554 = arith.remsi %mul3A_536, %jit3A_537 : i32
        %ne3A_555 = arith.constant 0 : i32
        %ne3A_556 = arith.cmpi ne, %rem3A_554, %ne3A_555 : i32
        %and3A_557 = arith.andi %ne3A_553, %ne3A_556 : i1
        %sub3A_558 = arith.constant 1 : i32
        %sub3A_559 = arith.subi %div3A_538, %sub3A_558 : i32
        %select_n3A_560 = arith.select %and3A_557, %sub3A_559, %div3A_538 : i32
        %multiple_of3A_561 = tpu.assume_multiple %select_n3A_560, 8 : i32
        %dma_start3A_562 = arith.constant 0 : i32
        %dma_start3A_563 = tpu.memref_slice %arg3[%multiple_of3A_561, %dma_start3A_562] : memref<100352x128xi32, #tpu.memory_space<hbm>> -> memref<16x128xi32, #tpu.memory_space<hbm>>
        %dma_start3A_564 = arith.constant 0 : i32
        %dma_start3A_565 = tpu.memref_slice %arg3[%multiple_of3A_561, %dma_start3A_564] : memref<100352x128xi32, #tpu.memory_space<hbm>> -> memref<16x128xi32, #tpu.memory_space<hbm>>
        tpu.enqueue_dma source(%dma_start3A_565 : memref<16x128xi32, #tpu.memory_space<hbm>>) target(%arg6 : memref<16x128xi32, #tpu.memory_space<vmem>>) target_semaphore(%arg14 : memref<!tpu.dma_semaphore, #tpu.memory_space<semaphore_mem>>)
      } else {
      }
      %ge3A = arith.constant 2 : i32
      %ge3A_456 = arith.cmpi sge, %mul3A_433, %ge3A : i32
      %convert_element_type3A_457 = arith.extui %ge3A_456 : i1 to i32
      %cond3A_458 = arith.constant 0 : i32
      %cond3A_459 = arith.cmpi ne, %convert_element_type3A_457, %cond3A_458 : i32
      scf.if %cond3A_459 {
        %dma_wait3A_527 = arith.constant 0 : i32
        %dma_wait3A_528 = arith.constant 0 : i32
        %dma_wait3A_529 = tpu.memref_slice %arg5[%dma_wait3A_527, %dma_wait3A_528] : memref<802816x16xf32, #tpu.memory_space<hbm>> -> memref<128x16xf32, #tpu.memory_space<hbm>>
        %dma_wait3A_530 = arith.constant 0 : i32
        %dma_wait3A_531 = arith.constant 0 : i32
        %dma_wait3A_532 = tpu.memref_slice %arg5[%dma_wait3A_530, %dma_wait3A_531] : memref<802816x16xf32, #tpu.memory_space<hbm>> -> memref<128x16xf32, #tpu.memory_space<hbm>>
        tpu.wait_dma2 semaphore(%arg16 : memref<!tpu.dma_semaphore, #tpu.memory_space<semaphore_mem>>) src(%arg12 : memref<128x16xf32, #tpu.memory_space<vmem>>) dst(%dma_wait3A_532 : memref<128x16xf32, #tpu.memory_space<hbm>>)
      } else {
      }
      %parallel_loop3A = arith.constant 0 : i32
      %parallel_loop3A_460 = arith.constant 128 : i32
      %parallel_loop3A_461 = arith.constant 1 : i32
      scf.for %parallel_loop3A_527 = %parallel_loop3A to %parallel_loop3A_460 step %parallel_loop3A_461  : i32 {
        %parallel_loop3A_528 = arith.constant 16 : i32
        %parallel_loop3A_529 = arith.muli %parallel_loop3A_527, %parallel_loop3A_528 : i32
        %parallel_loop3A_530 = arith.index_cast %parallel_loop3A_527 : i32 to index
        %parallel_loop3A_531 = arith.constant 0 : index
        %parallel_loop3A_532 = tpu.vector_load %arg8[%parallel_loop3A_530, %parallel_loop3A_531] {strides = array<i32>} : memref<128x16xf32, #tpu.memory_space<vmem>>, vector<1x16xf32>,
        %parallel_loop3A_533 = vector.shape_cast %parallel_loop3A_532 : vector<1x16xf32> to vector<16xf32>
        %parallel_loop3A_534 = arith.constant 0.000000e+00 : f32
        %parallel_loop3A_535 = vector.broadcast %parallel_loop3A_534 : f32 to vector<16xf32>
        %parallel_loop3A_536 = arith.constant 0 : i32
        %parallel_loop3A_537 = vector.broadcast %parallel_loop3A_536 : i32 to vector<16x1xi32>
        %parallel_loop3A_538 = vector.shape_cast %parallel_loop3A_537 : vector<16x1xi32> to vector<16xi32>
        %parallel_loop3A_539 = tpu.dynamic_gather %parallel_loop3A_533[%parallel_loop3A_538] in [0] : vector<16xf32>, vector<16xi32> -> vector<16xf32>
        %parallel_loop3A_540 = arith.constant 0 : i32
        %parallel_loop3A_541 = arith.addi %parallel_loop3A_529, %parallel_loop3A_540 : i32
        %parallel_loop3A_542 = arith.index_cast %parallel_loop3A_541 : i32 to index
        %parallel_loop3A_543 = arith.constant 0 : index
        %parallel_loop3A_544 = tpu.vector_load %arg10[%parallel_loop3A_542, %parallel_loop3A_543] {strides = array<i32>} : memref<2048x16xf32, #tpu.memory_space<vmem>>, vector<1x16xf32>,
        %parallel_loop3A_545 = vector.shape_cast %parallel_loop3A_544 : vector<1x16xf32> to vector<16xf32>
        %parallel_loop3A_546 = arith.mulf %parallel_loop3A_539, %parallel_loop3A_545 : vector<16xf32>
        %parallel_loop3A_547 = arith.addf %parallel_loop3A_535, %parallel_loop3A_546 : vector<16xf32>
        %parallel_loop3A_548 = arith.constant 1 : i32
        %parallel_loop3A_549 = vector.broadcast %parallel_loop3A_548 : i32 to vector<16x1xi32>
        %parallel_loop3A_550 = vector.shape_cast %parallel_loop3A_549 : vector<16x1xi32> to vector<16xi32>
        %parallel_loop3A_551 = tpu.dynamic_gather %parallel_loop3A_533[%parallel_loop3A_550] in [0] : vector<16xf32>, vector<16xi32> -> vector<16xf32>
        %parallel_loop3A_552 = arith.constant 1 : i32
        %parallel_loop3A_553 = arith.addi %parallel_loop3A_529, %parallel_loop3A_552 : i32
        %parallel_loop3A_554 = arith.index_cast %parallel_loop3A_553 : i32 to index
        %parallel_loop3A_555 = arith.constant 0 : index
        %parallel_loop3A_556 = tpu.vector_load %arg10[%parallel_loop3A_554, %parallel_loop3A_555] {strides = array<i32>} : memref<2048x16xf32, #tpu.memory_space<vmem>>, vector<1x16xf32>,
        %parallel_loop3A_557 = vector.shape_cast %parallel_loop3A_556 : vector<1x16xf32> to vector<16xf32>
        %parallel_loop3A_558 = arith.mulf %parallel_loop3A_551, %parallel_loop3A_557 : vector<16xf32>
        %parallel_loop3A_559 = arith.addf %parallel_loop3A_547, %parallel_loop3A_558 : vector<16xf32>
        %parallel_loop3A_560 = arith.constant 2 : i32
        %parallel_loop3A_561 = vector.broadcast %parallel_loop3A_560 : i32 to vector<16x1xi32>
        %parallel_loop3A_562 = vector.shape_cast %parallel_loop3A_561 : vector<16x1xi32> to vector<16xi32>
        %parallel_loop3A_563 = tpu.dynamic_gather %parallel_loop3A_533[%parallel_loop3A_562] in [0] : vector<16xf32>, vector<16xi32> -> vector<16xf32>
        %parallel_loop3A_564 = arith.constant 2 : i32
        %parallel_loop3A_565 = arith.addi %parallel_loop3A_529, %parallel_loop3A_564 : i32
        %parallel_loop3A_566 = arith.index_cast %parallel_loop3A_565 : i32 to index
        %parallel_loop3A_567 = arith.constant 0 : index
        %parallel_loop3A_568 = tpu.vector_load %arg10[%parallel_loop3A_566, %parallel_loop3A_567] {strides = array<i32>} : memref<2048x16xf32, #tpu.memory_space<vmem>>, vector<1x16xf32>,
        %parallel_loop3A_569 = vector.shape_cast %parallel_loop3A_568 : vector<1x16xf32> to vector<16xf32>
        %parallel_loop3A_570 = arith.mulf %parallel_loop3A_563, %parallel_loop3A_569 : vector<16xf32>
        %parallel_loop3A_571 = arith.addf %parallel_loop3A_559, %parallel_loop3A_570 : vector<16xf32>
        %parallel_loop3A_572 = arith.constant 3 : i32
        %parallel_loop3A_573 = vector.broadcast %parallel_loop3A_572 : i32 to vector<16x1xi32>
        %parallel_loop3A_574 = vector.shape_cast %parallel_loop3A_573 : vector<16x1xi32> to vector<16xi32>
        %parallel_loop3A_575 = tpu.dynamic_gather %parallel_loop3A_533[%parallel_loop3A_574] in [0] : vector<16xf32>, vector<16xi32> -> vector<16xf32>
        %parallel_loop3A_576 = arith.constant 3 : i32
        %parallel_loop3A_577 = arith.addi %parallel_loop3A_529, %parallel_loop3A_576 : i32
        %parallel_loop3A_578 = arith.index_cast %parallel_loop3A_577 : i32 to index
        %parallel_loop3A_579 = arith.constant 0 : index
        %parallel_loop3A_580 = tpu.vector_load %arg10[%parallel_loop3A_578, %parallel_loop3A_579] {strides = array<i32>} : memref<2048x16xf32, #tpu.memory_space<vmem>>, vector<1x16xf32>,
        %parallel_loop3A_581 = vector.shape_cast %parallel_loop3A_580 : vector<1x16xf32> to vector<16xf32>
        %parallel_loop3A_582 = arith.mulf %parallel_loop3A_575, %parallel_loop3A_581 : vector<16xf32>
        %parallel_loop3A_583 = arith.addf %parallel_loop3A_571, %parallel_loop3A_582 : vector<16xf32>
        %parallel_loop3A_584 = arith.constant 4 : i32
        %parallel_loop3A_585 = vector.broadcast %parallel_loop3A_584 : i32 to vector<16x1xi32>
        %parallel_loop3A_586 = vector.shape_cast %parallel_loop3A_585 : vector<16x1xi32> to vector<16xi32>
        %parallel_loop3A_587 = tpu.dynamic_gather %parallel_loop3A_533[%parallel_loop3A_586] in [0] : vector<16xf32>, vector<16xi32> -> vector<16xf32>
        %parallel_loop3A_588 = arith.constant 4 : i32
        %parallel_loop3A_589 = arith.addi %parallel_loop3A_529, %parallel_loop3A_588 : i32
        %parallel_loop3A_590 = arith.index_cast %parallel_loop3A_589 : i32 to index
        %parallel_loop3A_591 = arith.constant 0 : index
        %parallel_loop3A_592 = tpu.vector_load %arg10[%parallel_loop3A_590, %parallel_loop3A_591] {strides = array<i32>} : memref<2048x16xf32, #tpu.memory_space<vmem>>, vector<1x16xf32>,
        %parallel_loop3A_593 = vector.shape_cast %parallel_loop3A_592 : vector<1x16xf32> to vector<16xf32>
        %parallel_loop3A_594 = arith.mulf %parallel_loop3A_587, %parallel_loop3A_593 : vector<16xf32>
        %parallel_loop3A_595 = arith.addf %parallel_loop3A_583, %parallel_loop3A_594 : vector<16xf32>
        %parallel_loop3A_596 = arith.constant 5 : i32
        %parallel_loop3A_597 = vector.broadcast %parallel_loop3A_596 : i32 to vector<16x1xi32>
        %parallel_loop3A_598 = vector.shape_cast %parallel_loop3A_597 : vector<16x1xi32> to vector<16xi32>
        %parallel_loop3A_599 = tpu.dynamic_gather %parallel_loop3A_533[%parallel_loop3A_598] in [0] : vector<16xf32>, vector<16xi32> -> vector<16xf32>
        %parallel_loop3A_600 = arith.constant 5 : i32
        %parallel_loop3A_601 = arith.addi %parallel_loop3A_529, %parallel_loop3A_600 : i32
        %parallel_loop3A_602 = arith.index_cast %parallel_loop3A_601 : i32 to index
        %parallel_loop3A_603 = arith.constant 0 : index
        %parallel_loop3A_604 = tpu.vector_load %arg10[%parallel_loop3A_602, %parallel_loop3A_603] {strides = array<i32>} : memref<2048x16xf32, #tpu.memory_space<vmem>>, vector<1x16xf32>,
        %parallel_loop3A_605 = vector.shape_cast %parallel_loop3A_604 : vector<1x16xf32> to vector<16xf32>
        %parallel_loop3A_606 = arith.mulf %parallel_loop3A_599, %parallel_loop3A_605 : vector<16xf32>
        %parallel_loop3A_607 = arith.addf %parallel_loop3A_595, %parallel_loop3A_606 : vector<16xf32>
        %parallel_loop3A_608 = arith.constant 6 : i32
        %parallel_loop3A_609 = vector.broadcast %parallel_loop3A_608 : i32 to vector<16x1xi32>
        %parallel_loop3A_610 = vector.shape_cast %parallel_loop3A_609 : vector<16x1xi32> to vector<16xi32>
        %parallel_loop3A_611 = tpu.dynamic_gather %parallel_loop3A_533[%parallel_loop3A_610] in [0] : vector<16xf32>, vector<16xi32> -> vector<16xf32>
        %parallel_loop3A_612 = arith.constant 6 : i32
        %parallel_loop3A_613 = arith.addi %parallel_loop3A_529, %parallel_loop3A_612 : i32
        %parallel_loop3A_614 = arith.index_cast %parallel_loop3A_613 : i32 to index
        %parallel_loop3A_615 = arith.constant 0 : index
        %parallel_loop3A_616 = tpu.vector_load %arg10[%parallel_loop3A_614, %parallel_loop3A_615] {strides = array<i32>} : memref<2048x16xf32, #tpu.memory_space<vmem>>, vector<1x16xf32>,
        %parallel_loop3A_617 = vector.shape_cast %parallel_loop3A_616 : vector<1x16xf32> to vector<16xf32>
        %parallel_loop3A_618 = arith.mulf %parallel_loop3A_611, %parallel_loop3A_617 : vector<16xf32>
        %parallel_loop3A_619 = arith.addf %parallel_loop3A_607, %parallel_loop3A_618 : vector<16xf32>
        %parallel_loop3A_620 = arith.constant 7 : i32
        %parallel_loop3A_621 = vector.broadcast %parallel_loop3A_620 : i32 to vector<16x1xi32>
        %parallel_loop3A_622 = vector.shape_cast %parallel_loop3A_621 : vector<16x1xi32> to vector<16xi32>
        %parallel_loop3A_623 = tpu.dynamic_gather %parallel_loop3A_533[%parallel_loop3A_622] in [0] : vector<16xf32>, vector<16xi32> -> vector<16xf32>
        %parallel_loop3A_624 = arith.constant 7 : i32
        %parallel_loop3A_625 = arith.addi %parallel_loop3A_529, %parallel_loop3A_624 : i32
        %parallel_loop3A_626 = arith.index_cast %parallel_loop3A_625 : i32 to index
        %parallel_loop3A_627 = arith.constant 0 : index
        %parallel_loop3A_628 = tpu.vector_load %arg10[%parallel_loop3A_626, %parallel_loop3A_627] {strides = array<i32>} : memref<2048x16xf32, #tpu.memory_space<vmem>>, vector<1x16xf32>,
        %parallel_loop3A_629 = vector.shape_cast %parallel_loop3A_628 : vector<1x16xf32> to vector<16xf32>
        %parallel_loop3A_630 = arith.mulf %parallel_loop3A_623, %parallel_loop3A_629 : vector<16xf32>
        %parallel_loop3A_631 = arith.addf %parallel_loop3A_619, %parallel_loop3A_630 : vector<16xf32>
        %parallel_loop3A_632 = arith.constant 8 : i32
        %parallel_loop3A_633 = vector.broadcast %parallel_loop3A_632 : i32 to vector<16x1xi32>
        %parallel_loop3A_634 = vector.shape_cast %parallel_loop3A_633 : vector<16x1xi32> to vector<16xi32>
        %parallel_loop3A_635 = tpu.dynamic_gather %parallel_loop3A_533[%parallel_loop3A_634] in [0] : vector<16xf32>, vector<16xi32> -> vector<16xf32>
        %parallel_loop3A_636 = arith.constant 8 : i32
        %parallel_loop3A_637 = arith.addi %parallel_loop3A_529, %parallel_loop3A_636 : i32
        %parallel_loop3A_638 = arith.index_cast %parallel_loop3A_637 : i32 to index
        %parallel_loop3A_639 = arith.constant 0 : index
        %parallel_loop3A_640 = tpu.vector_load %arg10[%parallel_loop3A_638, %parallel_loop3A_639] {strides = array<i32>} : memref<2048x16xf32, #tpu.memory_space<vmem>>, vector<1x16xf32>,
        %parallel_loop3A_641 = vector.shape_cast %parallel_loop3A_640 : vector<1x16xf32> to vector<16xf32>
        %parallel_loop3A_642 = arith.mulf %parallel_loop3A_635, %parallel_loop3A_641 : vector<16xf32>
        %parallel_loop3A_643 = arith.addf %parallel_loop3A_631, %parallel_loop3A_642 : vector<16xf32>
        %parallel_loop3A_644 = arith.constant 9 : i32
        %parallel_loop3A_645 = vector.broadcast %parallel_loop3A_644 : i32 to vector<16x1xi32>
        %parallel_loop3A_646 = vector.shape_cast %parallel_loop3A_645 : vector<16x1xi32> to vector<16xi32>
        %parallel_loop3A_647 = tpu.dynamic_gather %parallel_loop3A_533[%parallel_loop3A_646] in [0] : vector<16xf32>, vector<16xi32> -> vector<16xf32>
        %parallel_loop3A_648 = arith.constant 9 : i32
        %parallel_loop3A_649 = arith.addi %parallel_loop3A_529, %parallel_loop3A_648 : i32
        %parallel_loop3A_650 = arith.index_cast %parallel_loop3A_649 : i32 to index
        %parallel_loop3A_651 = arith.constant 0 : index
        %parallel_loop3A_652 = tpu.vector_load %arg10[%parallel_loop3A_650, %parallel_loop3A_651] {strides = array<i32>} : memref<2048x16xf32, #tpu.memory_space<vmem>>, vector<1x16xf32>,
        %parallel_loop3A_653 = vector.shape_cast %parallel_loop3A_652 : vector<1x16xf32> to vector<16xf32>
        %parallel_loop3A_654 = arith.mulf %parallel_loop3A_647, %parallel_loop3A_653 : vector<16xf32>
        %parallel_loop3A_655 = arith.addf %parallel_loop3A_643, %parallel_loop3A_654 : vector<16xf32>
        %parallel_loop3A_656 = arith.constant 10 : i32
        %parallel_loop3A_657 = vector.broadcast %parallel_loop3A_656 : i32 to vector<16x1xi32>
        %parallel_loop3A_658 = vector.shape_cast %parallel_loop3A_657 : vector<16x1xi32> to vector<16xi32>
        %parallel_loop3A_659 = tpu.dynamic_gather %parallel_loop3A_533[%parallel_loop3A_658] in [0] : vector<16xf32>, vector<16xi32> -> vector<16xf32>
        %parallel_loop3A_660 = arith.constant 10 : i32
        %parallel_loop3A_661 = arith.addi %parallel_loop3A_529, %parallel_loop3A_660 : i32
        %parallel_loop3A_662 = arith.index_cast %parallel_loop3A_661 : i32 to index
        %parallel_loop3A_663 = arith.constant 0 : index
        %parallel_loop3A_664 = tpu.vector_load %arg10[%parallel_loop3A_662, %parallel_loop3A_663] {strides = array<i32>} : memref<2048x16xf32, #tpu.memory_space<vmem>>, vector<1x16xf32>,
        %parallel_loop3A_665 = vector.shape_cast %parallel_loop3A_664 : vector<1x16xf32> to vector<16xf32>
        %parallel_loop3A_666 = arith.mulf %parallel_loop3A_659, %parallel_loop3A_665 : vector<16xf32>
        %parallel_loop3A_667 = arith.addf %parallel_loop3A_655, %parallel_loop3A_666 : vector<16xf32>
        %parallel_loop3A_668 = arith.constant 11 : i32
        %parallel_loop3A_669 = vector.broadcast %parallel_loop3A_668 : i32 to vector<16x1xi32>
        %parallel_loop3A_670 = vector.shape_cast %parallel_loop3A_669 : vector<16x1xi32> to vector<16xi32>
        %parallel_loop3A_671 = tpu.dynamic_gather %parallel_loop3A_533[%parallel_loop3A_670] in [0] : vector<16xf32>, vector<16xi32> -> vector<16xf32>
        %parallel_loop3A_672 = arith.constant 11 : i32
        %parallel_loop3A_673 = arith.addi %parallel_loop3A_529, %parallel_loop3A_672 : i32
        %parallel_loop3A_674 = arith.index_cast %parallel_loop3A_673 : i32 to index
        %parallel_loop3A_675 = arith.constant 0 : index
        %parallel_loop3A_676 = tpu.vector_load %arg10[%parallel_loop3A_674, %parallel_loop3A_675] {strides = array<i32>} : memref<2048x16xf32, #tpu.memory_space<vmem>>, vector<1x16xf32>,
        %parallel_loop3A_677 = vector.shape_cast %parallel_loop3A_676 : vector<1x16xf32> to vector<16xf32>
        %parallel_loop3A_678 = arith.mulf %parallel_loop3A_671, %parallel_loop3A_677 : vector<16xf32>
        %parallel_loop3A_679 = arith.addf %parallel_loop3A_667, %parallel_loop3A_678 : vector<16xf32>
        %parallel_loop3A_680 = arith.constant 12 : i32
        %parallel_loop3A_681 = vector.broadcast %parallel_loop3A_680 : i32 to vector<16x1xi32>
        %parallel_loop3A_682 = vector.shape_cast %parallel_loop3A_681 : vector<16x1xi32> to vector<16xi32>
        %parallel_loop3A_683 = tpu.dynamic_gather %parallel_loop3A_533[%parallel_loop3A_682] in [0] : vector<16xf32>, vector<16xi32> -> vector<16xf32>
        %parallel_loop3A_684 = arith.constant 12 : i32
        %parallel_loop3A_685 = arith.addi %parallel_loop3A_529, %parallel_loop3A_684 : i32
        %parallel_loop3A_686 = arith.index_cast %parallel_loop3A_685 : i32 to index
        %parallel_loop3A_687 = arith.constant 0 : index
        %parallel_loop3A_688 = tpu.vector_load %arg10[%parallel_loop3A_686, %parallel_loop3A_687] {strides = array<i32>} : memref<2048x16xf32, #tpu.memory_space<vmem>>, vector<1x16xf32>,
        %parallel_loop3A_689 = vector.shape_cast %parallel_loop3A_688 : vector<1x16xf32> to vector<16xf32>
        %parallel_loop3A_690 = arith.mulf %parallel_loop3A_683, %parallel_loop3A_689 : vector<16xf32>
        %parallel_loop3A_691 = arith.addf %parallel_loop3A_679, %parallel_loop3A_690 : vector<16xf32>
        %parallel_loop3A_692 = arith.constant 13 : i32
        %parallel_loop3A_693 = vector.broadcast %parallel_loop3A_692 : i32 to vector<16x1xi32>
        %parallel_loop3A_694 = vector.shape_cast %parallel_loop3A_693 : vector<16x1xi32> to vector<16xi32>
        %parallel_loop3A_695 = tpu.dynamic_gather %parallel_loop3A_533[%parallel_loop3A_694] in [0] : vector<16xf32>, vector<16xi32> -> vector<16xf32>
        %parallel_loop3A_696 = arith.constant 13 : i32
        %parallel_loop3A_697 = arith.addi %parallel_loop3A_529, %parallel_loop3A_696 : i32
        %parallel_loop3A_698 = arith.index_cast %parallel_loop3A_697 : i32 to index
        %parallel_loop3A_699 = arith.constant 0 : index
        %parallel_loop3A_700 = tpu.vector_load %arg10[%parallel_loop3A_698, %parallel_loop3A_699] {strides = array<i32>} : memref<2048x16xf32, #tpu.memory_space<vmem>>, vector<1x16xf32>,
        %parallel_loop3A_701 = vector.shape_cast %parallel_loop3A_700 : vector<1x16xf32> to vector<16xf32>
        %parallel_loop3A_702 = arith.mulf %parallel_loop3A_695, %parallel_loop3A_701 : vector<16xf32>
        %parallel_loop3A_703 = arith.addf %parallel_loop3A_691, %parallel_loop3A_702 : vector<16xf32>
        %parallel_loop3A_704 = arith.constant 14 : i32
        %parallel_loop3A_705 = vector.broadcast %parallel_loop3A_704 : i32 to vector<16x1xi32>
        %parallel_loop3A_706 = vector.shape_cast %parallel_loop3A_705 : vector<16x1xi32> to vector<16xi32>
        %parallel_loop3A_707 = tpu.dynamic_gather %parallel_loop3A_533[%parallel_loop3A_706] in [0] : vector<16xf32>, vector<16xi32> -> vector<16xf32>
        %parallel_loop3A_708 = arith.constant 14 : i32
        %parallel_loop3A_709 = arith.addi %parallel_loop3A_529, %parallel_loop3A_708 : i32
        %parallel_loop3A_710 = arith.index_cast %parallel_loop3A_709 : i32 to index
        %parallel_loop3A_711 = arith.constant 0 : index
        %parallel_loop3A_712 = tpu.vector_load %arg10[%parallel_loop3A_710, %parallel_loop3A_711] {strides = array<i32>} : memref<2048x16xf32, #tpu.memory_space<vmem>>, vector<1x16xf32>,
        %parallel_loop3A_713 = vector.shape_cast %parallel_loop3A_712 : vector<1x16xf32> to vector<16xf32>
        %parallel_loop3A_714 = arith.mulf %parallel_loop3A_707, %parallel_loop3A_713 : vector<16xf32>
        %parallel_loop3A_715 = arith.addf %parallel_loop3A_703, %parallel_loop3A_714 : vector<16xf32>
        %parallel_loop3A_716 = arith.constant 15 : i32
        %parallel_loop3A_717 = vector.broadcast %parallel_loop3A_716 : i32 to vector<16x1xi32>
        %parallel_loop3A_718 = vector.shape_cast %parallel_loop3A_717 : vector<16x1xi32> to vector<16xi32>
        %parallel_loop3A_719 = tpu.dynamic_gather %parallel_loop3A_533[%parallel_loop3A_718] in [0] : vector<16xf32>, vector<16xi32> -> vector<16xf32>
        %parallel_loop3A_720 = arith.constant 15 : i32
        %parallel_loop3A_721 = arith.addi %parallel_loop3A_529, %parallel_loop3A_720 : i32
        %parallel_loop3A_722 = arith.index_cast %parallel_loop3A_721 : i32 to index
        %parallel_loop3A_723 = arith.constant 0 : index
        %parallel_loop3A_724 = tpu.vector_load %arg10[%parallel_loop3A_722, %parallel_loop3A_723] {strides = array<i32>} : memref<2048x16xf32, #tpu.memory_space<vmem>>, vector<1x16xf32>,
        %parallel_loop3A_725 = vector.shape_cast %parallel_loop3A_724 : vector<1x16xf32> to vector<16xf32>
        %parallel_loop3A_726 = arith.mulf %parallel_loop3A_719, %parallel_loop3A_725 : vector<16xf32>
        %parallel_loop3A_727 = arith.addf %parallel_loop3A_715, %parallel_loop3A_726 : vector<16xf32>
        %parallel_loop3A_728 = arith.index_cast %parallel_loop3A_527 : i32 to index
        %parallel_loop3A_729 = arith.constant 0 : index
        %parallel_loop3A_730 = tpu.vector_load %arg12[%parallel_loop3A_728, %parallel_loop3A_729] {strides = array<i32>} : memref<128x16xf32, #tpu.memory_space<vmem>>, vector<1x16xf32>,
        %parallel_loop3A_731 = vector.shape_cast %parallel_loop3A_730 : vector<1x16xf32> to vector<16xf32>
        %parallel_loop3A_732 = vector.shape_cast %parallel_loop3A_727 : vector<16xf32> to vector<1x16xf32>
        tpu.vector_store %arg12[%parallel_loop3A_728, %parallel_loop3A_729], %parallel_loop3A_732 {strides = array<i32>} : memref<128x16xf32, #tpu.memory_space<vmem>>, vector<1x16xf32>,
      } {sc.loop_unroll_factor = 16 : i64, sc.parallel_access}
      %add3A_462 = arith.constant 2 : i32
      %add3A_463 = arith.addi %mul3A_433, %add3A_462 : i32
      %lt3A_464 = arith.constant 196 : i32
      %lt3A_465 = arith.cmpi slt, %add3A_463, %lt3A_464 : i32
      %convert_element_type3A_466 = arith.extui %lt3A_465 : i1 to i32
      %cond3A_467 = arith.constant 0 : i32
      %cond3A_468 = arith.cmpi ne, %convert_element_type3A_466, %cond3A_467 : i32
      scf.if %cond3A_468 {
        %add3A_527 = arith.constant 2 : i32
        %add3A_528 = arith.addi %mul3A_433, %add3A_527 : i32
        %mul3A_529 = arith.constant 25088 : i32
        %mul3A_530 = arith.muli %add3A, %mul3A_529 : i32
        %mul3A_531 = arith.constant 128 : i32
        %mul3A_532 = arith.muli %add3A_528, %mul3A_531 : i32
        %add3A_533 = arith.addi %mul3A_530, %mul3A_532 : i32
        %multiple_of3A_534 = tpu.assume_multiple %add3A_533, 128 : i32
        %dma_start3A_535 = arith.constant 0 : i32
        %dma_start3A_536 = tpu.memref_slice %arg4[%multiple_of3A_534, %dma_start3A_535] : memref<802816x16xf32, #tpu.memory_space<hbm>> -> memref<128x16xf32, #tpu.memory_space<hbm>>
        %dma_start3A_537 = arith.constant 0 : i32
        %dma_start3A_538 = tpu.memref_slice %arg4[%multiple_of3A_534, %dma_start3A_537] : memref<802816x16xf32, #tpu.memory_space<hbm>> -> memref<128x16xf32, #tpu.memory_space<hbm>>
        tpu.enqueue_dma source(%dma_start3A_538 : memref<128x16xf32, #tpu.memory_space<hbm>>) target(%arg8 : memref<128x16xf32, #tpu.memory_space<vmem>>) target_semaphore(%arg14 : memref<!tpu.dma_semaphore, #tpu.memory_space<semaphore_mem>>)
      } else {
      }
      %dma_start3A_469 = arith.constant 0 : i32
      %dma_start3A_470 = tpu.memref_slice %arg5[%multiple_of3A_439, %dma_start3A_469] : memref<802816x16xf32, #tpu.memory_space<hbm>> -> memref<128x16xf32, #tpu.memory_space<hbm>>
      %dma_start3A_471 = arith.constant 0 : i32
      %dma_start3A_472 = tpu.memref_slice %arg5[%multiple_of3A_439, %dma_start3A_471] : memref<802816x16xf32, #tpu.memory_space<hbm>> -> memref<128x16xf32, #tpu.memory_space<hbm>>
      tpu.enqueue_dma source(%arg12 : memref<128x16xf32, #tpu.memory_space<vmem>>) target(%dma_start3A_472 : memref<128x16xf32, #tpu.memory_space<hbm>>) target_semaphore(%arg16 : memref<!tpu.dma_semaphore, #tpu.memory_space<semaphore_mem>>)
      %lt3A_473 = arith.constant 97 : i32
      %lt3A_474 = arith.cmpi slt, %scan3A_264, %lt3A_473 : i32
      %convert_element_type3A_475 = arith.extui %lt3A_474 : i1 to i32
      %cond3A_476 = arith.constant 0 : i32
      %cond3A_477 = arith.cmpi ne, %convert_element_type3A_475, %cond3A_476 : i32
      scf.if %cond3A_477 {
        %dma_wait3A_527 = arith.constant 0 : i32
        %dma_wait3A_528 = arith.constant 0 : i32
        %dma_wait3A_529 = tpu.memref_slice %arg3[%dma_wait3A_527, %dma_wait3A_528] : memref<100352x128xi32, #tpu.memory_space<hbm>> -> memref<16x128xi32, #tpu.memory_space<hbm>>
        %dma_wait3A_530 = arith.constant 0 : i32
        %dma_wait3A_531 = arith.constant 0 : i32
        %dma_wait3A_532 = tpu.memref_slice %arg3[%dma_wait3A_530, %dma_wait3A_531] : memref<100352x128xi32, #tpu.memory_space<hbm>> -> memref<16x128xi32, #tpu.memory_space<hbm>>
        tpu.wait_dma2 semaphore(%arg14 : memref<!tpu.dma_semaphore, #tpu.memory_space<semaphore_mem>>) src(%dma_wait3A_532 : memref<16x128xi32, #tpu.memory_space<hbm>>) dst(%arg6 : memref<16x128xi32, #tpu.memory_space<vmem>>)
        %dma_start3A_533 = arith.constant 0 : i32
        %dma_start3A_534 = arith.constant 0 : i32
        %dma_start3A_535 = arith.constant 0 : i32
        %dma_start3A_536 = tpu.memref_slice %arg10[%dma_start3A_534, %dma_start3A_535] : memref<2048x16xf32, #tpu.memory_space<vmem>> -> memref<128x16xf32, #tpu.memory_space<vmem>>
        %dma_start3A_537 = arith.constant 0 : i32
        %dma_start3A_538 = tpu.memref_slice %arg6[%dma_start3A_533, %dma_start3A_537] : memref<16x128xi32, #tpu.memory_space<vmem>> -> memref<1x128xi32, #tpu.memory_space<vmem>>
        %dma_start3A_539 = tpu.memref_squeeze %dma_start3A_538 : memref<1x128xi32, #tpu.memory_space<vmem>> -> memref<128xi32, #tpu.memory_space<vmem>>
        %dma_start3A_540 = arith.constant 0 : i32
        %dma_start3A_541 = arith.constant 0 : i32
        %dma_start3A_542 = tpu.memref_slice %arg2[%dma_start3A_540, %dma_start3A_541] : memref<802816x16xf32, #tpu.memory_space<hbm>> -> memref<802816x16xf32, #tpu.memory_space<hbm>>
        tpu.enqueue_indirect_dma source(%dma_start3A_542 : memref<802816x16xf32, #tpu.memory_space<hbm>>) target(%dma_start3A_536 : memref<128x16xf32, #tpu.memory_space<vmem>>) offsets(%dma_start3A_539 : memref<128xi32, #tpu.memory_space<vmem>>) semaphore(%arg14 : memref<!tpu.dma_semaphore, #tpu.memory_space<semaphore_mem>>)
        %dma_start3A_543 = arith.constant 1 : i32
        %dma_start3A_544 = arith.constant 128 : i32
        %dma_start3A_545 = arith.constant 0 : i32
        %dma_start3A_546 = tpu.memref_slice %arg10[%dma_start3A_544, %dma_start3A_545] : memref<2048x16xf32, #tpu.memory_space<vmem>> -> memref<128x16xf32, #tpu.memory_space<vmem>>
        %dma_start3A_547 = arith.constant 0 : i32
        %dma_start3A_548 = tpu.memref_slice %arg6[%dma_start3A_543, %dma_start3A_547] : memref<16x128xi32, #tpu.memory_space<vmem>> -> memref<1x128xi32, #tpu.memory_space<vmem>>
        %dma_start3A_549 = tpu.memref_squeeze %dma_start3A_548 : memref<1x128xi32, #tpu.memory_space<vmem>> -> memref<128xi32, #tpu.memory_space<vmem>>
        %dma_start3A_550 = arith.constant 0 : i32
        %dma_start3A_551 = arith.constant 0 : i32
        %dma_start3A_552 = tpu.memref_slice %arg2[%dma_start3A_550, %dma_start3A_551] : memref<802816x16xf32, #tpu.memory_space<hbm>> -> memref<802816x16xf32, #tpu.memory_space<hbm>>
        tpu.enqueue_indirect_dma source(%dma_start3A_552 : memref<802816x16xf32, #tpu.memory_space<hbm>>) target(%dma_start3A_546 : memref<128x16xf32, #tpu.memory_space<vmem>>) offsets(%dma_start3A_549 : memref<128xi32, #tpu.memory_space<vmem>>) semaphore(%arg14 : memref<!tpu.dma_semaphore, #tpu.memory_space<semaphore_mem>>)
        %dma_start3A_553 = arith.constant 2 : i32
        %dma_start3A_554 = arith.constant 256 : i32
        %dma_start3A_555 = arith.constant 0 : i32
        %dma_start3A_556 = tpu.memref_slice %arg10[%dma_start3A_554, %dma_start3A_555] : memref<2048x16xf32, #tpu.memory_space<vmem>> -> memref<128x16xf32, #tpu.memory_space<vmem>>
        %dma_start3A_557 = arith.constant 0 : i32
        %dma_start3A_558 = tpu.memref_slice %arg6[%dma_start3A_553, %dma_start3A_557] : memref<16x128xi32, #tpu.memory_space<vmem>> -> memref<1x128xi32, #tpu.memory_space<vmem>>
        %dma_start3A_559 = tpu.memref_squeeze %dma_start3A_558 : memref<1x128xi32, #tpu.memory_space<vmem>> -> memref<128xi32, #tpu.memory_space<vmem>>
        %dma_start3A_560 = arith.constant 0 : i32
        %dma_start3A_561 = arith.constant 0 : i32
        %dma_start3A_562 = tpu.memref_slice %arg2[%dma_start3A_560, %dma_start3A_561] : memref<802816x16xf32, #tpu.memory_space<hbm>> -> memref<802816x16xf32, #tpu.memory_space<hbm>>
        tpu.enqueue_indirect_dma source(%dma_start3A_562 : memref<802816x16xf32, #tpu.memory_space<hbm>>) target(%dma_start3A_556 : memref<128x16xf32, #tpu.memory_space<vmem>>) offsets(%dma_start3A_559 : memref<128xi32, #tpu.memory_space<vmem>>) semaphore(%arg14 : memref<!tpu.dma_semaphore, #tpu.memory_space<semaphore_mem>>)
        %dma_start3A_563 = arith.constant 3 : i32
        %dma_start3A_564 = arith.constant 384 : i32
        %dma_start3A_565 = arith.constant 0 : i32
        %dma_start3A_566 = tpu.memref_slice %arg10[%dma_start3A_564, %dma_start3A_565] : memref<2048x16xf32, #tpu.memory_space<vmem>> -> memref<128x16xf32, #tpu.memory_space<vmem>>
        %dma_start3A_567 = arith.constant 0 : i32
        %dma_start3A_568 = tpu.memref_slice %arg6[%dma_start3A_563, %dma_start3A_567] : memref<16x128xi32, #tpu.memory_space<vmem>> -> memref<1x128xi32, #tpu.memory_space<vmem>>
        %dma_start3A_569 = tpu.memref_squeeze %dma_start3A_568 : memref<1x128xi32, #tpu.memory_space<vmem>> -> memref<128xi32, #tpu.memory_space<vmem>>
        %dma_start3A_570 = arith.constant 0 : i32
        %dma_start3A_571 = arith.constant 0 : i32
        %dma_start3A_572 = tpu.memref_slice %arg2[%dma_start3A_570, %dma_start3A_571] : memref<802816x16xf32, #tpu.memory_space<hbm>> -> memref<802816x16xf32, #tpu.memory_space<hbm>>
        tpu.enqueue_indirect_dma source(%dma_start3A_572 : memref<802816x16xf32, #tpu.memory_space<hbm>>) target(%dma_start3A_566 : memref<128x16xf32, #tpu.memory_space<vmem>>) offsets(%dma_start3A_569 : memref<128xi32, #tpu.memory_space<vmem>>) semaphore(%arg14 : memref<!tpu.dma_semaphore, #tpu.memory_space<semaphore_mem>>)
        %dma_start3A_573 = arith.constant 4 : i32
        %dma_start3A_574 = arith.constant 512 : i32
        %dma_start3A_575 = arith.constant 0 : i32
        %dma_start3A_576 = tpu.memref_slice %arg10[%dma_start3A_574, %dma_start3A_575] : memref<2048x16xf32, #tpu.memory_space<vmem>> -> memref<128x16xf32, #tpu.memory_space<vmem>>
        %dma_start3A_577 = arith.constant 0 : i32
        %dma_start3A_578 = tpu.memref_slice %arg6[%dma_start3A_573, %dma_start3A_577] : memref<16x128xi32, #tpu.memory_space<vmem>> -> memref<1x128xi32, #tpu.memory_space<vmem>>
        %dma_start3A_579 = tpu.memref_squeeze %dma_start3A_578 : memref<1x128xi32, #tpu.memory_space<vmem>> -> memref<128xi32, #tpu.memory_space<vmem>>
        %dma_start3A_580 = arith.constant 0 : i32
        %dma_start3A_581 = arith.constant 0 : i32
        %dma_start3A_582 = tpu.memref_slice %arg2[%dma_start3A_580, %dma_start3A_581] : memref<802816x16xf32, #tpu.memory_space<hbm>> -> memref<802816x16xf32, #tpu.memory_space<hbm>>
        tpu.enqueue_indirect_dma source(%dma_start3A_582 : memref<802816x16xf32, #tpu.memory_space<hbm>>) target(%dma_start3A_576 : memref<128x16xf32, #tpu.memory_space<vmem>>) offsets(%dma_start3A_579 : memref<128xi32, #tpu.memory_space<vmem>>) semaphore(%arg14 : memref<!tpu.dma_semaphore, #tpu.memory_space<semaphore_mem>>)
        %dma_start3A_583 = arith.constant 5 : i32
        %dma_start3A_584 = arith.constant 640 : i32
        %dma_start3A_585 = arith.constant 0 : i32
        %dma_start3A_586 = tpu.memref_slice %arg10[%dma_start3A_584, %dma_start3A_585] : memref<2048x16xf32, #tpu.memory_space<vmem>> -> memref<128x16xf32, #tpu.memory_space<vmem>>
        %dma_start3A_587 = arith.constant 0 : i32
        %dma_start3A_588 = tpu.memref_slice %arg6[%dma_start3A_583, %dma_start3A_587] : memref<16x128xi32, #tpu.memory_space<vmem>> -> memref<1x128xi32, #tpu.memory_space<vmem>>
        %dma_start3A_589 = tpu.memref_squeeze %dma_start3A_588 : memref<1x128xi32, #tpu.memory_space<vmem>> -> memref<128xi32, #tpu.memory_space<vmem>>
        %dma_start3A_590 = arith.constant 0 : i32
        %dma_start3A_591 = arith.constant 0 : i32
        %dma_start3A_592 = tpu.memref_slice %arg2[%dma_start3A_590, %dma_start3A_591] : memref<802816x16xf32, #tpu.memory_space<hbm>> -> memref<802816x16xf32, #tpu.memory_space<hbm>>
        tpu.enqueue_indirect_dma source(%dma_start3A_592 : memref<802816x16xf32, #tpu.memory_space<hbm>>) target(%dma_start3A_586 : memref<128x16xf32, #tpu.memory_space<vmem>>) offsets(%dma_start3A_589 : memref<128xi32, #tpu.memory_space<vmem>>) semaphore(%arg14 : memref<!tpu.dma_semaphore, #tpu.memory_space<semaphore_mem>>)
        %dma_start3A_593 = arith.constant 6 : i32
        %dma_start3A_594 = arith.constant 768 : i32
        %dma_start3A_595 = arith.constant 0 : i32
        %dma_start3A_596 = tpu.memref_slice %arg10[%dma_start3A_594, %dma_start3A_595] : memref<2048x16xf32, #tpu.memory_space<vmem>> -> memref<128x16xf32, #tpu.memory_space<vmem>>
        %dma_start3A_597 = arith.constant 0 : i32
        %dma_start3A_598 = tpu.memref_slice %arg6[%dma_start3A_593, %dma_start3A_597] : memref<16x128xi32, #tpu.memory_space<vmem>> -> memref<1x128xi32, #tpu.memory_space<vmem>>
        %dma_start3A_599 = tpu.memref_squeeze %dma_start3A_598 : memref<1x128xi32, #tpu.memory_space<vmem>> -> memref<128xi32, #tpu.memory_space<vmem>>
        %dma_start3A_600 = arith.constant 0 : i32
        %dma_start3A_601 = arith.constant 0 : i32
        %dma_start3A_602 = tpu.memref_slice %arg2[%dma_start3A_600, %dma_start3A_601] : memref<802816x16xf32, #tpu.memory_space<hbm>> -> memref<802816x16xf32, #tpu.memory_space<hbm>>
        tpu.enqueue_indirect_dma source(%dma_start3A_602 : memref<802816x16xf32, #tpu.memory_space<hbm>>) target(%dma_start3A_596 : memref<128x16xf32, #tpu.memory_space<vmem>>) offsets(%dma_start3A_599 : memref<128xi32, #tpu.memory_space<vmem>>) semaphore(%arg14 : memref<!tpu.dma_semaphore, #tpu.memory_space<semaphore_mem>>)
        %dma_start3A_603 = arith.constant 7 : i32
        %dma_start3A_604 = arith.constant 896 : i32
        %dma_start3A_605 = arith.constant 0 : i32
        %dma_start3A_606 = tpu.memref_slice %arg10[%dma_start3A_604, %dma_start3A_605] : memref<2048x16xf32, #tpu.memory_space<vmem>> -> memref<128x16xf32, #tpu.memory_space<vmem>>
        %dma_start3A_607 = arith.constant 0 : i32
        %dma_start3A_608 = tpu.memref_slice %arg6[%dma_start3A_603, %dma_start3A_607] : memref<16x128xi32, #tpu.memory_space<vmem>> -> memref<1x128xi32, #tpu.memory_space<vmem>>
        %dma_start3A_609 = tpu.memref_squeeze %dma_start3A_608 : memref<1x128xi32, #tpu.memory_space<vmem>> -> memref<128xi32, #tpu.memory_space<vmem>>
        %dma_start3A_610 = arith.constant 0 : i32
        %dma_start3A_611 = arith.constant 0 : i32
        %dma_start3A_612 = tpu.memref_slice %arg2[%dma_start3A_610, %dma_start3A_611] : memref<802816x16xf32, #tpu.memory_space<hbm>> -> memref<802816x16xf32, #tpu.memory_space<hbm>>
        tpu.enqueue_indirect_dma source(%dma_start3A_612 : memref<802816x16xf32, #tpu.memory_space<hbm>>) target(%dma_start3A_606 : memref<128x16xf32, #tpu.memory_space<vmem>>) offsets(%dma_start3A_609 : memref<128xi32, #tpu.memory_space<vmem>>) semaphore(%arg14 : memref<!tpu.dma_semaphore, #tpu.memory_space<semaphore_mem>>)
        %dma_start3A_613 = arith.constant 8 : i32
        %dma_start3A_614 = arith.constant 1024 : i32
        %dma_start3A_615 = arith.constant 0 : i32
        %dma_start3A_616 = tpu.memref_slice %arg10[%dma_start3A_614, %dma_start3A_615] : memref<2048x16xf32, #tpu.memory_space<vmem>> -> memref<128x16xf32, #tpu.memory_space<vmem>>
        %dma_start3A_617 = arith.constant 0 : i32
        %dma_start3A_618 = tpu.memref_slice %arg6[%dma_start3A_613, %dma_start3A_617] : memref<16x128xi32, #tpu.memory_space<vmem>> -> memref<1x128xi32, #tpu.memory_space<vmem>>
        %dma_start3A_619 = tpu.memref_squeeze %dma_start3A_618 : memref<1x128xi32, #tpu.memory_space<vmem>> -> memref<128xi32, #tpu.memory_space<vmem>>
        %dma_start3A_620 = arith.constant 0 : i32
        %dma_start3A_621 = arith.constant 0 : i32
        %dma_start3A_622 = tpu.memref_slice %arg2[%dma_start3A_620, %dma_start3A_621] : memref<802816x16xf32, #tpu.memory_space<hbm>> -> memref<802816x16xf32, #tpu.memory_space<hbm>>
        tpu.enqueue_indirect_dma source(%dma_start3A_622 : memref<802816x16xf32, #tpu.memory_space<hbm>>) target(%dma_start3A_616 : memref<128x16xf32, #tpu.memory_space<vmem>>) offsets(%dma_start3A_619 : memref<128xi32, #tpu.memory_space<vmem>>) semaphore(%arg14 : memref<!tpu.dma_semaphore, #tpu.memory_space<semaphore_mem>>)
        %dma_start3A_623 = arith.constant 9 : i32
        %dma_start3A_624 = arith.constant 1152 : i32
        %dma_start3A_625 = arith.constant 0 : i32
        %dma_start3A_626 = tpu.memref_slice %arg10[%dma_start3A_624, %dma_start3A_625] : memref<2048x16xf32, #tpu.memory_space<vmem>> -> memref<128x16xf32, #tpu.memory_space<vmem>>
        %dma_start3A_627 = arith.constant 0 : i32
        %dma_start3A_628 = tpu.memref_slice %arg6[%dma_start3A_623, %dma_start3A_627] : memref<16x128xi32, #tpu.memory_space<vmem>> -> memref<1x128xi32, #tpu.memory_space<vmem>>
        %dma_start3A_629 = tpu.memref_squeeze %dma_start3A_628 : memref<1x128xi32, #tpu.memory_space<vmem>> -> memref<128xi32, #tpu.memory_space<vmem>>
        %dma_start3A_630 = arith.constant 0 : i32
        %dma_start3A_631 = arith.constant 0 : i32
        %dma_start3A_632 = tpu.memref_slice %arg2[%dma_start3A_630, %dma_start3A_631] : memref<802816x16xf32, #tpu.memory_space<hbm>> -> memref<802816x16xf32, #tpu.memory_space<hbm>>
        tpu.enqueue_indirect_dma source(%dma_start3A_632 : memref<802816x16xf32, #tpu.memory_space<hbm>>) target(%dma_start3A_626 : memref<128x16xf32, #tpu.memory_space<vmem>>) offsets(%dma_start3A_629 : memref<128xi32, #tpu.memory_space<vmem>>) semaphore(%arg14 : memref<!tpu.dma_semaphore, #tpu.memory_space<semaphore_mem>>)
        %dma_start3A_633 = arith.constant 10 : i32
        %dma_start3A_634 = arith.constant 1280 : i32
        %dma_start3A_635 = arith.constant 0 : i32
        %dma_start3A_636 = tpu.memref_slice %arg10[%dma_start3A_634, %dma_start3A_635] : memref<2048x16xf32, #tpu.memory_space<vmem>> -> memref<128x16xf32, #tpu.memory_space<vmem>>
        %dma_start3A_637 = arith.constant 0 : i32
        %dma_start3A_638 = tpu.memref_slice %arg6[%dma_start3A_633, %dma_start3A_637] : memref<16x128xi32, #tpu.memory_space<vmem>> -> memref<1x128xi32, #tpu.memory_space<vmem>>
        %dma_start3A_639 = tpu.memref_squeeze %dma_start3A_638 : memref<1x128xi32, #tpu.memory_space<vmem>> -> memref<128xi32, #tpu.memory_space<vmem>>
        %dma_start3A_640 = arith.constant 0 : i32
        %dma_start3A_641 = arith.constant 0 : i32
        %dma_start3A_642 = tpu.memref_slice %arg2[%dma_start3A_640, %dma_start3A_641] : memref<802816x16xf32, #tpu.memory_space<hbm>> -> memref<802816x16xf32, #tpu.memory_space<hbm>>
        tpu.enqueue_indirect_dma source(%dma_start3A_642 : memref<802816x16xf32, #tpu.memory_space<hbm>>) target(%dma_start3A_636 : memref<128x16xf32, #tpu.memory_space<vmem>>) offsets(%dma_start3A_639 : memref<128xi32, #tpu.memory_space<vmem>>) semaphore(%arg14 : memref<!tpu.dma_semaphore, #tpu.memory_space<semaphore_mem>>)
        %dma_start3A_643 = arith.constant 11 : i32
        %dma_start3A_644 = arith.constant 1408 : i32
        %dma_start3A_645 = arith.constant 0 : i32
        %dma_start3A_646 = tpu.memref_slice %arg10[%dma_start3A_644, %dma_start3A_645] : memref<2048x16xf32, #tpu.memory_space<vmem>> -> memref<128x16xf32, #tpu.memory_space<vmem>>
        %dma_start3A_647 = arith.constant 0 : i32
        %dma_start3A_648 = tpu.memref_slice %arg6[%dma_start3A_643, %dma_start3A_647] : memref<16x128xi32, #tpu.memory_space<vmem>> -> memref<1x128xi32, #tpu.memory_space<vmem>>
        %dma_start3A_649 = tpu.memref_squeeze %dma_start3A_648 : memref<1x128xi32, #tpu.memory_space<vmem>> -> memref<128xi32, #tpu.memory_space<vmem>>
        %dma_start3A_650 = arith.constant 0 : i32
        %dma_start3A_651 = arith.constant 0 : i32
        %dma_start3A_652 = tpu.memref_slice %arg2[%dma_start3A_650, %dma_start3A_651] : memref<802816x16xf32, #tpu.memory_space<hbm>> -> memref<802816x16xf32, #tpu.memory_space<hbm>>
        tpu.enqueue_indirect_dma source(%dma_start3A_652 : memref<802816x16xf32, #tpu.memory_space<hbm>>) target(%dma_start3A_646 : memref<128x16xf32, #tpu.memory_space<vmem>>) offsets(%dma_start3A_649 : memref<128xi32, #tpu.memory_space<vmem>>) semaphore(%arg14 : memref<!tpu.dma_semaphore, #tpu.memory_space<semaphore_mem>>)
        %dma_start3A_653 = arith.constant 12 : i32
        %dma_start3A_654 = arith.constant 1536 : i32
        %dma_start3A_655 = arith.constant 0 : i32
        %dma_start3A_656 = tpu.memref_slice %arg10[%dma_start3A_654, %dma_start3A_655] : memref<2048x16xf32, #tpu.memory_space<vmem>> -> memref<128x16xf32, #tpu.memory_space<vmem>>
        %dma_start3A_657 = arith.constant 0 : i32
        %dma_start3A_658 = tpu.memref_slice %arg6[%dma_start3A_653, %dma_start3A_657] : memref<16x128xi32, #tpu.memory_space<vmem>> -> memref<1x128xi32, #tpu.memory_space<vmem>>
        %dma_start3A_659 = tpu.memref_squeeze %dma_start3A_658 : memref<1x128xi32, #tpu.memory_space<vmem>> -> memref<128xi32, #tpu.memory_space<vmem>>
        %dma_start3A_660 = arith.constant 0 : i32
        %dma_start3A_661 = arith.constant 0 : i32
        %dma_start3A_662 = tpu.memref_slice %arg2[%dma_start3A_660, %dma_start3A_661] : memref<802816x16xf32, #tpu.memory_space<hbm>> -> memref<802816x16xf32, #tpu.memory_space<hbm>>
        tpu.enqueue_indirect_dma source(%dma_start3A_662 : memref<802816x16xf32, #tpu.memory_space<hbm>>) target(%dma_start3A_656 : memref<128x16xf32, #tpu.memory_space<vmem>>) offsets(%dma_start3A_659 : memref<128xi32, #tpu.memory_space<vmem>>) semaphore(%arg14 : memref<!tpu.dma_semaphore, #tpu.memory_space<semaphore_mem>>)
        %dma_start3A_663 = arith.constant 13 : i32
        %dma_start3A_664 = arith.constant 1664 : i32
        %dma_start3A_665 = arith.constant 0 : i32
        %dma_start3A_666 = tpu.memref_slice %arg10[%dma_start3A_664, %dma_start3A_665] : memref<2048x16xf32, #tpu.memory_space<vmem>> -> memref<128x16xf32, #tpu.memory_space<vmem>>
        %dma_start3A_667 = arith.constant 0 : i32
        %dma_start3A_668 = tpu.memref_slice %arg6[%dma_start3A_663, %dma_start3A_667] : memref<16x128xi32, #tpu.memory_space<vmem>> -> memref<1x128xi32, #tpu.memory_space<vmem>>
        %dma_start3A_669 = tpu.memref_squeeze %dma_start3A_668 : memref<1x128xi32, #tpu.memory_space<vmem>> -> memref<128xi32, #tpu.memory_space<vmem>>
        %dma_start3A_670 = arith.constant 0 : i32
        %dma_start3A_671 = arith.constant 0 : i32
        %dma_start3A_672 = tpu.memref_slice %arg2[%dma_start3A_670, %dma_start3A_671] : memref<802816x16xf32, #tpu.memory_space<hbm>> -> memref<802816x16xf32, #tpu.memory_space<hbm>>
        tpu.enqueue_indirect_dma source(%dma_start3A_672 : memref<802816x16xf32, #tpu.memory_space<hbm>>) target(%dma_start3A_666 : memref<128x16xf32, #tpu.memory_space<vmem>>) offsets(%dma_start3A_669 : memref<128xi32, #tpu.memory_space<vmem>>) semaphore(%arg14 : memref<!tpu.dma_semaphore, #tpu.memory_space<semaphore_mem>>)
        %dma_start3A_673 = arith.constant 14 : i32
        %dma_start3A_674 = arith.constant 1792 : i32
        %dma_start3A_675 = arith.constant 0 : i32
        %dma_start3A_676 = tpu.memref_slice %arg10[%dma_start3A_674, %dma_start3A_675] : memref<2048x16xf32, #tpu.memory_space<vmem>> -> memref<128x16xf32, #tpu.memory_space<vmem>>
        %dma_start3A_677 = arith.constant 0 : i32
        %dma_start3A_678 = tpu.memref_slice %arg6[%dma_start3A_673, %dma_start3A_677] : memref<16x128xi32, #tpu.memory_space<vmem>> -> memref<1x128xi32, #tpu.memory_space<vmem>>
        %dma_start3A_679 = tpu.memref_squeeze %dma_start3A_678 : memref<1x128xi32, #tpu.memory_space<vmem>> -> memref<128xi32, #tpu.memory_space<vmem>>
        %dma_start3A_680 = arith.constant 0 : i32
        %dma_start3A_681 = arith.constant 0 : i32
        %dma_start3A_682 = tpu.memref_slice %arg2[%dma_start3A_680, %dma_start3A_681] : memref<802816x16xf32, #tpu.memory_space<hbm>> -> memref<802816x16xf32, #tpu.memory_space<hbm>>
        tpu.enqueue_indirect_dma source(%dma_start3A_682 : memref<802816x16xf32, #tpu.memory_space<hbm>>) target(%dma_start3A_676 : memref<128x16xf32, #tpu.memory_space<vmem>>) offsets(%dma_start3A_679 : memref<128xi32, #tpu.memory_space<vmem>>) semaphore(%arg14 : memref<!tpu.dma_semaphore, #tpu.memory_space<semaphore_mem>>)
        %dma_start3A_683 = arith.constant 15 : i32
        %dma_start3A_684 = arith.constant 1920 : i32
        %dma_start3A_685 = arith.constant 0 : i32
        %dma_start3A_686 = tpu.memref_slice %arg10[%dma_start3A_684, %dma_start3A_685] : memref<2048x16xf32, #tpu.memory_space<vmem>> -> memref<128x16xf32, #tpu.memory_space<vmem>>
        %dma_start3A_687 = arith.constant 0 : i32
        %dma_start3A_688 = tpu.memref_slice %arg6[%dma_start3A_683, %dma_start3A_687] : memref<16x128xi32, #tpu.memory_space<vmem>> -> memref<1x128xi32, #tpu.memory_space<vmem>>
        %dma_start3A_689 = tpu.memref_squeeze %dma_start3A_688 : memref<1x128xi32, #tpu.memory_space<vmem>> -> memref<128xi32, #tpu.memory_space<vmem>>
        %dma_start3A_690 = arith.constant 0 : i32
        %dma_start3A_691 = arith.constant 0 : i32
        %dma_start3A_692 = tpu.memref_slice %arg2[%dma_start3A_690, %dma_start3A_691] : memref<802816x16xf32, #tpu.memory_space<hbm>> -> memref<802816x16xf32, #tpu.memory_space<hbm>>
        tpu.enqueue_indirect_dma source(%dma_start3A_692 : memref<802816x16xf32, #tpu.memory_space<hbm>>) target(%dma_start3A_686 : memref<128x16xf32, #tpu.memory_space<vmem>>) offsets(%dma_start3A_689 : memref<128xi32, #tpu.memory_space<vmem>>) semaphore(%arg14 : memref<!tpu.dma_semaphore, #tpu.memory_space<semaphore_mem>>)
      } else {
      }
      %mul3A_478 = arith.constant 2 : i32
      %mul3A_479 = arith.muli %mul3A_478, %scan3A_264 : i32
      %add3A_480 = arith.constant 1 : i32
      %add3A_481 = arith.addi %mul3A_479, %add3A_480 : i32
      %mul3A_482 = arith.constant 25088 : i32
      %mul3A_483 = arith.muli %add3A, %mul3A_482 : i32
      %mul3A_484 = arith.constant 128 : i32
      %mul3A_485 = arith.muli %add3A_481, %mul3A_484 : i32
      %add3A_486 = arith.addi %mul3A_483, %mul3A_485 : i32
      %multiple_of3A_487 = tpu.assume_multiple %add3A_486, 128 : i32
      %dma_wait3A_488 = arith.constant 0 : i32
      %dma_wait3A_489 = arith.constant 0 : i32
      %dma_wait3A_490 = tpu.memref_slice %arg2[%dma_wait3A_488, %dma_wait3A_489] : memref<802816x16xf32, #tpu.memory_space<hbm>> -> memref<2048x16xf32, #tpu.memory_space<hbm>>
      %dma_wait3A_491 = arith.constant 0 : i32
      %dma_wait3A_492 = arith.constant 0 : i32
      %dma_wait3A_493 = tpu.memref_slice %arg2[%dma_wait3A_491, %dma_wait3A_492] : memref<802816x16xf32, #tpu.memory_space<hbm>> -> memref<2048x16xf32, #tpu.memory_space<hbm>>
      tpu.wait_dma2 semaphore(%arg15 : memref<!tpu.dma_semaphore, #tpu.memory_space<semaphore_mem>>) src(%dma_wait3A_493 : memref<2048x16xf32, #tpu.memory_space<hbm>>) dst(%arg11 : memref<2048x16xf32, #tpu.memory_space<vmem>>)
      %dma_wait3A_494 = arith.constant 0 : i32
      %dma_wait3A_495 = arith.constant 0 : i32
      %dma_wait3A_496 = tpu.memref_slice %arg4[%dma_wait3A_494, %dma_wait3A_495] : memref<802816x16xf32, #tpu.memory_space<hbm>> -> memref<128x16xf32, #tpu.memory_space<hbm>>
      %dma_wait3A_497 = arith.constant 0 : i32
      %dma_wait3A_498 = arith.constant 0 : i32
      %dma_wait3A_499 = tpu.memref_slice %arg4[%dma_wait3A_497, %dma_wait3A_498] : memref<802816x16xf32, #tpu.memory_space<hbm>> -> memref<128x16xf32, #tpu.memory_space<hbm>>
      tpu.wait_dma2 semaphore(%arg15 : memref<!tpu.dma_semaphore, #tpu.memory_space<semaphore_mem>>) src(%dma_wait3A_499 : memref<128x16xf32, #tpu.memory_space<hbm>>) dst(%arg9 : memref<128x16xf32, #tpu.memory_space<vmem>>)
      %add3A_500 = arith.constant 2 : i32
      %add3A_501 = arith.addi %add3A_481, %add3A_500 : i32
      %lt3A_502 = arith.constant 196 : i32
      %lt3A_503 = arith.cmpi slt, %add3A_501, %lt3A_502 : i32
      %convert_element_type3A_504 = arith.extui %lt3A_503 : i1 to i32
      %cond3A_505 = arith.constant 0 : i32
      %cond3A_506 = arith.cmpi ne, %convert_element_type3A_504, %cond3A_505 : i32
      scf.if %cond3A_506 {
        %add3A_527 = arith.constant 2 : i32
        %add3A_528 = arith.addi %add3A_481, %add3A_527 : i32
        %mul3A_529 = arith.constant 25088 : i32
        %mul3A_530 = arith.muli %add3A, %mul3A_529 : i32
        %mul3A_531 = arith.constant 128 : i32
        %mul3A_532 = arith.muli %add3A_528, %mul3A_531 : i32
        %add3A_533 = arith.addi %mul3A_530, %mul3A_532 : i32
        %multiple_of3A_534 = tpu.assume_multiple %add3A_533, 128 : i32
        %mul3A_535 = arith.constant 16 : i32
        %mul3A_536 = arith.muli %multiple_of3A_534, %mul3A_535 : i32
        %jit3A_537 = arith.constant 128 : i32
        %div3A_538 = arith.divsi %mul3A_536, %jit3A_537 : i32
        %sign3A_539 = arith.constant 0 : i32
        %sign3A_540 = arith.cmpi sgt, %mul3A_536, %sign3A_539 : i32
        %sign3A_541 = arith.extui %sign3A_540 : i1 to i32
        %sign3A_542 = arith.constant 0 : i32
        %sign3A_543 = arith.cmpi slt, %mul3A_536, %sign3A_542 : i32
        %sign3A_544 = arith.extui %sign3A_543 : i1 to i32
        %sign3A_545 = arith.subi %sign3A_541, %sign3A_544 : i32
        %sign3A_546 = arith.constant 0 : i32
        %sign3A_547 = arith.cmpi sgt, %jit3A_537, %sign3A_546 : i32
        %sign3A_548 = arith.extui %sign3A_547 : i1 to i32
        %sign3A_549 = arith.constant 0 : i32
        %sign3A_550 = arith.cmpi slt, %jit3A_537, %sign3A_549 : i32
        %sign3A_551 = arith.extui %sign3A_550 : i1 to i32
        %sign3A_552 = arith.subi %sign3A_548, %sign3A_551 : i32
        %ne3A_553 = arith.cmpi ne, %sign3A_545, %sign3A_552 : i32
        %rem3A_554 = arith.remsi %mul3A_536, %jit3A_537 : i32
        %ne3A_555 = arith.constant 0 : i32
        %ne3A_556 = arith.cmpi ne, %rem3A_554, %ne3A_555 : i32
        %and3A_557 = arith.andi %ne3A_553, %ne3A_556 : i1
        %sub3A_558 = arith.constant 1 : i32
        %sub3A_559 = arith.subi %div3A_538, %sub3A_558 : i32
        %select_n3A_560 = arith.select %and3A_557, %sub3A_559, %div3A_538 : i32
        %multiple_of3A_561 = tpu.assume_multiple %select_n3A_560, 8 : i32
        %dma_start3A_562 = arith.constant 0 : i32
        %dma_start3A_563 = tpu.memref_slice %arg3[%multiple_of3A_561, %dma_start3A_562] : memref<100352x128xi32, #tpu.memory_space<hbm>> -> memref<16x128xi32, #tpu.memory_space<hbm>>
        %dma_start3A_564 = arith.constant 0 : i32
        %dma_start3A_565 = tpu.memref_slice %arg3[%multiple_of3A_561, %dma_start3A_564] : memref<100352x128xi32, #tpu.memory_space<hbm>> -> memref<16x128xi32, #tpu.memory_space<hbm>>
        tpu.enqueue_dma source(%dma_start3A_565 : memref<16x128xi32, #tpu.memory_space<hbm>>) target(%arg7 : memref<16x128xi32, #tpu.memory_space<vmem>>) target_semaphore(%arg15 : memref<!tpu.dma_semaphore, #tpu.memory_space<semaphore_mem>>)
      } else {
      }
      %ge3A_507 = arith.constant 2 : i32
      %ge3A_508 = arith.cmpi sge, %add3A_481, %ge3A_507 : i32
      %convert_element_type3A_509 = arith.extui %ge3A_508 : i1 to i32
      %cond3A_510 = arith.constant 0 : i32
      %cond3A_511 = arith.cmpi ne, %convert_element_type3A_509, %cond3A_510 : i32
      scf.if %cond3A_511 {
        %dma_wait3A_527 = arith.constant 0 : i32
        %dma_wait3A_528 = arith.constant 0 : i32
        %dma_wait3A_529 = tpu.memref_slice %arg5[%dma_wait3A_527, %dma_wait3A_528] : memref<802816x16xf32, #tpu.memory_space<hbm>> -> memref<128x16xf32, #tpu.memory_space<hbm>>
        %dma_wait3A_530 = arith.constant 0 : i32
        %dma_wait3A_531 = arith.constant 0 : i32
        %dma_wait3A_532 = tpu.memref_slice %arg5[%dma_wait3A_530, %dma_wait3A_531] : memref<802816x16xf32, #tpu.memory_space<hbm>> -> memref<128x16xf32, #tpu.memory_space<hbm>>
        tpu.wait_dma2 semaphore(%arg17 : memref<!tpu.dma_semaphore, #tpu.memory_space<semaphore_mem>>) src(%arg13 : memref<128x16xf32, #tpu.memory_space<vmem>>) dst(%dma_wait3A_532 : memref<128x16xf32, #tpu.memory_space<hbm>>)
      } else {
      }
      %parallel_loop3A_512 = arith.constant 0 : i32
      %parallel_loop3A_513 = arith.constant 128 : i32
      %parallel_loop3A_514 = arith.constant 1 : i32
      scf.for %parallel_loop3A_527 = %parallel_loop3A_512 to %parallel_loop3A_513 step %parallel_loop3A_514  : i32 {
        %parallel_loop3A_528 = arith.constant 16 : i32
        %parallel_loop3A_529 = arith.muli %parallel_loop3A_527, %parallel_loop3A_528 : i32
        %parallel_loop3A_530 = arith.index_cast %parallel_loop3A_527 : i32 to index
        %parallel_loop3A_531 = arith.constant 0 : index
        %parallel_loop3A_532 = tpu.vector_load %arg9[%parallel_loop3A_530, %parallel_loop3A_531] {strides = array<i32>} : memref<128x16xf32, #tpu.memory_space<vmem>>, vector<1x16xf32>,
        %parallel_loop3A_533 = vector.shape_cast %parallel_loop3A_532 : vector<1x16xf32> to vector<16xf32>
        %parallel_loop3A_534 = arith.constant 0.000000e+00 : f32
        %parallel_loop3A_535 = vector.broadcast %parallel_loop3A_534 : f32 to vector<16xf32>
        %parallel_loop3A_536 = arith.constant 0 : i32
        %parallel_loop3A_537 = vector.broadcast %parallel_loop3A_536 : i32 to vector<16x1xi32>
        %parallel_loop3A_538 = vector.shape_cast %parallel_loop3A_537 : vector<16x1xi32> to vector<16xi32>
        %parallel_loop3A_539 = tpu.dynamic_gather %parallel_loop3A_533[%parallel_loop3A_538] in [0] : vector<16xf32>, vector<16xi32> -> vector<16xf32>
        %parallel_loop3A_540 = arith.constant 0 : i32
        %parallel_loop3A_541 = arith.addi %parallel_loop3A_529, %parallel_loop3A_540 : i32
        %parallel_loop3A_542 = arith.index_cast %parallel_loop3A_541 : i32 to index
        %parallel_loop3A_543 = arith.constant 0 : index
        %parallel_loop3A_544 = tpu.vector_load %arg11[%parallel_loop3A_542, %parallel_loop3A_543] {strides = array<i32>} : memref<2048x16xf32, #tpu.memory_space<vmem>>, vector<1x16xf32>,
        %parallel_loop3A_545 = vector.shape_cast %parallel_loop3A_544 : vector<1x16xf32> to vector<16xf32>
        %parallel_loop3A_546 = arith.mulf %parallel_loop3A_539, %parallel_loop3A_545 : vector<16xf32>
        %parallel_loop3A_547 = arith.addf %parallel_loop3A_535, %parallel_loop3A_546 : vector<16xf32>
        %parallel_loop3A_548 = arith.constant 1 : i32
        %parallel_loop3A_549 = vector.broadcast %parallel_loop3A_548 : i32 to vector<16x1xi32>
        %parallel_loop3A_550 = vector.shape_cast %parallel_loop3A_549 : vector<16x1xi32> to vector<16xi32>
        %parallel_loop3A_551 = tpu.dynamic_gather %parallel_loop3A_533[%parallel_loop3A_550] in [0] : vector<16xf32>, vector<16xi32> -> vector<16xf32>
        %parallel_loop3A_552 = arith.constant 1 : i32
        %parallel_loop3A_553 = arith.addi %parallel_loop3A_529, %parallel_loop3A_552 : i32
        %parallel_loop3A_554 = arith.index_cast %parallel_loop3A_553 : i32 to index
        %parallel_loop3A_555 = arith.constant 0 : index
        %parallel_loop3A_556 = tpu.vector_load %arg11[%parallel_loop3A_554, %parallel_loop3A_555] {strides = array<i32>} : memref<2048x16xf32, #tpu.memory_space<vmem>>, vector<1x16xf32>,
        %parallel_loop3A_557 = vector.shape_cast %parallel_loop3A_556 : vector<1x16xf32> to vector<16xf32>
        %parallel_loop3A_558 = arith.mulf %parallel_loop3A_551, %parallel_loop3A_557 : vector<16xf32>
        %parallel_loop3A_559 = arith.addf %parallel_loop3A_547, %parallel_loop3A_558 : vector<16xf32>
        %parallel_loop3A_560 = arith.constant 2 : i32
        %parallel_loop3A_561 = vector.broadcast %parallel_loop3A_560 : i32 to vector<16x1xi32>
        %parallel_loop3A_562 = vector.shape_cast %parallel_loop3A_561 : vector<16x1xi32> to vector<16xi32>
        %parallel_loop3A_563 = tpu.dynamic_gather %parallel_loop3A_533[%parallel_loop3A_562] in [0] : vector<16xf32>, vector<16xi32> -> vector<16xf32>
        %parallel_loop3A_564 = arith.constant 2 : i32
        %parallel_loop3A_565 = arith.addi %parallel_loop3A_529, %parallel_loop3A_564 : i32
        %parallel_loop3A_566 = arith.index_cast %parallel_loop3A_565 : i32 to index
        %parallel_loop3A_567 = arith.constant 0 : index
        %parallel_loop3A_568 = tpu.vector_load %arg11[%parallel_loop3A_566, %parallel_loop3A_567] {strides = array<i32>} : memref<2048x16xf32, #tpu.memory_space<vmem>>, vector<1x16xf32>,
        %parallel_loop3A_569 = vector.shape_cast %parallel_loop3A_568 : vector<1x16xf32> to vector<16xf32>
        %parallel_loop3A_570 = arith.mulf %parallel_loop3A_563, %parallel_loop3A_569 : vector<16xf32>
        %parallel_loop3A_571 = arith.addf %parallel_loop3A_559, %parallel_loop3A_570 : vector<16xf32>
        %parallel_loop3A_572 = arith.constant 3 : i32
        %parallel_loop3A_573 = vector.broadcast %parallel_loop3A_572 : i32 to vector<16x1xi32>
        %parallel_loop3A_574 = vector.shape_cast %parallel_loop3A_573 : vector<16x1xi32> to vector<16xi32>
        %parallel_loop3A_575 = tpu.dynamic_gather %parallel_loop3A_533[%parallel_loop3A_574] in [0] : vector<16xf32>, vector<16xi32> -> vector<16xf32>
        %parallel_loop3A_576 = arith.constant 3 : i32
        %parallel_loop3A_577 = arith.addi %parallel_loop3A_529, %parallel_loop3A_576 : i32
        %parallel_loop3A_578 = arith.index_cast %parallel_loop3A_577 : i32 to index
        %parallel_loop3A_579 = arith.constant 0 : index
        %parallel_loop3A_580 = tpu.vector_load %arg11[%parallel_loop3A_578, %parallel_loop3A_579] {strides = array<i32>} : memref<2048x16xf32, #tpu.memory_space<vmem>>, vector<1x16xf32>,
        %parallel_loop3A_581 = vector.shape_cast %parallel_loop3A_580 : vector<1x16xf32> to vector<16xf32>
        %parallel_loop3A_582 = arith.mulf %parallel_loop3A_575, %parallel_loop3A_581 : vector<16xf32>
        %parallel_loop3A_583 = arith.addf %parallel_loop3A_571, %parallel_loop3A_582 : vector<16xf32>
        %parallel_loop3A_584 = arith.constant 4 : i32
        %parallel_loop3A_585 = vector.broadcast %parallel_loop3A_584 : i32 to vector<16x1xi32>
        %parallel_loop3A_586 = vector.shape_cast %parallel_loop3A_585 : vector<16x1xi32> to vector<16xi32>
        %parallel_loop3A_587 = tpu.dynamic_gather %parallel_loop3A_533[%parallel_loop3A_586] in [0] : vector<16xf32>, vector<16xi32> -> vector<16xf32>
        %parallel_loop3A_588 = arith.constant 4 : i32
        %parallel_loop3A_589 = arith.addi %parallel_loop3A_529, %parallel_loop3A_588 : i32
        %parallel_loop3A_590 = arith.index_cast %parallel_loop3A_589 : i32 to index
        %parallel_loop3A_591 = arith.constant 0 : index
        %parallel_loop3A_592 = tpu.vector_load %arg11[%parallel_loop3A_590, %parallel_loop3A_591] {strides = array<i32>} : memref<2048x16xf32, #tpu.memory_space<vmem>>, vector<1x16xf32>,
        %parallel_loop3A_593 = vector.shape_cast %parallel_loop3A_592 : vector<1x16xf32> to vector<16xf32>
        %parallel_loop3A_594 = arith.mulf %parallel_loop3A_587, %parallel_loop3A_593 : vector<16xf32>
        %parallel_loop3A_595 = arith.addf %parallel_loop3A_583, %parallel_loop3A_594 : vector<16xf32>
        %parallel_loop3A_596 = arith.constant 5 : i32
        %parallel_loop3A_597 = vector.broadcast %parallel_loop3A_596 : i32 to vector<16x1xi32>
        %parallel_loop3A_598 = vector.shape_cast %parallel_loop3A_597 : vector<16x1xi32> to vector<16xi32>
        %parallel_loop3A_599 = tpu.dynamic_gather %parallel_loop3A_533[%parallel_loop3A_598] in [0] : vector<16xf32>, vector<16xi32> -> vector<16xf32>
        %parallel_loop3A_600 = arith.constant 5 : i32
        %parallel_loop3A_601 = arith.addi %parallel_loop3A_529, %parallel_loop3A_600 : i32
        %parallel_loop3A_602 = arith.index_cast %parallel_loop3A_601 : i32 to index
        %parallel_loop3A_603 = arith.constant 0 : index
        %parallel_loop3A_604 = tpu.vector_load %arg11[%parallel_loop3A_602, %parallel_loop3A_603] {strides = array<i32>} : memref<2048x16xf32, #tpu.memory_space<vmem>>, vector<1x16xf32>,
        %parallel_loop3A_605 = vector.shape_cast %parallel_loop3A_604 : vector<1x16xf32> to vector<16xf32>
        %parallel_loop3A_606 = arith.mulf %parallel_loop3A_599, %parallel_loop3A_605 : vector<16xf32>
        %parallel_loop3A_607 = arith.addf %parallel_loop3A_595, %parallel_loop3A_606 : vector<16xf32>
        %parallel_loop3A_608 = arith.constant 6 : i32
        %parallel_loop3A_609 = vector.broadcast %parallel_loop3A_608 : i32 to vector<16x1xi32>
        %parallel_loop3A_610 = vector.shape_cast %parallel_loop3A_609 : vector<16x1xi32> to vector<16xi32>
        %parallel_loop3A_611 = tpu.dynamic_gather %parallel_loop3A_533[%parallel_loop3A_610] in [0] : vector<16xf32>, vector<16xi32> -> vector<16xf32>
        %parallel_loop3A_612 = arith.constant 6 : i32
        %parallel_loop3A_613 = arith.addi %parallel_loop3A_529, %parallel_loop3A_612 : i32
        %parallel_loop3A_614 = arith.index_cast %parallel_loop3A_613 : i32 to index
        %parallel_loop3A_615 = arith.constant 0 : index
        %parallel_loop3A_616 = tpu.vector_load %arg11[%parallel_loop3A_614, %parallel_loop3A_615] {strides = array<i32>} : memref<2048x16xf32, #tpu.memory_space<vmem>>, vector<1x16xf32>,
        %parallel_loop3A_617 = vector.shape_cast %parallel_loop3A_616 : vector<1x16xf32> to vector<16xf32>
        %parallel_loop3A_618 = arith.mulf %parallel_loop3A_611, %parallel_loop3A_617 : vector<16xf32>
        %parallel_loop3A_619 = arith.addf %parallel_loop3A_607, %parallel_loop3A_618 : vector<16xf32>
        %parallel_loop3A_620 = arith.constant 7 : i32
        %parallel_loop3A_621 = vector.broadcast %parallel_loop3A_620 : i32 to vector<16x1xi32>
        %parallel_loop3A_622 = vector.shape_cast %parallel_loop3A_621 : vector<16x1xi32> to vector<16xi32>
        %parallel_loop3A_623 = tpu.dynamic_gather %parallel_loop3A_533[%parallel_loop3A_622] in [0] : vector<16xf32>, vector<16xi32> -> vector<16xf32>
        %parallel_loop3A_624 = arith.constant 7 : i32
        %parallel_loop3A_625 = arith.addi %parallel_loop3A_529, %parallel_loop3A_624 : i32
        %parallel_loop3A_626 = arith.index_cast %parallel_loop3A_625 : i32 to index
        %parallel_loop3A_627 = arith.constant 0 : index
        %parallel_loop3A_628 = tpu.vector_load %arg11[%parallel_loop3A_626, %parallel_loop3A_627] {strides = array<i32>} : memref<2048x16xf32, #tpu.memory_space<vmem>>, vector<1x16xf32>,
        %parallel_loop3A_629 = vector.shape_cast %parallel_loop3A_628 : vector<1x16xf32> to vector<16xf32>
        %parallel_loop3A_630 = arith.mulf %parallel_loop3A_623, %parallel_loop3A_629 : vector<16xf32>
        %parallel_loop3A_631 = arith.addf %parallel_loop3A_619, %parallel_loop3A_630 : vector<16xf32>
        %parallel_loop3A_632 = arith.constant 8 : i32
        %parallel_loop3A_633 = vector.broadcast %parallel_loop3A_632 : i32 to vector<16x1xi32>
        %parallel_loop3A_634 = vector.shape_cast %parallel_loop3A_633 : vector<16x1xi32> to vector<16xi32>
        %parallel_loop3A_635 = tpu.dynamic_gather %parallel_loop3A_533[%parallel_loop3A_634] in [0] : vector<16xf32>, vector<16xi32> -> vector<16xf32>
        %parallel_loop3A_636 = arith.constant 8 : i32
        %parallel_loop3A_637 = arith.addi %parallel_loop3A_529, %parallel_loop3A_636 : i32
        %parallel_loop3A_638 = arith.index_cast %parallel_loop3A_637 : i32 to index
        %parallel_loop3A_639 = arith.constant 0 : index
        %parallel_loop3A_640 = tpu.vector_load %arg11[%parallel_loop3A_638, %parallel_loop3A_639] {strides = array<i32>} : memref<2048x16xf32, #tpu.memory_space<vmem>>, vector<1x16xf32>,
        %parallel_loop3A_641 = vector.shape_cast %parallel_loop3A_640 : vector<1x16xf32> to vector<16xf32>
        %parallel_loop3A_642 = arith.mulf %parallel_loop3A_635, %parallel_loop3A_641 : vector<16xf32>
        %parallel_loop3A_643 = arith.addf %parallel_loop3A_631, %parallel_loop3A_642 : vector<16xf32>
        %parallel_loop3A_644 = arith.constant 9 : i32
        %parallel_loop3A_645 = vector.broadcast %parallel_loop3A_644 : i32 to vector<16x1xi32>
        %parallel_loop3A_646 = vector.shape_cast %parallel_loop3A_645 : vector<16x1xi32> to vector<16xi32>
        %parallel_loop3A_647 = tpu.dynamic_gather %parallel_loop3A_533[%parallel_loop3A_646] in [0] : vector<16xf32>, vector<16xi32> -> vector<16xf32>
        %parallel_loop3A_648 = arith.constant 9 : i32
        %parallel_loop3A_649 = arith.addi %parallel_loop3A_529, %parallel_loop3A_648 : i32
        %parallel_loop3A_650 = arith.index_cast %parallel_loop3A_649 : i32 to index
        %parallel_loop3A_651 = arith.constant 0 : index
        %parallel_loop3A_652 = tpu.vector_load %arg11[%parallel_loop3A_650, %parallel_loop3A_651] {strides = array<i32>} : memref<2048x16xf32, #tpu.memory_space<vmem>>, vector<1x16xf32>,
        %parallel_loop3A_653 = vector.shape_cast %parallel_loop3A_652 : vector<1x16xf32> to vector<16xf32>
        %parallel_loop3A_654 = arith.mulf %parallel_loop3A_647, %parallel_loop3A_653 : vector<16xf32>
        %parallel_loop3A_655 = arith.addf %parallel_loop3A_643, %parallel_loop3A_654 : vector<16xf32>
        %parallel_loop3A_656 = arith.constant 10 : i32
        %parallel_loop3A_657 = vector.broadcast %parallel_loop3A_656 : i32 to vector<16x1xi32>
        %parallel_loop3A_658 = vector.shape_cast %parallel_loop3A_657 : vector<16x1xi32> to vector<16xi32>
        %parallel_loop3A_659 = tpu.dynamic_gather %parallel_loop3A_533[%parallel_loop3A_658] in [0] : vector<16xf32>, vector<16xi32> -> vector<16xf32>
        %parallel_loop3A_660 = arith.constant 10 : i32
        %parallel_loop3A_661 = arith.addi %parallel_loop3A_529, %parallel_loop3A_660 : i32
        %parallel_loop3A_662 = arith.index_cast %parallel_loop3A_661 : i32 to index
        %parallel_loop3A_663 = arith.constant 0 : index
        %parallel_loop3A_664 = tpu.vector_load %arg11[%parallel_loop3A_662, %parallel_loop3A_663] {strides = array<i32>} : memref<2048x16xf32, #tpu.memory_space<vmem>>, vector<1x16xf32>,
        %parallel_loop3A_665 = vector.shape_cast %parallel_loop3A_664 : vector<1x16xf32> to vector<16xf32>
        %parallel_loop3A_666 = arith.mulf %parallel_loop3A_659, %parallel_loop3A_665 : vector<16xf32>
        %parallel_loop3A_667 = arith.addf %parallel_loop3A_655, %parallel_loop3A_666 : vector<16xf32>
        %parallel_loop3A_668 = arith.constant 11 : i32
        %parallel_loop3A_669 = vector.broadcast %parallel_loop3A_668 : i32 to vector<16x1xi32>
        %parallel_loop3A_670 = vector.shape_cast %parallel_loop3A_669 : vector<16x1xi32> to vector<16xi32>
        %parallel_loop3A_671 = tpu.dynamic_gather %parallel_loop3A_533[%parallel_loop3A_670] in [0] : vector<16xf32>, vector<16xi32> -> vector<16xf32>
        %parallel_loop3A_672 = arith.constant 11 : i32
        %parallel_loop3A_673 = arith.addi %parallel_loop3A_529, %parallel_loop3A_672 : i32
        %parallel_loop3A_674 = arith.index_cast %parallel_loop3A_673 : i32 to index
        %parallel_loop3A_675 = arith.constant 0 : index
        %parallel_loop3A_676 = tpu.vector_load %arg11[%parallel_loop3A_674, %parallel_loop3A_675] {strides = array<i32>} : memref<2048x16xf32, #tpu.memory_space<vmem>>, vector<1x16xf32>,
        %parallel_loop3A_677 = vector.shape_cast %parallel_loop3A_676 : vector<1x16xf32> to vector<16xf32>
        %parallel_loop3A_678 = arith.mulf %parallel_loop3A_671, %parallel_loop3A_677 : vector<16xf32>
        %parallel_loop3A_679 = arith.addf %parallel_loop3A_667, %parallel_loop3A_678 : vector<16xf32>
        %parallel_loop3A_680 = arith.constant 12 : i32
        %parallel_loop3A_681 = vector.broadcast %parallel_loop3A_680 : i32 to vector<16x1xi32>
        %parallel_loop3A_682 = vector.shape_cast %parallel_loop3A_681 : vector<16x1xi32> to vector<16xi32>
        %parallel_loop3A_683 = tpu.dynamic_gather %parallel_loop3A_533[%parallel_loop3A_682] in [0] : vector<16xf32>, vector<16xi32> -> vector<16xf32>
        %parallel_loop3A_684 = arith.constant 12 : i32
        %parallel_loop3A_685 = arith.addi %parallel_loop3A_529, %parallel_loop3A_684 : i32
        %parallel_loop3A_686 = arith.index_cast %parallel_loop3A_685 : i32 to index
        %parallel_loop3A_687 = arith.constant 0 : index
        %parallel_loop3A_688 = tpu.vector_load %arg11[%parallel_loop3A_686, %parallel_loop3A_687] {strides = array<i32>} : memref<2048x16xf32, #tpu.memory_space<vmem>>, vector<1x16xf32>,
        %parallel_loop3A_689 = vector.shape_cast %parallel_loop3A_688 : vector<1x16xf32> to vector<16xf32>
        %parallel_loop3A_690 = arith.mulf %parallel_loop3A_683, %parallel_loop3A_689 : vector<16xf32>
        %parallel_loop3A_691 = arith.addf %parallel_loop3A_679, %parallel_loop3A_690 : vector<16xf32>
        %parallel_loop3A_692 = arith.constant 13 : i32
        %parallel_loop3A_693 = vector.broadcast %parallel_loop3A_692 : i32 to vector<16x1xi32>
        %parallel_loop3A_694 = vector.shape_cast %parallel_loop3A_693 : vector<16x1xi32> to vector<16xi32>
        %parallel_loop3A_695 = tpu.dynamic_gather %parallel_loop3A_533[%parallel_loop3A_694] in [0] : vector<16xf32>, vector<16xi32> -> vector<16xf32>
        %parallel_loop3A_696 = arith.constant 13 : i32
        %parallel_loop3A_697 = arith.addi %parallel_loop3A_529, %parallel_loop3A_696 : i32
        %parallel_loop3A_698 = arith.index_cast %parallel_loop3A_697 : i32 to index
        %parallel_loop3A_699 = arith.constant 0 : index
        %parallel_loop3A_700 = tpu.vector_load %arg11[%parallel_loop3A_698, %parallel_loop3A_699] {strides = array<i32>} : memref<2048x16xf32, #tpu.memory_space<vmem>>, vector<1x16xf32>,
        %parallel_loop3A_701 = vector.shape_cast %parallel_loop3A_700 : vector<1x16xf32> to vector<16xf32>
        %parallel_loop3A_702 = arith.mulf %parallel_loop3A_695, %parallel_loop3A_701 : vector<16xf32>
        %parallel_loop3A_703 = arith.addf %parallel_loop3A_691, %parallel_loop3A_702 : vector<16xf32>
        %parallel_loop3A_704 = arith.constant 14 : i32
        %parallel_loop3A_705 = vector.broadcast %parallel_loop3A_704 : i32 to vector<16x1xi32>
        %parallel_loop3A_706 = vector.shape_cast %parallel_loop3A_705 : vector<16x1xi32> to vector<16xi32>
        %parallel_loop3A_707 = tpu.dynamic_gather %parallel_loop3A_533[%parallel_loop3A_706] in [0] : vector<16xf32>, vector<16xi32> -> vector<16xf32>
        %parallel_loop3A_708 = arith.constant 14 : i32
        %parallel_loop3A_709 = arith.addi %parallel_loop3A_529, %parallel_loop3A_708 : i32
        %parallel_loop3A_710 = arith.index_cast %parallel_loop3A_709 : i32 to index
        %parallel_loop3A_711 = arith.constant 0 : index
        %parallel_loop3A_712 = tpu.vector_load %arg11[%parallel_loop3A_710, %parallel_loop3A_711] {strides = array<i32>} : memref<2048x16xf32, #tpu.memory_space<vmem>>, vector<1x16xf32>,
        %parallel_loop3A_713 = vector.shape_cast %parallel_loop3A_712 : vector<1x16xf32> to vector<16xf32>
        %parallel_loop3A_714 = arith.mulf %parallel_loop3A_707, %parallel_loop3A_713 : vector<16xf32>
        %parallel_loop3A_715 = arith.addf %parallel_loop3A_703, %parallel_loop3A_714 : vector<16xf32>
        %parallel_loop3A_716 = arith.constant 15 : i32
        %parallel_loop3A_717 = vector.broadcast %parallel_loop3A_716 : i32 to vector<16x1xi32>
        %parallel_loop3A_718 = vector.shape_cast %parallel_loop3A_717 : vector<16x1xi32> to vector<16xi32>
        %parallel_loop3A_719 = tpu.dynamic_gather %parallel_loop3A_533[%parallel_loop3A_718] in [0] : vector<16xf32>, vector<16xi32> -> vector<16xf32>
        %parallel_loop3A_720 = arith.constant 15 : i32
        %parallel_loop3A_721 = arith.addi %parallel_loop3A_529, %parallel_loop3A_720 : i32
        %parallel_loop3A_722 = arith.index_cast %parallel_loop3A_721 : i32 to index
        %parallel_loop3A_723 = arith.constant 0 : index
        %parallel_loop3A_724 = tpu.vector_load %arg11[%parallel_loop3A_722, %parallel_loop3A_723] {strides = array<i32>} : memref<2048x16xf32, #tpu.memory_space<vmem>>, vector<1x16xf32>,
        %parallel_loop3A_725 = vector.shape_cast %parallel_loop3A_724 : vector<1x16xf32> to vector<16xf32>
        %parallel_loop3A_726 = arith.mulf %parallel_loop3A_719, %parallel_loop3A_725 : vector<16xf32>
        %parallel_loop3A_727 = arith.addf %parallel_loop3A_715, %parallel_loop3A_726 : vector<16xf32>
        %parallel_loop3A_728 = arith.index_cast %parallel_loop3A_527 : i32 to index
        %parallel_loop3A_729 = arith.constant 0 : index
        %parallel_loop3A_730 = tpu.vector_load %arg13[%parallel_loop3A_728, %parallel_loop3A_729] {strides = array<i32>} : memref<128x16xf32, #tpu.memory_space<vmem>>, vector<1x16xf32>,
        %parallel_loop3A_731 = vector.shape_cast %parallel_loop3A_730 : vector<1x16xf32> to vector<16xf32>
        %parallel_loop3A_732 = vector.shape_cast %parallel_loop3A_727 : vector<16xf32> to vector<1x16xf32>
        tpu.vector_store %arg13[%parallel_loop3A_728, %parallel_loop3A_729], %parallel_loop3A_732 {strides = array<i32>} : memref<128x16xf32, #tpu.memory_space<vmem>>, vector<1x16xf32>,
      } {sc.loop_unroll_factor = 16 : i64, sc.parallel_access}
      %add3A_515 = arith.constant 2 : i32
      %add3A_516 = arith.addi %add3A_481, %add3A_515 : i32
      %lt3A_517 = arith.constant 196 : i32
      %lt3A_518 = arith.cmpi slt, %add3A_516, %lt3A_517 : i32
      %convert_element_type3A_519 = arith.extui %lt3A_518 : i1 to i32
      %cond3A_520 = arith.constant 0 : i32
      %cond3A_521 = arith.cmpi ne, %convert_element_type3A_519, %cond3A_520 : i32
      scf.if %cond3A_521 {
        %add3A_527 = arith.constant 2 : i32
        %add3A_528 = arith.addi %add3A_481, %add3A_527 : i32
        %mul3A_529 = arith.constant 25088 : i32
        %mul3A_530 = arith.muli %add3A, %mul3A_529 : i32
        %mul3A_531 = arith.constant 128 : i32
        %mul3A_532 = arith.muli %add3A_528, %mul3A_531 : i32
        %add3A_533 = arith.addi %mul3A_530, %mul3A_532 : i32
        %multiple_of3A_534 = tpu.assume_multiple %add3A_533, 128 : i32
        %dma_start3A_535 = arith.constant 0 : i32
        %dma_start3A_536 = tpu.memref_slice %arg4[%multiple_of3A_534, %dma_start3A_535] : memref<802816x16xf32, #tpu.memory_space<hbm>> -> memref<128x16xf32, #tpu.memory_space<hbm>>
        %dma_start3A_537 = arith.constant 0 : i32
        %dma_start3A_538 = tpu.memref_slice %arg4[%multiple_of3A_534, %dma_start3A_537] : memref<802816x16xf32, #tpu.memory_space<hbm>> -> memref<128x16xf32, #tpu.memory_space<hbm>>
        tpu.enqueue_dma source(%dma_start3A_538 : memref<128x16xf32, #tpu.memory_space<hbm>>) target(%arg9 : memref<128x16xf32, #tpu.memory_space<vmem>>) target_semaphore(%arg15 : memref<!tpu.dma_semaphore, #tpu.memory_space<semaphore_mem>>)
      } else {
      }
      %dma_start3A_522 = arith.constant 0 : i32
      %dma_start3A_523 = tpu.memref_slice %arg5[%multiple_of3A_487, %dma_start3A_522] : memref<802816x16xf32, #tpu.memory_space<hbm>> -> memref<128x16xf32, #tpu.memory_space<hbm>>
      %dma_start3A_524 = arith.constant 0 : i32
      %dma_start3A_525 = tpu.memref_slice %arg5[%multiple_of3A_487, %dma_start3A_524] : memref<802816x16xf32, #tpu.memory_space<hbm>> -> memref<128x16xf32, #tpu.memory_space<hbm>>
      tpu.enqueue_dma source(%arg13 : memref<128x16xf32, #tpu.memory_space<vmem>>) target(%dma_start3A_525 : memref<128x16xf32, #tpu.memory_space<hbm>>) target_semaphore(%arg17 : memref<!tpu.dma_semaphore, #tpu.memory_space<semaphore_mem>>)
      %scan3A_526 = arith.constant 0 : i32
      scf.yield %scan3A_526 : i32
    }
    %scan3A_251 = arith.constant 98 : i32
    %dma_wait3A_252 = arith.constant 0 : i32
    %dma_wait3A_253 = arith.constant 0 : i32
    %dma_wait3A_254 = tpu.memref_slice %arg5[%dma_wait3A_252, %dma_wait3A_253] : memref<802816x16xf32, #tpu.memory_space<hbm>> -> memref<128x16xf32, #tpu.memory_space<hbm>>
    %dma_wait3A_255 = arith.constant 0 : i32
    %dma_wait3A_256 = arith.constant 0 : i32
    %dma_wait3A_257 = tpu.memref_slice %arg5[%dma_wait3A_255, %dma_wait3A_256] : memref<802816x16xf32, #tpu.memory_space<hbm>> -> memref<128x16xf32, #tpu.memory_space<hbm>>
    tpu.wait_dma2 semaphore(%arg16 : memref<!tpu.dma_semaphore, #tpu.memory_space<semaphore_mem>>) src(%arg12 : memref<128x16xf32, #tpu.memory_space<vmem>>) dst(%dma_wait3A_257 : memref<128x16xf32, #tpu.memory_space<hbm>>)
    %dma_wait3A_258 = arith.constant 0 : i32
    %dma_wait3A_259 = arith.constant 0 : i32
    %dma_wait3A_260 = tpu.memref_slice %arg5[%dma_wait3A_258, %dma_wait3A_259] : memref<802816x16xf32, #tpu.memory_space<hbm>> -> memref<128x16xf32, #tpu.memory_space<hbm>>
    %dma_wait3A_261 = arith.constant 0 : i32
    %dma_wait3A_262 = arith.constant 0 : i32
    %dma_wait3A_263 = tpu.memref_slice %arg5[%dma_wait3A_261, %dma_wait3A_262] : memref<802816x16xf32, #tpu.memory_space<hbm>> -> memref<128x16xf32, #tpu.memory_space<hbm>>
    tpu.wait_dma2 semaphore(%arg17 : memref<!tpu.dma_semaphore, #tpu.memory_space<semaphore_mem>>) src(%arg13 : memref<128x16xf32, #tpu.memory_space<vmem>>) dst(%dma_wait3A_263 : memref<128x16xf32, #tpu.memory_space<hbm>>)
    return
  }
}

module attributes {stable_mosaic.version = 14 : i64} {
  func.func @_post_body(%arg0: i32, %arg1: memref<896x128xf32, #tpu.memory_space<vmem>>, %arg2: memref<128x128xf32, #tpu.memory_space<vmem>>, %arg3: memref<1x128xf32, #tpu.memory_space<vmem>>, %arg4: memref<1x896x128xf32, #tpu.memory_space<vmem>>) attributes {dimension_semantics = [#tpu.dimension_semantics<arbitrary>], iteration_bounds = array<i64: 112>, scalar_prefetch = 0 : i64, scratch_operands = 0 : i64, tpu.core_type = #tpu.core_type<tc>, window_params = [{transform_indices = @transform_0, window_bounds = array<i64: 896, 128>}, {pipeline_mode = #tpu.pipeline_mode<synchronous>, transform_indices = @transform_1, window_bounds = array<i64: 128, 128>}, {pipeline_mode = #tpu.pipeline_mode<synchronous>, transform_indices = @transform_2, window_bounds = array<i64: 1, 128>}, {transform_indices = @transform_3, window_bounds = array<i64: 1, 896, 128>}]} {
    %get3A = arith.constant 0 : index
    %get3A_0 = arith.constant 0 : index
    %get3A_1 = vector.load %arg1[%get3A, %get3A_0] : memref<896x128xf32, #tpu.memory_space<vmem>>, vector<896x128xf32>
    %get3A_2 = arith.constant 0 : index
    %get3A_3 = arith.constant 0 : index
    %get3A_4 = vector.load %arg2[%get3A_2, %get3A_3] : memref<128x128xf32, #tpu.memory_space<vmem>>, vector<128x128xf32>
    %dot_general3A = arith.constant dense<0.000000e+00> : vector<896x128xf32>
    %dot_general3A_5 = tpu.matmul %get3A_1, %get3A_4, %dot_general3A {dimension_numbers = #tpu.dot_dimension_numbers<[1], [0], [0], [1], [0, 0, 1, 1], [], []>, transpose_lhs_hint = false} : vector<896x128xf32>, vector<128x128xf32>, vector<896x128xf32> -> vector<896x128xf32>
    %get3A_6 = arith.constant 0 : index
    %get3A_7 = arith.constant 0 : index
    %get3A_8 = vector.load %arg3[%get3A_6, %get3A_7] : memref<1x128xf32, #tpu.memory_space<vmem>>, vector<1x128xf32>
    %add3A = vector.broadcast %get3A_8 : vector<1x128xf32> to vector<896x128xf32>
    %add3A_9 = arith.addf %dot_general3A_5, %add3A : vector<896x128xf32>
    %swap3A = arith.constant 0 : index
    %swap3A_10 = arith.constant 0 : index
    %swap3A_11 = arith.constant 0 : index
    %swap3A_12 = vector.load %arg4[%swap3A, %swap3A_10, %swap3A_11] : memref<1x896x128xf32, #tpu.memory_space<vmem>>, vector<1x896x128xf32>
    %swap3A_13 = vector.shape_cast %swap3A_12 : vector<1x896x128xf32> to vector<896x128xf32>
    %swap3A_14 = vector.shape_cast %add3A_9 : vector<896x128xf32> to vector<1x896x128xf32>
    tpu.vector_store %arg4[%swap3A, %swap3A_10, %swap3A_11], %swap3A_14 {strides = array<i32>} : memref<1x896x128xf32, #tpu.memory_space<vmem>>, vector<1x896x128xf32>,
    return
  }
  func.func @transform_0(%arg0: i32) -> (i32, i32) {
    %c0_i32 = arith.constant 0 : i32
    %c0_i32_0 = arith.constant 0 : i32
    return %arg0, %c0_i32 : i32, i32
  }
  func.func @transform_1(%arg0: i32) -> (i32, i32) {
    %c0_i32 = arith.constant 0 : i32
    %c0_i32_0 = arith.constant 0 : i32
    %c0_i32_1 = arith.constant 0 : i32
    return %c0_i32, %c0_i32_0 : i32, i32
  }
  func.func @transform_2(%arg0: i32) -> (i32, i32) {
    %c0_i32 = arith.constant 0 : i32
    %c0_i32_0 = arith.constant 0 : i32
    %c0_i32_1 = arith.constant 0 : i32
    return %c0_i32, %c0_i32_0 : i32, i32
  }
  func.func @transform_3(%arg0: i32) -> (i32, i32, i32) {
    %jit3A = arith.constant 56 : i32
    %div3A = arith.divsi %arg0, %jit3A : i32
    %sign3A = arith.constant 0 : i32
    %sign3A_0 = arith.cmpi sgt, %arg0, %sign3A : i32
    %sign3A_1 = arith.extui %sign3A_0 : i1 to i32
    %sign3A_2 = arith.constant 0 : i32
    %sign3A_3 = arith.cmpi slt, %arg0, %sign3A_2 : i32
    %sign3A_4 = arith.extui %sign3A_3 : i1 to i32
    %sign3A_5 = arith.subi %sign3A_1, %sign3A_4 : i32
    %sign3A_6 = arith.constant 0 : i32
    %sign3A_7 = arith.cmpi sgt, %jit3A, %sign3A_6 : i32
    %sign3A_8 = arith.extui %sign3A_7 : i1 to i32
    %sign3A_9 = arith.constant 0 : i32
    %sign3A_10 = arith.cmpi slt, %jit3A, %sign3A_9 : i32
    %sign3A_11 = arith.extui %sign3A_10 : i1 to i32
    %sign3A_12 = arith.subi %sign3A_8, %sign3A_11 : i32
    %ne3A = arith.cmpi ne, %sign3A_5, %sign3A_12 : i32
    %rem3A = arith.remsi %arg0, %jit3A : i32
    %ne3A_13 = arith.constant 0 : i32
    %ne3A_14 = arith.cmpi ne, %rem3A, %ne3A_13 : i32
    %and3A = arith.andi %ne3A, %ne3A_14 : i1
    %sub3A = arith.constant 1 : i32
    %sub3A_15 = arith.subi %div3A, %sub3A : i32
    %select_n3A = arith.select %and3A, %sub3A_15, %div3A : i32
    %jit3A_16 = arith.constant 56 : i32
    %eq3A = arith.constant 0 : i32
    %eq3A_17 = arith.cmpi eq, %jit3A_16, %eq3A : i32
    %jit3A_18 = arith.constant 1 : i32
    %select_n3A_19 = arith.select %eq3A_17, %jit3A_18, %jit3A_16 : i32
    %rem3A_20 = arith.remsi %arg0, %select_n3A_19 : i32
    %ne3A_21 = arith.constant 0 : i32
    %ne3A_22 = arith.cmpi ne, %rem3A_20, %ne3A_21 : i32
    %lt3A = arith.constant 0 : i32
    %lt3A_23 = arith.cmpi slt, %rem3A_20, %lt3A : i32
    %lt3A_24 = arith.constant 0 : i32
    %lt3A_25 = arith.cmpi slt, %select_n3A_19, %lt3A_24 : i32
    %ne3A_26 = arith.xori %lt3A_23, %lt3A_25 : i1
    %and3A_27 = arith.andi %ne3A_26, %ne3A_22 : i1
    %add3A = arith.addi %rem3A_20, %select_n3A_19 : i32
    %select_n3A_28 = arith.select %and3A_27, %add3A, %rem3A_20 : i32
    %c0_i32 = arith.constant 0 : i32
    %c0_i32_29 = arith.constant 0 : i32
    return %select_n3A, %select_n3A_28, %c0_i32 : i32, i32, i32
  }
}

module attributes {stable_mosaic.version = 14 : i64} {
  func.func @_prep_body(%arg0: i32, %arg1: memref<1x128x896xf32, #tpu.memory_space<vmem>>, %arg2: memref<1x128x896xf32, #tpu.memory_space<vmem>>, %arg3: memref<128x128xf32, #tpu.memory_space<vmem>>, %arg4: memref<1x128xf32, #tpu.memory_space<vmem>>, %arg5: memref<128x128xf32, #tpu.memory_space<vmem>>, %arg6: memref<1x128xf32, #tpu.memory_space<vmem>>, %arg7: memref<128x128xf32, #tpu.memory_space<vmem>>, %arg8: memref<1x128xf32, #tpu.memory_space<vmem>>, %arg9: memref<128x32xf32, #tpu.memory_space<vmem>>, %arg10: memref<1x32xf32, #tpu.memory_space<vmem>>, %arg11: memref<32x32xf32, #tpu.memory_space<vmem>>, %arg12: memref<32x128xf32, #tpu.memory_space<vmem>>, %arg13: memref<896x128xf32, #tpu.memory_space<vmem>>, %arg14: memref<896x128xi32, #tpu.memory_space<vmem>>, %arg15: memref<896x128xf32, #tpu.memory_space<vmem>>) attributes {dimension_semantics = [#tpu.dimension_semantics<arbitrary>], iteration_bounds = array<i64: 112>, scalar_prefetch = 0 : i64, scratch_operands = 0 : i64, tpu.core_type = #tpu.core_type<tc>, window_params = [{transform_indices = @transform_0, window_bounds = array<i64: 1, 128, 896>}, {transform_indices = @transform_1, window_bounds = array<i64: 1, 128, 896>}, {pipeline_mode = #tpu.pipeline_mode<synchronous>, transform_indices = @transform_2, window_bounds = array<i64: 128, 128>}, {pipeline_mode = #tpu.pipeline_mode<synchronous>, transform_indices = @transform_3, window_bounds = array<i64: 1, 128>}, {pipeline_mode = #tpu.pipeline_mode<synchronous>, transform_indices = @transform_4, window_bounds = array<i64: 128, 128>}, {pipeline_mode = #tpu.pipeline_mode<synchronous>, transform_indices = @transform_5, window_bounds = array<i64: 1, 128>}, {pipeline_mode = #tpu.pipeline_mode<synchronous>, transform_indices = @transform_6, window_bounds = array<i64: 128, 128>}, {pipeline_mode = #tpu.pipeline_mode<synchronous>, transform_indices = @transform_7, window_bounds = array<i64: 1, 128>}, {pipeline_mode = #tpu.pipeline_mode<synchronous>, transform_indices = @transform_8, window_bounds = array<i64: 128, 32>}, {pipeline_mode = #tpu.pipeline_mode<synchronous>, transform_indices = @transform_9, window_bounds = array<i64: 1, 32>}, {pipeline_mode = #tpu.pipeline_mode<synchronous>, transform_indices = @transform_10, window_bounds = array<i64: 32, 32>}, {pipeline_mode = #tpu.pipeline_mode<synchronous>, transform_indices = @transform_11, window_bounds = array<i64: 32, 128>}, {transform_indices = @transform_12, window_bounds = array<i64: 896, 128>}, {transform_indices = @transform_13, window_bounds = array<i64: 896, 128>}, {transform_indices = @transform_14, window_bounds = array<i64: 896, 128>}]} {
    %get3A = arith.constant 0 : index
    %get3A_0 = arith.constant 0 : index
    %get3A_1 = arith.constant 0 : index
    %get3A_2 = vector.load %arg1[%get3A, %get3A_0, %get3A_1] : memref<1x128x896xf32, #tpu.memory_space<vmem>>, vector<1x128x896xf32>
    %get3A_3 = vector.shape_cast %get3A_2 : vector<1x128x896xf32> to vector<128x896xf32>
    %get3A_4 = arith.constant 0 : index
    %get3A_5 = arith.constant 0 : index
    %get3A_6 = arith.constant 0 : index
    %get3A_7 = vector.load %arg2[%get3A_4, %get3A_5, %get3A_6] : memref<1x128x896xf32, #tpu.memory_space<vmem>>, vector<1x128x896xf32>
    %get3A_8 = vector.shape_cast %get3A_7 : vector<1x128x896xf32> to vector<128x896xf32>
    %get3A_9 = arith.constant 0 : index
    %get3A_10 = arith.constant 0 : index
    %get3A_11 = vector.load %arg3[%get3A_9, %get3A_10] : memref<128x128xf32, #tpu.memory_space<vmem>>, vector<128x128xf32>
    %dot_general3A = arith.constant dense<0.000000e+00> : vector<896x128xf32>
    %dot_general3A_12 = tpu.matmul %get3A_3, %get3A_11, %dot_general3A {dimension_numbers = #tpu.dot_dimension_numbers<[0], [0], [1], [1], [0, 1, 1, 1], [], []>, transpose_lhs_hint = false} : vector<128x896xf32>, vector<128x128xf32>, vector<896x128xf32> -> vector<896x128xf32>
    %get3A_13 = arith.constant 0 : index
    %get3A_14 = arith.constant 0 : index
    %get3A_15 = vector.load %arg4[%get3A_13, %get3A_14] : memref<1x128xf32, #tpu.memory_space<vmem>>, vector<1x128xf32>
    %add3A = vector.broadcast %get3A_15 : vector<1x128xf32> to vector<896x128xf32>
    %add3A_16 = arith.addf %dot_general3A_12, %add3A : vector<896x128xf32>
    %swap3A = arith.constant 0 : index
    %swap3A_17 = arith.constant 0 : index
    %swap3A_18 = vector.load %arg13[%swap3A, %swap3A_17] : memref<896x128xf32, #tpu.memory_space<vmem>>, vector<896x128xf32>
    tpu.vector_store %arg13[%swap3A, %swap3A_17], %add3A_16 {strides = array<i32>} : memref<896x128xf32, #tpu.memory_space<vmem>>, vector<896x128xf32>,
    %get3A_19 = arith.constant 0 : index
    %get3A_20 = arith.constant 0 : index
    %get3A_21 = vector.load %arg5[%get3A_19, %get3A_20] : memref<128x128xf32, #tpu.memory_space<vmem>>, vector<128x128xf32>
    %dot_general3A_22 = arith.constant dense<0.000000e+00> : vector<896x128xf32>
    %dot_general3A_23 = tpu.matmul %get3A_8, %get3A_21, %dot_general3A_22 {dimension_numbers = #tpu.dot_dimension_numbers<[0], [0], [1], [1], [0, 1, 1, 1], [], []>, transpose_lhs_hint = false} : vector<128x896xf32>, vector<128x128xf32>, vector<896x128xf32> -> vector<896x128xf32>
    %get3A_24 = arith.constant 0 : index
    %get3A_25 = arith.constant 0 : index
    %get3A_26 = vector.load %arg6[%get3A_24, %get3A_25] : memref<1x128xf32, #tpu.memory_space<vmem>>, vector<1x128xf32>
    %add3A_27 = vector.broadcast %get3A_26 : vector<1x128xf32> to vector<896x128xf32>
    %add3A_28 = arith.addf %dot_general3A_23, %add3A_27 : vector<896x128xf32>
    %tanh3A = math.tanh %add3A_28 : vector<896x128xf32>
    %mul3A = arith.constant 1.000000e+01 : f32
    %mul3A_29 = vector.broadcast %mul3A : f32 to vector<896x128xf32>
    %mul3A_30 = arith.mulf %mul3A_29, %tanh3A : vector<896x128xf32>
    %get3A_31 = arith.constant 0 : index
    %get3A_32 = arith.constant 0 : index
    %get3A_33 = vector.load %arg7[%get3A_31, %get3A_32] : memref<128x128xf32, #tpu.memory_space<vmem>>, vector<128x128xf32>
    %dot_general3A_34 = arith.constant dense<0.000000e+00> : vector<896x128xf32>
    %dot_general3A_35 = tpu.matmul %get3A_8, %get3A_33, %dot_general3A_34 {dimension_numbers = #tpu.dot_dimension_numbers<[0], [0], [1], [1], [0, 1, 1, 1], [], []>, transpose_lhs_hint = false} : vector<128x896xf32>, vector<128x128xf32>, vector<896x128xf32> -> vector<896x128xf32>
    %get3A_36 = arith.constant 0 : index
    %get3A_37 = arith.constant 0 : index
    %get3A_38 = vector.load %arg8[%get3A_36, %get3A_37] : memref<1x128xf32, #tpu.memory_space<vmem>>, vector<1x128xf32>
    %add3A_39 = vector.broadcast %get3A_38 : vector<1x128xf32> to vector<896x128xf32>
    %add3A_40 = arith.addf %dot_general3A_35, %add3A_39 : vector<896x128xf32>
    %tanh3A_41 = math.tanh %add3A_40 : vector<896x128xf32>
    %mul3A_42 = arith.constant 1.000000e+01 : f32
    %mul3A_43 = vector.broadcast %mul3A_42 : f32 to vector<896x128xf32>
    %mul3A_44 = arith.mulf %mul3A_43, %tanh3A_41 : vector<896x128xf32>
    %get3A_45 = arith.constant 0 : index
    %get3A_46 = arith.constant 0 : index
    %get3A_47 = vector.load %arg9[%get3A_45, %get3A_46] : memref<128x32xf32, #tpu.memory_space<vmem>>, vector<128x32xf32>
    %dot_general3A_48 = arith.constant dense<0.000000e+00> : vector<896x32xf32>
    %dot_general3A_49 = tpu.matmul %get3A_8, %get3A_47, %dot_general3A_48 {dimension_numbers = #tpu.dot_dimension_numbers<[0], [0], [1], [1], [0, 1, 1, 1], [], []>, transpose_lhs_hint = false} : vector<128x896xf32>, vector<128x32xf32>, vector<896x32xf32> -> vector<896x32xf32>
    %get3A_50 = arith.constant 0 : index
    %get3A_51 = arith.constant 0 : index
    %get3A_52 = vector.load %arg10[%get3A_50, %get3A_51] : memref<1x32xf32, #tpu.memory_space<vmem>>, vector<1x32xf32>
    %add3A_53 = vector.broadcast %get3A_52 : vector<1x32xf32> to vector<896x32xf32>
    %add3A_54 = arith.addf %dot_general3A_49, %add3A_53 : vector<896x32xf32>
    %reduce_max3A = arith.constant dense<0xFF800000> : vector<896xf32>
    %reduce_max3A_55 = vector.multi_reduction <maximumf>, %add3A_54, %reduce_max3A [1] : vector<896x32xf32> to vector<896xf32>
    %broadcast_in_dim3A = vector.shape_cast %reduce_max3A_55 : vector<896xf32> to vector<896x1xf32>
    %sub3A = vector.broadcast %broadcast_in_dim3A : vector<896x1xf32> to vector<896x32xf32>
    %sub3A_56 = arith.subf %add3A_54, %sub3A : vector<896x32xf32>
    %exp3A = math.exp %sub3A_56 : vector<896x32xf32>
    %get3A_57 = arith.constant 0 : index
    %get3A_58 = arith.constant 0 : index
    %get3A_59 = vector.load %arg11[%get3A_57, %get3A_58] : memref<32x32xf32, #tpu.memory_space<vmem>>, vector<32x32xf32>
    %dot_general3A_60 = arith.constant dense<0.000000e+00> : vector<896x32xf32>
    %dot_general3A_61 = tpu.matmul %exp3A, %get3A_59, %dot_general3A_60 {dimension_numbers = #tpu.dot_dimension_numbers<[1], [0], [0], [1], [0, 0, 1, 1], [], []>, transpose_lhs_hint = false} : vector<896x32xf32>, vector<32x32xf32>, vector<896x32xf32> -> vector<896x32xf32>
    %div3A = arith.divf %exp3A, %dot_general3A_61 : vector<896x32xf32>
    %get3A_62 = arith.constant 0 : index
    %get3A_63 = arith.constant 0 : index
    %get3A_64 = vector.load %arg12[%get3A_62, %get3A_63] : memref<32x128xf32, #tpu.memory_space<vmem>>, vector<32x128xf32>
    %dot_general3A_65 = arith.constant dense<0.000000e+00> : vector<896x128xf32>
    %dot_general3A_66 = tpu.matmul %div3A, %get3A_64, %dot_general3A_65 {dimension_numbers = #tpu.dot_dimension_numbers<[1], [0], [0], [1], [0, 0, 1, 1], [], []>, transpose_lhs_hint = false} : vector<896x32xf32>, vector<32x128xf32>, vector<896x128xf32> -> vector<896x128xf32>
    %iota3A = tpu.iota {dimensions = array<i32: 1>} : vector<4x224x128xi32>
    %iota3A_67 = tpu.iota {dimensions = array<i32: 0>} : vector<4x224x128xi32>
    %reshape3A = vector.shape_cast %iota3A : vector<4x224x128xi32> to vector<896x128xi32>
    %convert_element_type3A = arith.sitofp %reshape3A : vector<896x128xi32> to vector<896x128xf32>
    %jit3A = arith.constant 56 : i32
    %eq3A = arith.constant 0 : i32
    %eq3A_68 = arith.cmpi eq, %jit3A, %eq3A : i32
    %jit3A_69 = arith.constant 1 : i32
    %select_n3A = arith.select %eq3A_68, %jit3A_69, %jit3A : i32
    %rem3A = arith.remsi %arg0, %select_n3A : i32
    %ne3A = arith.constant 0 : i32
    %ne3A_70 = arith.cmpi ne, %rem3A, %ne3A : i32
    %lt3A = arith.constant 0 : i32
    %lt3A_71 = arith.cmpi slt, %rem3A, %lt3A : i32
    %lt3A_72 = arith.constant 0 : i32
    %lt3A_73 = arith.cmpi slt, %select_n3A, %lt3A_72 : i32
    %ne3A_74 = arith.xori %lt3A_71, %lt3A_73 : i1
    %and3A = arith.andi %ne3A_74, %ne3A_70 : i1
    %add3A_75 = arith.addi %rem3A, %select_n3A : i32
    %select_n3A_76 = arith.select %and3A, %add3A_75, %rem3A : i32
    %mul3A_77 = arith.constant 4 : i32
    %mul3A_78 = arith.muli %select_n3A_76, %mul3A_77 : i32
    %reshape3A_79 = vector.shape_cast %iota3A_67 : vector<4x224x128xi32> to vector<896x128xi32>
    %add3A_80 = vector.broadcast %mul3A_78 : i32 to vector<896x128xi32>
    %add3A_81 = arith.addi %add3A_80, %reshape3A_79 : vector<896x128xi32>
    %convert_element_type3A_82 = arith.sitofp %add3A_81 : vector<896x128xi32> to vector<896x128xf32>
    %iota3A_83 = tpu.iota {dimensions = array<i32: 1>} : vector<896x128xi32>
    %jit3A_84 = arith.constant 2 : i32
    %eq3A_85 = arith.constant 0 : i32
    %eq3A_86 = arith.cmpi eq, %jit3A_84, %eq3A_85 : i32
    %jit3A_87 = arith.constant 1 : i32
    %select_n3A_88 = arith.select %eq3A_86, %jit3A_87, %jit3A_84 : i32
    %rem3A_89 = vector.broadcast %select_n3A_88 : i32 to vector<896x128xi32>
    %rem3A_90 = arith.remsi %iota3A_83, %rem3A_89 : vector<896x128xi32>
    %ne3A_91 = arith.constant 0 : i32
    %ne3A_92 = vector.broadcast %ne3A_91 : i32 to vector<896x128xi32>
    %ne3A_93 = arith.cmpi ne, %rem3A_90, %ne3A_92 : vector<896x128xi32>
    %lt3A_94 = arith.constant 0 : i32
    %lt3A_95 = vector.broadcast %lt3A_94 : i32 to vector<896x128xi32>
    %lt3A_96 = arith.cmpi slt, %rem3A_90, %lt3A_95 : vector<896x128xi32>
    %lt3A_97 = arith.constant 0 : i32
    %lt3A_98 = arith.cmpi slt, %select_n3A_88, %lt3A_97 : i32
    %ne3A_99 = vector.broadcast %lt3A_98 : i1 to vector<896x128xi1>
    %ne3A_100 = vector.broadcast %ne3A_99 : vector<896x128xi1> to vector<896x128xi1>
    %ne3A_101 = arith.xori %lt3A_96, %ne3A_100 : vector<896x128xi1>
    %and3A_102 = arith.andi %ne3A_101, %ne3A_93 : vector<896x128xi1>
    %add3A_103 = vector.broadcast %select_n3A_88 : i32 to vector<896x128xi32>
    %add3A_104 = arith.addi %rem3A_90, %add3A_103 : vector<896x128xi32>
    %select_n3A_105 = arith.select %and3A_102, %add3A_104, %rem3A_90 : vector<896x128xi1>, vector<896x128xi32>
    %convert_element_type3A_106 = arith.sitofp %select_n3A_105 : vector<896x128xi32> to vector<896x128xf32>
    %jit3A_107 = arith.constant 4 : i32
    %eq3A_108 = arith.constant 0 : i32
    %eq3A_109 = arith.cmpi eq, %jit3A_107, %eq3A_108 : i32
    %jit3A_110 = arith.constant 1 : i32
    %select_n3A_111 = arith.select %eq3A_109, %jit3A_110, %jit3A_107 : i32
    %rem3A_112 = vector.broadcast %select_n3A_111 : i32 to vector<896x128xi32>
    %rem3A_113 = arith.remsi %iota3A_83, %rem3A_112 : vector<896x128xi32>
    %ne3A_114 = arith.constant 0 : i32
    %ne3A_115 = vector.broadcast %ne3A_114 : i32 to vector<896x128xi32>
    %ne3A_116 = arith.cmpi ne, %rem3A_113, %ne3A_115 : vector<896x128xi32>
    %lt3A_117 = arith.constant 0 : i32
    %lt3A_118 = vector.broadcast %lt3A_117 : i32 to vector<896x128xi32>
    %lt3A_119 = arith.cmpi slt, %rem3A_113, %lt3A_118 : vector<896x128xi32>
    %lt3A_120 = arith.constant 0 : i32
    %lt3A_121 = arith.cmpi slt, %select_n3A_111, %lt3A_120 : i32
    %ne3A_122 = vector.broadcast %lt3A_121 : i1 to vector<896x128xi1>
    %ne3A_123 = vector.broadcast %ne3A_122 : vector<896x128xi1> to vector<896x128xi1>
    %ne3A_124 = arith.xori %lt3A_119, %ne3A_123 : vector<896x128xi1>
    %and3A_125 = arith.andi %ne3A_124, %ne3A_116 : vector<896x128xi1>
    %add3A_126 = vector.broadcast %select_n3A_111 : i32 to vector<896x128xi32>
    %add3A_127 = arith.addi %rem3A_113, %add3A_126 : vector<896x128xi32>
    %select_n3A_128 = arith.select %and3A_125, %add3A_127, %rem3A_113 : vector<896x128xi1>, vector<896x128xi32>
    %jit3A_129 = arith.constant 2 : i32
    %div3A_130 = vector.broadcast %jit3A_129 : i32 to vector<896x128xi32>
    %div3A_131 = arith.divsi %select_n3A_128, %div3A_130 : vector<896x128xi32>
    %sign3A = arith.constant 0 : i32
    %sign3A_132 = vector.broadcast %sign3A : i32 to vector<896x128xi32>
    %sign3A_133 = arith.cmpi sgt, %select_n3A_128, %sign3A_132 : vector<896x128xi32>
    %sign3A_134 = arith.extui %sign3A_133 : vector<896x128xi1> to vector<896x128xi32>
    %sign3A_135 = arith.constant 0 : i32
    %sign3A_136 = vector.broadcast %sign3A_135 : i32 to vector<896x128xi32>
    %sign3A_137 = arith.cmpi slt, %select_n3A_128, %sign3A_136 : vector<896x128xi32>
    %sign3A_138 = arith.extui %sign3A_137 : vector<896x128xi1> to vector<896x128xi32>
    %sign3A_139 = arith.subi %sign3A_134, %sign3A_138 : vector<896x128xi32>
    %sign3A_140 = arith.constant 0 : i32
    %sign3A_141 = arith.cmpi sgt, %jit3A_129, %sign3A_140 : i32
    %sign3A_142 = arith.extui %sign3A_141 : i1 to i32
    %sign3A_143 = arith.constant 0 : i32
    %sign3A_144 = arith.cmpi slt, %jit3A_129, %sign3A_143 : i32
    %sign3A_145 = arith.extui %sign3A_144 : i1 to i32
    %sign3A_146 = arith.subi %sign3A_142, %sign3A_145 : i32
    %ne3A_147 = vector.broadcast %sign3A_146 : i32 to vector<896x128xi32>
    %ne3A_148 = arith.cmpi ne, %sign3A_139, %ne3A_147 : vector<896x128xi32>
    %rem3A_149 = vector.broadcast %jit3A_129 : i32 to vector<896x128xi32>
    %rem3A_150 = arith.remsi %select_n3A_128, %rem3A_149 : vector<896x128xi32>
    %ne3A_151 = arith.constant 0 : i32
    %ne3A_152 = vector.broadcast %ne3A_151 : i32 to vector<896x128xi32>
    %ne3A_153 = arith.cmpi ne, %rem3A_150, %ne3A_152 : vector<896x128xi32>
    %and3A_154 = arith.andi %ne3A_148, %ne3A_153 : vector<896x128xi1>
    %sub3A_155 = arith.constant 1 : i32
    %sub3A_156 = vector.broadcast %sub3A_155 : i32 to vector<896x128xi32>
    %sub3A_157 = arith.subi %div3A_131, %sub3A_156 : vector<896x128xi32>
    %select_n3A_158 = arith.select %and3A_154, %sub3A_157, %div3A_131 : vector<896x128xi1>, vector<896x128xi32>
    %convert_element_type3A_159 = arith.sitofp %select_n3A_158 : vector<896x128xi32> to vector<896x128xf32>
    %add3A_160 = arith.addf %convert_element_type3A, %mul3A_30 : vector<896x128xf32>
    %add3A_161 = arith.addf %convert_element_type3A_82, %mul3A_44 : vector<896x128xf32>
    %floor3A = math.floor %add3A_160 : vector<896x128xf32>
    %floor3A_162 = math.floor %add3A_161 : vector<896x128xf32>
    %sub3A_163 = arith.subf %add3A_160, %floor3A : vector<896x128xf32>
    %sub3A_164 = arith.subf %add3A_161, %floor3A_162 : vector<896x128xf32>
    %add3A_165 = arith.addf %floor3A, %convert_element_type3A_106 : vector<896x128xf32>
    %add3A_166 = arith.addf %floor3A_162, %convert_element_type3A_159 : vector<896x128xf32>
    %mul3A_167 = arith.mulf %convert_element_type3A_106, %sub3A_163 : vector<896x128xf32>
    %sub3A_168 = arith.constant 1.000000e+00 : f32
    %sub3A_169 = vector.broadcast %sub3A_168 : f32 to vector<896x128xf32>
    %sub3A_170 = arith.subf %sub3A_169, %convert_element_type3A_106 : vector<896x128xf32>
    %sub3A_171 = arith.constant 1.000000e+00 : f32
    %sub3A_172 = vector.broadcast %sub3A_171 : f32 to vector<896x128xf32>
    %sub3A_173 = arith.subf %sub3A_172, %sub3A_163 : vector<896x128xf32>
    %mul3A_174 = arith.mulf %sub3A_170, %sub3A_173 : vector<896x128xf32>
    %add3A_175 = arith.addf %mul3A_167, %mul3A_174 : vector<896x128xf32>
    %mul3A_176 = arith.mulf %convert_element_type3A_159, %sub3A_164 : vector<896x128xf32>
    %sub3A_177 = arith.constant 1.000000e+00 : f32
    %sub3A_178 = vector.broadcast %sub3A_177 : f32 to vector<896x128xf32>
    %sub3A_179 = arith.subf %sub3A_178, %convert_element_type3A_159 : vector<896x128xf32>
    %sub3A_180 = arith.constant 1.000000e+00 : f32
    %sub3A_181 = vector.broadcast %sub3A_180 : f32 to vector<896x128xf32>
    %sub3A_182 = arith.subf %sub3A_181, %sub3A_164 : vector<896x128xf32>
    %mul3A_183 = arith.mulf %sub3A_179, %sub3A_182 : vector<896x128xf32>
    %add3A_184 = arith.addf %mul3A_176, %mul3A_183 : vector<896x128xf32>
    %ge3A = arith.constant 0.000000e+00 : f32
    %ge3A_185 = vector.broadcast %ge3A : f32 to vector<896x128xf32>
    %ge3A_186 = arith.cmpf oge, %add3A_165, %ge3A_185 : vector<896x128xf32>
    %le3A = arith.constant 2.230000e+02 : f32
    %le3A_187 = vector.broadcast %le3A : f32 to vector<896x128xf32>
    %le3A_188 = arith.cmpf ole, %add3A_165, %le3A_187 : vector<896x128xf32>
    %and3A_189 = arith.andi %ge3A_186, %le3A_188 : vector<896x128xi1>
    %ge3A_190 = arith.constant 0.000000e+00 : f32
    %ge3A_191 = vector.broadcast %ge3A_190 : f32 to vector<896x128xf32>
    %ge3A_192 = arith.cmpf oge, %add3A_166, %ge3A_191 : vector<896x128xf32>
    %and3A_193 = arith.andi %and3A_189, %ge3A_192 : vector<896x128xi1>
    %le3A_194 = arith.constant 2.230000e+02 : f32
    %le3A_195 = vector.broadcast %le3A_194 : f32 to vector<896x128xf32>
    %le3A_196 = arith.cmpf ole, %add3A_166, %le3A_195 : vector<896x128xf32>
    %and3A_197 = arith.andi %and3A_193, %le3A_196 : vector<896x128xi1>
    %mul3A_198 = arith.mulf %add3A_175, %add3A_184 : vector<896x128xf32>
    %mul3A_199 = arith.mulf %mul3A_198, %dot_general3A_66 : vector<896x128xf32>
    %convert_element_type3A_200 = arith.extui %and3A_197 : vector<896x128xi1> to vector<896x128xi32>
    %convert_element_type3A_201 = arith.sitofp %convert_element_type3A_200 : vector<896x128xi32> to vector<896x128xf32>
    %mul3A_202 = arith.mulf %mul3A_199, %convert_element_type3A_201 : vector<896x128xf32>
    %swap3A_203 = arith.constant 0 : index
    %swap3A_204 = arith.constant 0 : index
    %swap3A_205 = vector.load %arg15[%swap3A_203, %swap3A_204] : memref<896x128xf32, #tpu.memory_space<vmem>>, vector<896x128xf32>
    tpu.vector_store %arg15[%swap3A_203, %swap3A_204], %mul3A_202 {strides = array<i32>} : memref<896x128xf32, #tpu.memory_space<vmem>>, vector<896x128xf32>,
    %jit3A_206 = arith.constant 0.000000e+00 : f32
    %jit3A_207 = arith.constant 2.230000e+02 : f32
    %max3A = vector.broadcast %jit3A_206 : f32 to vector<896x128xf32>
    %max3A_208 = arith.maximumf %max3A, %add3A_165 : vector<896x128xf32>
    %min3A = vector.broadcast %jit3A_207 : f32 to vector<896x128xf32>
    %min3A_209 = arith.minimumf %min3A, %max3A_208 : vector<896x128xf32>
    %convert_element_type3A_210 = arith.fptosi %min3A_209 : vector<896x128xf32> to vector<896x128xi32>
    %jit3A_211 = arith.constant 0.000000e+00 : f32
    %jit3A_212 = arith.constant 2.230000e+02 : f32
    %max3A_213 = vector.broadcast %jit3A_211 : f32 to vector<896x128xf32>
    %max3A_214 = arith.maximumf %max3A_213, %add3A_166 : vector<896x128xf32>
    %min3A_215 = vector.broadcast %jit3A_212 : f32 to vector<896x128xf32>
    %min3A_216 = arith.minimumf %min3A_215, %max3A_214 : vector<896x128xf32>
    %convert_element_type3A_217 = arith.fptosi %min3A_216 : vector<896x128xf32> to vector<896x128xi32>
    %jit3A_218 = arith.constant 56 : i32
    %div3A_219 = arith.divsi %arg0, %jit3A_218 : i32
    %sign3A_220 = arith.constant 0 : i32
    %sign3A_221 = arith.cmpi sgt, %arg0, %sign3A_220 : i32
    %sign3A_222 = arith.extui %sign3A_221 : i1 to i32
    %sign3A_223 = arith.constant 0 : i32
    %sign3A_224 = arith.cmpi slt, %arg0, %sign3A_223 : i32
    %sign3A_225 = arith.extui %sign3A_224 : i1 to i32
    %sign3A_226 = arith.subi %sign3A_222, %sign3A_225 : i32
    %sign3A_227 = arith.constant 0 : i32
    %sign3A_228 = arith.cmpi sgt, %jit3A_218, %sign3A_227 : i32
    %sign3A_229 = arith.extui %sign3A_228 : i1 to i32
    %sign3A_230 = arith.constant 0 : i32
    %sign3A_231 = arith.cmpi slt, %jit3A_218, %sign3A_230 : i32
    %sign3A_232 = arith.extui %sign3A_231 : i1 to i32
    %sign3A_233 = arith.subi %sign3A_229, %sign3A_232 : i32
    %ne3A_234 = arith.cmpi ne, %sign3A_226, %sign3A_233 : i32
    %rem3A_235 = arith.remsi %arg0, %jit3A_218 : i32
    %ne3A_236 = arith.constant 0 : i32
    %ne3A_237 = arith.cmpi ne, %rem3A_235, %ne3A_236 : i32
    %and3A_238 = arith.andi %ne3A_234, %ne3A_237 : i1
    %sub3A_239 = arith.constant 1 : i32
    %sub3A_240 = arith.subi %div3A_219, %sub3A_239 : i32
    %select_n3A_241 = arith.select %and3A_238, %sub3A_240, %div3A_219 : i32
    %mul3A_242 = arith.constant 50176 : i32
    %mul3A_243 = arith.muli %select_n3A_241, %mul3A_242 : i32
    %mul3A_244 = arith.constant 224 : i32
    %mul3A_245 = vector.broadcast %mul3A_244 : i32 to vector<896x128xi32>
    %mul3A_246 = arith.muli %convert_element_type3A_217, %mul3A_245 : vector<896x128xi32>
    %add3A_247 = vector.broadcast %mul3A_243 : i32 to vector<896x128xi32>
    %add3A_248 = arith.addi %add3A_247, %mul3A_246 : vector<896x128xi32>
    %add3A_249 = arith.addi %add3A_248, %convert_element_type3A_210 : vector<896x128xi32>
    %mul3A_250 = arith.constant 8 : i32
    %mul3A_251 = vector.broadcast %mul3A_250 : i32 to vector<896x128xi32>
    %mul3A_252 = arith.muli %add3A_249, %mul3A_251 : vector<896x128xi32>
    %jit3A_253 = arith.constant 16 : i32
    %div3A_254 = vector.broadcast %jit3A_253 : i32 to vector<896x128xi32>
    %div3A_255 = arith.divsi %iota3A_83, %div3A_254 : vector<896x128xi32>
    %sign3A_256 = arith.constant 0 : i32
    %sign3A_257 = vector.broadcast %sign3A_256 : i32 to vector<896x128xi32>
    %sign3A_258 = arith.cmpi sgt, %iota3A_83, %sign3A_257 : vector<896x128xi32>
    %sign3A_259 = arith.extui %sign3A_258 : vector<896x128xi1> to vector<896x128xi32>
    %sign3A_260 = arith.constant 0 : i32
    %sign3A_261 = vector.broadcast %sign3A_260 : i32 to vector<896x128xi32>
    %sign3A_262 = arith.cmpi slt, %iota3A_83, %sign3A_261 : vector<896x128xi32>
    %sign3A_263 = arith.extui %sign3A_262 : vector<896x128xi1> to vector<896x128xi32>
    %sign3A_264 = arith.subi %sign3A_259, %sign3A_263 : vector<896x128xi32>
    %sign3A_265 = arith.constant 0 : i32
    %sign3A_266 = arith.cmpi sgt, %jit3A_253, %sign3A_265 : i32
    %sign3A_267 = arith.extui %sign3A_266 : i1 to i32
    %sign3A_268 = arith.constant 0 : i32
    %sign3A_269 = arith.cmpi slt, %jit3A_253, %sign3A_268 : i32
    %sign3A_270 = arith.extui %sign3A_269 : i1 to i32
    %sign3A_271 = arith.subi %sign3A_267, %sign3A_270 : i32
    %ne3A_272 = vector.broadcast %sign3A_271 : i32 to vector<896x128xi32>
    %ne3A_273 = arith.cmpi ne, %sign3A_264, %ne3A_272 : vector<896x128xi32>
    %rem3A_274 = vector.broadcast %jit3A_253 : i32 to vector<896x128xi32>
    %rem3A_275 = arith.remsi %iota3A_83, %rem3A_274 : vector<896x128xi32>
    %ne3A_276 = arith.constant 0 : i32
    %ne3A_277 = vector.broadcast %ne3A_276 : i32 to vector<896x128xi32>
    %ne3A_278 = arith.cmpi ne, %rem3A_275, %ne3A_277 : vector<896x128xi32>
    %and3A_279 = arith.andi %ne3A_273, %ne3A_278 : vector<896x128xi1>
    %sub3A_280 = arith.constant 1 : i32
    %sub3A_281 = vector.broadcast %sub3A_280 : i32 to vector<896x128xi32>
    %sub3A_282 = arith.subi %div3A_255, %sub3A_281 : vector<896x128xi32>
    %select_n3A_283 = arith.select %and3A_279, %sub3A_282, %div3A_255 : vector<896x128xi1>, vector<896x128xi32>
    %add3A_284 = arith.addi %mul3A_252, %select_n3A_283 : vector<896x128xi32>
    %swap3A_285 = arith.constant 0 : index
    %swap3A_286 = arith.constant 0 : index
    %swap3A_287 = vector.load %arg14[%swap3A_285, %swap3A_286] : memref<896x128xi32, #tpu.memory_space<vmem>>, vector<896x128xi32>
    tpu.vector_store %arg14[%swap3A_285, %swap3A_286], %add3A_284 {strides = array<i32>} : memref<896x128xi32, #tpu.memory_space<vmem>>, vector<896x128xi32>,
    return
  }
  func.func @transform_0(%arg0: i32) -> (i32, i32, i32) {
    %jit3A = arith.constant 56 : i32
    %div3A = arith.divsi %arg0, %jit3A : i32
    %sign3A = arith.constant 0 : i32
    %sign3A_0 = arith.cmpi sgt, %arg0, %sign3A : i32
    %sign3A_1 = arith.extui %sign3A_0 : i1 to i32
    %sign3A_2 = arith.constant 0 : i32
    %sign3A_3 = arith.cmpi slt, %arg0, %sign3A_2 : i32
    %sign3A_4 = arith.extui %sign3A_3 : i1 to i32
    %sign3A_5 = arith.subi %sign3A_1, %sign3A_4 : i32
    %sign3A_6 = arith.constant 0 : i32
    %sign3A_7 = arith.cmpi sgt, %jit3A, %sign3A_6 : i32
    %sign3A_8 = arith.extui %sign3A_7 : i1 to i32
    %sign3A_9 = arith.constant 0 : i32
    %sign3A_10 = arith.cmpi slt, %jit3A, %sign3A_9 : i32
    %sign3A_11 = arith.extui %sign3A_10 : i1 to i32
    %sign3A_12 = arith.subi %sign3A_8, %sign3A_11 : i32
    %ne3A = arith.cmpi ne, %sign3A_5, %sign3A_12 : i32
    %rem3A = arith.remsi %arg0, %jit3A : i32
    %ne3A_13 = arith.constant 0 : i32
    %ne3A_14 = arith.cmpi ne, %rem3A, %ne3A_13 : i32
    %and3A = arith.andi %ne3A, %ne3A_14 : i1
    %sub3A = arith.constant 1 : i32
    %sub3A_15 = arith.subi %div3A, %sub3A : i32
    %select_n3A = arith.select %and3A, %sub3A_15, %div3A : i32
    %jit3A_16 = arith.constant 56 : i32
    %eq3A = arith.constant 0 : i32
    %eq3A_17 = arith.cmpi eq, %jit3A_16, %eq3A : i32
    %jit3A_18 = arith.constant 1 : i32
    %select_n3A_19 = arith.select %eq3A_17, %jit3A_18, %jit3A_16 : i32
    %rem3A_20 = arith.remsi %arg0, %select_n3A_19 : i32
    %ne3A_21 = arith.constant 0 : i32
    %ne3A_22 = arith.cmpi ne, %rem3A_20, %ne3A_21 : i32
    %lt3A = arith.constant 0 : i32
    %lt3A_23 = arith.cmpi slt, %rem3A_20, %lt3A : i32
    %lt3A_24 = arith.constant 0 : i32
    %lt3A_25 = arith.cmpi slt, %select_n3A_19, %lt3A_24 : i32
    %ne3A_26 = arith.xori %lt3A_23, %lt3A_25 : i1
    %and3A_27 = arith.andi %ne3A_26, %ne3A_22 : i1
    %add3A = arith.addi %rem3A_20, %select_n3A_19 : i32
    %select_n3A_28 = arith.select %and3A_27, %add3A, %rem3A_20 : i32
    %c0_i32 = arith.constant 0 : i32
    %c0_i32_29 = arith.constant 0 : i32
    return %select_n3A, %c0_i32, %select_n3A_28 : i32, i32, i32
  }
  func.func @transform_1(%arg0: i32) -> (i32, i32, i32) {
    %jit3A = arith.constant 56 : i32
    %div3A = arith.divsi %arg0, %jit3A : i32
    %sign3A = arith.constant 0 : i32
    %sign3A_0 = arith.cmpi sgt, %arg0, %sign3A : i32
    %sign3A_1 = arith.extui %sign3A_0 : i1 to i32
    %sign3A_2 = arith.constant 0 : i32
    %sign3A_3 = arith.cmpi slt, %arg0, %sign3A_2 : i32
    %sign3A_4 = arith.extui %sign3A_3 : i1 to i32
    %sign3A_5 = arith.subi %sign3A_1, %sign3A_4 : i32
    %sign3A_6 = arith.constant 0 : i32
    %sign3A_7 = arith.cmpi sgt, %jit3A, %sign3A_6 : i32
    %sign3A_8 = arith.extui %sign3A_7 : i1 to i32
    %sign3A_9 = arith.constant 0 : i32
    %sign3A_10 = arith.cmpi slt, %jit3A, %sign3A_9 : i32
    %sign3A_11 = arith.extui %sign3A_10 : i1 to i32
    %sign3A_12 = arith.subi %sign3A_8, %sign3A_11 : i32
    %ne3A = arith.cmpi ne, %sign3A_5, %sign3A_12 : i32
    %rem3A = arith.remsi %arg0, %jit3A : i32
    %ne3A_13 = arith.constant 0 : i32
    %ne3A_14 = arith.cmpi ne, %rem3A, %ne3A_13 : i32
    %and3A = arith.andi %ne3A, %ne3A_14 : i1
    %sub3A = arith.constant 1 : i32
    %sub3A_15 = arith.subi %div3A, %sub3A : i32
    %select_n3A = arith.select %and3A, %sub3A_15, %div3A : i32
    %jit3A_16 = arith.constant 56 : i32
    %eq3A = arith.constant 0 : i32
    %eq3A_17 = arith.cmpi eq, %jit3A_16, %eq3A : i32
    %jit3A_18 = arith.constant 1 : i32
    %select_n3A_19 = arith.select %eq3A_17, %jit3A_18, %jit3A_16 : i32
    %rem3A_20 = arith.remsi %arg0, %select_n3A_19 : i32
    %ne3A_21 = arith.constant 0 : i32
    %ne3A_22 = arith.cmpi ne, %rem3A_20, %ne3A_21 : i32
    %lt3A = arith.constant 0 : i32
    %lt3A_23 = arith.cmpi slt, %rem3A_20, %lt3A : i32
    %lt3A_24 = arith.constant 0 : i32
    %lt3A_25 = arith.cmpi slt, %select_n3A_19, %lt3A_24 : i32
    %ne3A_26 = arith.xori %lt3A_23, %lt3A_25 : i1
    %and3A_27 = arith.andi %ne3A_26, %ne3A_22 : i1
    %add3A = arith.addi %rem3A_20, %select_n3A_19 : i32
    %select_n3A_28 = arith.select %and3A_27, %add3A, %rem3A_20 : i32
    %c0_i32 = arith.constant 0 : i32
    %c0_i32_29 = arith.constant 0 : i32
    return %select_n3A, %c0_i32, %select_n3A_28 : i32, i32, i32
  }
  func.func @transform_2(%arg0: i32) -> (i32, i32) {
    %c0_i32 = arith.constant 0 : i32
    %c0_i32_0 = arith.constant 0 : i32
    %c0_i32_1 = arith.constant 0 : i32
    return %c0_i32, %c0_i32_0 : i32, i32
  }
  func.func @transform_3(%arg0: i32) -> (i32, i32) {
    %c0_i32 = arith.constant 0 : i32
    %c0_i32_0 = arith.constant 0 : i32
    %c0_i32_1 = arith.constant 0 : i32
    return %c0_i32, %c0_i32_0 : i32, i32
  }
  func.func @transform_4(%arg0: i32) -> (i32, i32) {
    %c0_i32 = arith.constant 0 : i32
    %c0_i32_0 = arith.constant 0 : i32
    %c0_i32_1 = arith.constant 0 : i32
    return %c0_i32, %c0_i32_0 : i32, i32
  }
  func.func @transform_5(%arg0: i32) -> (i32, i32) {
    %c0_i32 = arith.constant 0 : i32
    %c0_i32_0 = arith.constant 0 : i32
    %c0_i32_1 = arith.constant 0 : i32
    return %c0_i32, %c0_i32_0 : i32, i32
  }
  func.func @transform_6(%arg0: i32) -> (i32, i32) {
    %c0_i32 = arith.constant 0 : i32
    %c0_i32_0 = arith.constant 0 : i32
    %c0_i32_1 = arith.constant 0 : i32
    return %c0_i32, %c0_i32_0 : i32, i32
  }
  func.func @transform_7(%arg0: i32) -> (i32, i32) {
    %c0_i32 = arith.constant 0 : i32
    %c0_i32_0 = arith.constant 0 : i32
    %c0_i32_1 = arith.constant 0 : i32
    return %c0_i32, %c0_i32_0 : i32, i32
  }
  func.func @transform_8(%arg0: i32) -> (i32, i32) {
    %c0_i32 = arith.constant 0 : i32
    %c0_i32_0 = arith.constant 0 : i32
    %c0_i32_1 = arith.constant 0 : i32
    return %c0_i32, %c0_i32_0 : i32, i32
  }
  func.func @transform_9(%arg0: i32) -> (i32, i32) {
    %c0_i32 = arith.constant 0 : i32
    %c0_i32_0 = arith.constant 0 : i32
    %c0_i32_1 = arith.constant 0 : i32
    return %c0_i32, %c0_i32_0 : i32, i32
  }
  func.func @transform_10(%arg0: i32) -> (i32, i32) {
    %c0_i32 = arith.constant 0 : i32
    %c0_i32_0 = arith.constant 0 : i32
    %c0_i32_1 = arith.constant 0 : i32
    return %c0_i32, %c0_i32_0 : i32, i32
  }
  func.func @transform_11(%arg0: i32) -> (i32, i32) {
    %c0_i32 = arith.constant 0 : i32
    %c0_i32_0 = arith.constant 0 : i32
    %c0_i32_1 = arith.constant 0 : i32
    return %c0_i32, %c0_i32_0 : i32, i32
  }
  func.func @transform_12(%arg0: i32) -> (i32, i32) {
    %c0_i32 = arith.constant 0 : i32
    %c0_i32_0 = arith.constant 0 : i32
    return %arg0, %c0_i32 : i32, i32
  }
  func.func @transform_13(%arg0: i32) -> (i32, i32) {
    %c0_i32 = arith.constant 0 : i32
    %c0_i32_0 = arith.constant 0 : i32
    return %arg0, %c0_i32 : i32, i32
  }
  func.func @transform_14(%arg0: i32) -> (i32, i32) {
    %c0_i32 = arith.constant 0 : i32
    %c0_i32_0 = arith.constant 0 : i32
    return %arg0, %c0_i32 : i32, i32
  }
}

</mosaic_0001>

<sc_bundles>
// kernel: kernel.5.cloned.1.call-start
scs
__scs_entry_jumppad:
0x0: {  	(pc) =	sbr.rel $0x88, $3  }
0x1: {  	(tag) =	ssettag $0x0;
	lr =	simm.s32 $0x1  }
0x2: {  	[smem:$0x3F97] =	sst lr;
	_ =	strace $0xD0000000  }
0x3: {  	_ = 	snop  }
0x4: {  	_ = 	snop  }
0x5: {  	_ = 	snop  }
0x6: {  	_ = 	snop  }
0x7: {  	_ = 	snop  }
__scs_overlays_trampoline_lowered:
0x8: {  	[smem:$0x3FA6] =	sst s0  }
0x9: {  	[smem:$0x3FA7] =	sst s1  }
0xa: {  	[smem:$0x3FA8] =	sst s2  }
0xb: {  	[smem:$0x3FA9] =	sst s3  }
0xc: {  	[smem:$0x3FAA] =	sst s4  }
0xd: {  	[smem:$0x3FAB] =	sst s5  }
0xe: {  	[smem:$0x3FAC] =	sst s6  }
0xf: {  	[smem:$0x3FAD] =	sst s7  }
0x10: {  	[smem:$0x3FAE] =	sst s8  }
0x11: {  	[smem:$0x3FAF] =	sst s9;
	s0 =	simm.s32 @!p0 $0x0  }
0x12: {  	s1 =	sld [smem:$0x3F95];
	s0 =	simm.s32 @p0 $0x1  }
0x13: {  	[smem:$0x3FB0] =	sst s0;
	s0 =	simm.s32 @!p1 $0x0  }
0x14: {  	s2 =	sld [smem:$0x3F94];
	s0 =	simm.s32 @p1 $0x1  }
0x15: {  	[smem:$0x3FB1] =	sst s0;
	s0 =	simm.s32 @!p2 $0x0  }
0x16: {  	s3 =	sld [smem:$0x3FDB];
	s0 =	simm.s32 @p2 $0x1  }
0x17: {  	s4 =	simm.s32 $0x1BF5;
	[smem:$0x3FB3] =	sst s0  }
0x18: {  	s0 =	sld [smem:$0x3F96];
	_ =	swait.ge [sflag:s4], $0x0  }
0x19: {  	s7 =	sld [smem:$0x3F97]  }
0x1a: {  	s8 =	sadd.s32 $0xFFFFE003, lr  }
0x1b: {  	s9 =	sadd.s32 $0xFFFFFEF7, lr;
	s5 =	simm.s32 $0xFFFFFFFF;
	p2 =	slt.u32 s8, $0xFFFFF086  }
0x1c: {  	p1 =	slt.u32 s9, $0xF7A;
	s5 =	simm.s32 @!p2 $0x0  }
0x1d: {  	s5 =	simm.s32 @p1 $0x1;
	p0 =	seq.s32 s7, s2  }
0x1e: {  	s7 =	smul.u32 @!p0 $0xF7A, s2;
	p2 =	seq.s32 @!p0 s5, $0x0  }
0x1f: {  	s9 =	smul.u32 $0xF7A, s1;
	s8 =	simm.s32 @!p0 $0x1BF5;
	p2 =	por !p2, p0  }
0x20: {  	[sflag:s8] =	ssyncset.s32 @!p0 $0xFFFFF086;
	s6 =	sadd.s32 @!p0 s3, s7;
	s7 =	simm.s32 @!p0 $0x108  }
0x21: {  	s3 =	sadd.s32 s3, s9;
	s6 =	sadd.s32 @!p0 $0x88, s6;
	s7 =	simm.s32 @p2 $0x1082  }
0x22: {  	[simem:s7], [sflag:s8] =	dma.local @!p0 [hbm:s6], $0xF7A  }
0x23: {  	s9 =	sor.u32 $0xD0000000, s2;
	s6 =	simm.s32 $0x108;
	_ =	swait.ge @!p0 [sflag:s8], $0x0  }
0x24: {  	s3 =	sadd.s32 $0x88, s3;
	s6 =	simm.s32 @!p1 $0x1082;
	[sflag:s4] =	ssyncset.s32 $0xFFFFF086  }
0x25: {  	[simem:s6], [sflag:s4] =	dma.local [hbm:s3], $0xF7A  }
0x26: {  	[smem:$0x3F97] =	sst s1;
	(tag) =	ssettag s2;
	_ =	strace s9  }
0x27: {  	s1 =	sld [smem:$0x3FA7]  }
0x28: {  	s2 =	sld [smem:$0x3FA8]  }
0x29: {  	s4 =	sld [smem:$0x3FAA]  }
0x2a: {  	p0 =	seq.s32 s5, $0x0;
	s5 =	sld [smem:$0x3FAB]  }
0x2b: {  	s6 =	sld [smem:$0x3FAC]  }
0x2c: {  	s7 =	sld [smem:$0x3FAD]  }
0x2d: {  	s3 =	simm.s32 $0x108;
	s8 =	sld [smem:$0x3FAE]  }
0x2e: {  	s3 =	simm.s32 @!p0 $0x1082;
	s9 =	sld [smem:$0x3FAF]  }
0x2f: {  	lr =	sadd.s32 s0, s3;
	s0 =	sld [smem:$0x3FA6]  }
0x30: {  	s3 =	sld [smem:$0x3FA9]  }
0x31: {  	[smem:$0x3FB2] =	sst s10  }
0x32: {  	s10 =	sld [smem:$0x3FB0];
	_ =	sdelay $0x3  }
0x33: {  	p0 =	seq.s32 s10, $0x1;
	s10 =	sld [smem:$0x3FB2];
	_ =	sdelay $0x3  }
0x34: {  	[smem:$0x3FB2] =	sst s10  }
0x35: {  	s10 =	sld [smem:$0x3FB1];
	_ =	sdelay $0x3  }
0x36: {  	p1 =	seq.s32 s10, $0x1;
	s10 =	sld [smem:$0x3FB2];
	_ =	sdelay $0x3  }
0x37: {  	[smem:$0x3FB2] =	sst s10  }
0x38: {  	s10 =	sld [smem:$0x3FB3]  }
0x39: {  	_ = 	snop;
	(pc) =	sbr.ind lr, $3  }
0x3a: {  	_ = 	snop  }
0x3b: {  	_ = 	snop  }
0x3c: {  	p2 =	seq.s32 s10, $0x1;
	s10 =	sld [smem:$0x3FB2]  }
0x3d: {  	_ =	shalt  }
0x3e: {  	_ =	shalt  }
0x3f: {  	_ =	shalt  }
0x40: {  	_ =	shalt  }
0x41: {  	_ =	shalt  }
0x42: {  	_ =	shalt  }
0x43: {  	_ =	shalt  }
0x44: {  	_ =	shalt  }
0x45: {  	_ =	shalt  }
0x46: {  	_ =	shalt  }
0x47: {  	_ =	shalt  }
0x48: {  	_ =	shalt  }
0x49: {  	_ =	shalt  }
0x4a: {  	_ =	shalt  }
0x4b: {  	_ =	shalt  }
0x4c: {  	_ =	shalt  }
0x4d: {  	_ =	shalt  }
0x4e: {  	_ =	shalt  }
0x4f: {  	_ =	shalt  }
0x50: {  	_ =	shalt  }
0x51: {  	_ =	shalt  }
0x52: {  	_ =	shalt  }
0x53: {  	_ =	shalt  }
0x54: {  	_ =	shalt  }
0x55: {  	_ =	shalt  }
0x56: {  	_ =	shalt  }
0x57: {  	_ =	shalt  }
0x58: {  	_ =	shalt  }
0x59: {  	_ =	shalt  }
0x5a: {  	_ =	shalt  }
0x5b: {  	_ =	shalt  }
0x5c: {  	_ =	shalt  }
0x5d: {  	_ =	shalt  }
0x5e: {  	_ =	shalt  }
0x5f: {  	_ =	shalt  }
0x60: {  	_ =	shalt  }
0x61: {  	_ =	shalt  }
0x62: {  	_ =	shalt  }
0x63: {  	_ =	shalt  }
0x64: {  	_ =	shalt  }
0x65: {  	_ =	shalt  }
0x66: {  	_ =	shalt  }
0x67: {  	_ =	shalt  }
0x68: {  	_ =	shalt  }
0x69: {  	_ =	shalt  }
0x6a: {  	_ =	shalt  }
0x6b: {  	_ =	shalt  }
0x6c: {  	_ =	shalt  }
0x6d: {  	_ =	shalt  }
0x6e: {  	_ =	shalt  }
0x6f: {  	_ =	shalt  }
0x70: {  	_ =	shalt  }
0x71: {  	_ =	shalt  }
0x72: {  	_ =	shalt  }
0x73: {  	_ =	shalt  }
0x74: {  	_ =	shalt  }
0x75: {  	_ =	shalt  }
0x76: {  	_ =	shalt  }
0x77: {  	_ =	shalt  }
0x78: {  	_ =	shalt  }
0x79: {  	_ =	shalt  }
0x7a: {  	_ =	shalt  }
0x7b: {  	_ =	shalt  }
0x7c: {  	_ =	shalt  }
0x7d: {  	_ =	shalt  }
0x7e: {  	_ =	shalt  }
0x7f: {  	_ =	shalt  }
0x80: {  	_ =	shalt  }
0x81: {  	_ =	shalt  }
0x82: {  	_ =	shalt  }
0x83: {  	_ =	shalt  }
0x84: {  	_ =	shalt  }
0x85: {  	_ =	shalt  }
0x86: {  	_ =	shalt  }
0x87: {  	_ =	shalt  }
.Lfunc_end0:
.L_simem_size_0:
called_computation_lowered:
.L_overlay_start_0:
0x88: {  	s2 =	sld [smem:$0x3FD9]  }
0x89: {  	s3 =	sld [smem:$0x3FFE];
	_ =	sdelay $0x1  }
0x8a: {  	s1 =	srdreg.scid  }
0x8b: {  	s0 =	sand.u32 $0x1, s1  }
0x8c: {  	s16 =	sshll.u32 s0, $0xA;
	s2 =	sadd.s32 s3, s2  }
0x8d: {  	s2 =	sadd.s32 s2, s16  }
0x8e: {  	[smem:$0x3FBE] =	sst s2  }
0x8f: {  	_ = 	snop  }
0x90: {  	(tm) =	ssettm $0x1  }
0x91: {  	s17 =	sld [smem:$0x3FFB];
	_ =	sdelay $0x3  }
0x92: {  	_ =	strace s17  }
0x93: {  	s2 =	sld [smem:$0x3FFC];
	_ =	sdelay $0x3  }
0x94: {  	_ =	strace s2  }
0x95: {  	s2 =	sld [smem:$0x3FFD];
	_ =	sdelay $0x3  }
0x96: {  	_ =	strace s2  }
0x97: {  	_ =	strace $0x8FFFFFFF  }
0x98: {  	s18 =	sld [smem:$0x3FDB];
	_ =	sdelay $0x1  }
0x99: {  	s19 =	simm.s32 $_scs_section_size  }
0x9a: {  	s4 =	simm.s32 $_size__tile_overlayer_lowered;
	s5 =	simm.s32 $_tile_overlayer_lowered  }
0x9b: {  	s22 =	simm.s32 $0x1BFF;
	s21 =	sshll.u32 s5, $0x1;
	s2 =	sadd.s32 s19, s18  }
0x9c: {  	s6 =	simm.s32 $0x0;
	s20 =	sshll.u32 s4, $0x1;
	s4 =	sadd.s32 s21, s2  }
0x9d: {  	[timem:s6], [sflag:s22] =	dma.local [hbm:s4], s20  }
0x9e: {  	_ =	swait.ge [sflag:s22], s20  }
0x9f: {  	s3 =	ssub.s32 $0x0, s20;
	[sflag:s22] =	ssyncset.done $0x0  }
0xa0: {  	[sflag:s22] =	ssyncadd.s32 s3;
	_ =	sdelay $0x1  }
0xa1: {  	s23 =	simm.s32 $0x1B8B  }
0xa2: {  	_ =	swait.ge [sflag:s23], $0x1  }
0xa3: {  	[sflag:s23] =	ssyncset.done $0x0  }
0xa4: {  	s25 =	simm.s32 $0x1B8E;
	s24 =	sld [smem:$0x3FFE];
	[sflag:s23] =	ssyncadd.s32 $0xFFFFFFFF  }
0xa5: {  	s26 =	simm.s32 $execute0_lowered;
	[smem:$0x3FD2] =	sst s25  }
0xa6: {  	s4 =	sshll.u32 s26, $0x1;
	_ =	strace $0x80000046;
	[dreg:$0x1] =	wrdreg $0xFFFFFFFF  }
0xa7: {  	s28 =	simm.s32 $_size_execute0_lowered;
	s2 =	sadd.s32 s2, s4;
	[dreg:$0x0] =	wrdreg $0x0  }
0xa8: {  	s4 =	sshll.u32 s28, $0x1;
	[dreg:$0x2] =	wrdreg s2  }
0xa9: {  	[dreg:$0x3] =	wrdreg s4  }
0xaa: {  	[dreg:$0x4] =	wrdreg $0xC0  }
0xab: {  	_ =	task [dreg:s6], $0x5FFFF  }
0xac: {  	[dreg:$0x1] =	wrdreg $0xFFFFFFFF  }
0xad: {  	[dreg:$0x0] =	wrdreg $0x60  }
0xae: {  	[dreg:$0x2] =	wrdreg s24  }
0xaf: {  	[dreg:$0x3] =	wrdreg $0x9  }
0xb0: {  	_ =	task.clear_ibuf [dreg:s6], $0x4FFFF;
	_ =	strace $0x90000046  }
0xb1: {  	s29 =	simm.s32 $0x9;
	_ =	strace $0x80000048  }
0xb2: {  	_ =	swait.ge [sflag:s29], $0x1  }
0xb3: {  	[sflag:s29] =	ssyncadd.s32 $0xFFFFFFFF  }
0xb4: {  	_ =	strace $0x90000048  }
0xb5: {  	_ =	sfence  }
0xb6: {  	s30 =	sld [smem:$0x0];
	_ =	sdelay $0x2  }
0xb7: {  	s31 =	sshll.u32 s1, $0xD;
	s1 =	sshrl.u32 s1, $0x2  }
0xb8: {  	s3 =	sand.u32 $0x4000, s31;
	s1 =	sadd.s32 s1, s30  }
0xb9: {  	s0 =	sor.u32 s3, s0;
	s1 =	sshll.u32 s1, $0x11  }
0xba: {  	s0 =	sor.u32 s1, s0  }
0xbb: {  	s0 =	sadd.s32 $0x8F2B, s0  }
0xbc: {  	[sflag:s0] =	ssyncadd.remote.s32 $0x1  }
0xbd: {  	_ =	sfence.sel $0xFFFF  }
0xbe: {  	[dreg:$0x0] =	wrdreg $0xFFFFFFFF;
	(pc) =	sbr.abs _section_cstart, $3  }
0xbf: {  	[dreg:$0x1] =	wrdreg $0xFFFFFFFF  }
0xc0: {  	_ =	task.clear_ibuf [dreg:s6], $0x2FFFF;
	_ =	strace $0x9FFFFFFF  }
0xc1: {  	(tm) =	ssettm $0x7FFFFFFF  }
tec
execute0_lowered:
.L_overlay_start_1:
0x0: {  	(tag) =	ssettag $0x1  }
0x1: {  	s0 =	rddreg [dreg:$0x0];
	s1 =	srdreg.scid  }
0x2: {  	s3 =	stileid.u32;
	s2 =	simm.s32 $0x0;
	s16 =	simm.s32 $0x800  }
0x3: {  	s18 =	simm.s32 $0x1;
	s19 =	simm.s32 $0x80;
	s28 =	simm.s32 $0xE80  }
0x4: {  	s29 =	simm.s32 $0x10800;
	s30 =	simm.s32 $0xF00;
	s31 =	simm.s32 $0x11000  }
0x5: {  	s15 =	simm.s32 $0x12800;
	s17 =	simm.s32 $0x3;
	s1 =	sand.u32 $0x1, s1  }
0x6: {  	s3 =	sshll.u32 s3, $0x1;
	[smem:$0x7FF] =	sst s2;
	s4 =	sadd.s32 $0x189800, s0  }
0x7: {  	s5 =	sadd.s32 $0x311800, s0;
	s8 =	sor.u32 s1, s3;
	s1 =	ssub.s32 $0x2, s1  }
0x8: {  	s6 =	sadd.s32 $0x499800, s0;
	s3 =	smul.u32 $0x62000, s8;
	s9 =	sshrl.u32 s1, $0x1  }
0x9: {  	s7 =	sadd.s32 $0x1800, s0;
	s8 =	smul.u32 $0xC400, s8;
	s20 =	ssub.s32 s1, s9  }
0xa: {  	_ =	strace $0x80000047;
	s10 =	sshrl.u32 s3, $0x3;
	s0 =	smax.u32 s20, $0x1  }
0xb: {  	s26 =	sadd.s32 s8, s7;
	s20 =	simm.s32 $0x2;
	s21 =	sadd.s32 s5, s10  }
0xc: {  	v0 =	vimm.s32 $0x0;
	s22 =	sadd.s32 s6, s10;
	s23 =	sor.u32 $0x100, s10;
	s25 =	sadd.s32 s7, s10  }
0xd: {  	v1 =	vimm.s32 $0x1;
	v2 =	vimm.s32 $0x2;
	v3 =	vimm.s32 $0x3;
	[dreg:$0x6] =	wrdreg s0;
	s14 =	sadd.s32 $0x100, s26;
	s26 =	simm.s32 $0x10000  }
0xe: {  	v4 =	vimm.s32 $0x4;
	v5 =	vimm.s32 $0x5;
	v6 =	vimm.s32 $0x6;
	s0 =	simm.s32 $0xF80;
	s10 =	simm.s32 $0x0;
	[dreg:$0x2] =	wrdreg s21  }
0xf: {  	v7 =	vimm.s32 $0x7;
	v8 =	vimm.s32 $0x8;
	v9 =	vimm.s32 $0x9;
	[dreg:$0x3] =	wrdreg s22;
	s24 =	sadd.s32 s5, s23;
	s1 =	sadd.s32 s6, s23  }
0x10: {  	v10 =	vimm.s32 $0xA;
	v11 =	vimm.s32 $0xB;
	v12 =	vimm.s32 $0xC;
	s12 =	sadd.s32 $0xC200, s25;
	s25 =	simm.s32 $0xE00;
	[dreg:$0x4] =	wrdreg s24  }
0x11: {  	v13 =	vimm.s32 $0xD;
	v14 =	vimm.s32 $0xE;
	v15 =	vimm.s32 $0xF;
	[dreg:$0x5] =	wrdreg s1;
	s24 =	simm.s32 $0xF800;
	s1 =	simm.s32 $0x11800  }
.LBB2_1:
0x12: {  	[dreg:$0x7] =	wrdreg s10  }
0x13: {  	s8 =	rddreg [dreg:$0x2]  }
0x14: {  	[tilespmem:s2], [sflag:$0x1] =	stream.linear.gather [hbm4b:s8+s2], $0x800, $0x38;
	[tilespmem:$0x13000] =	vst v63  }
0x15: {  	s13 =	rddreg [dreg:$0x3];
	s9 =	simm.s32 $0x1000  }
0x16: {  	[tilespmem:s9], [sflag:$0x1] =	stream.linear.gather [hbm4b:s13+s2], $0x800, $0x38;
	[tilespmem:$0x13000] =	vst v63  }
0x17: {  	s21 =	rddreg [dreg:$0x4]  }
0x18: {  	[tilespmem:s16], [sflag:$0x2] =	stream.linear.gather [hbm4b:s21+s2], $0x800, $0x38;
	[tilespmem:$0x13000] =	vst v63  }
0x19: {  	s22 =	rddreg [dreg:$0x5];
	s23 =	simm.s32 $0x1800  }
0x1a: {  	[tilespmem:s23], [sflag:$0x2] =	stream.linear.gather [hbm4b:s22+s2], $0x800, $0x38;
	[tilespmem:$0x13000] =	vst v63  }
0x1b: {  	_ =	swait.ge [sflag:s18], $0x800  }
0x1c: {  	[sflag:s18] =	ssyncset.done $0x0  }
0x1d: {  	s10 =	simm.s32 $0x2000;
	[sflag:s18] =	ssyncadd.s32 $0xFFFFF800  }
0x1e: {  	[tilespmem:s10], [sflag:$0x1] =	stream.indirect.gather [hbm4b:s4+s19], $0x10, s2, s19, $0xb8;
	[tilespmem:$0x13000] =	vst v63  }
0x1f: {  	s11 =	simm.s32 $0x2800  }
0x20: {  	[tilespmem:s11], [sflag:$0x1] =	stream.indirect.gather [hbm4b:s4+s19], $0x10, s19, s19, $0xb8;
	[tilespmem:$0x13000] =	vst v63  }
0x21: {  	s13 =	simm.s32 $0x100;
	s21 =	simm.s32 $0x3000  }
0x22: {  	[tilespmem:s21], [sflag:$0x1] =	stream.indirect.gather [hbm4b:s4+s19], $0x10, s13, s19, $0xb8;
	[tilespmem:$0x13000] =	vst v63  }
0x23: {  	s22 =	simm.s32 $0x180;
	s23 =	simm.s32 $0x3800  }
0x24: {  	[tilespmem:s23], [sflag:$0x1] =	stream.indirect.gather [hbm4b:s4+s19], $0x10, s22, s19, $0xb8;
	[tilespmem:$0x13000] =	vst v63  }
0x25: {  	s10 =	simm.s32 $0x200;
	s11 =	simm.s32 $0x4000  }
0x26: {  	[tilespmem:s11], [sflag:$0x1] =	stream.indirect.gather [hbm4b:s4+s19], $0x10, s10, s19, $0xb8;
	[tilespmem:$0x13000] =	vst v63  }
0x27: {  	s13 =	simm.s32 $0x280;
	s21 =	simm.s32 $0x4800  }
0x28: {  	[tilespmem:s21], [sflag:$0x1] =	stream.indirect.gather [hbm4b:s4+s19], $0x10, s13, s19, $0xb8;
	[tilespmem:$0x13000] =	vst v63  }
0x29: {  	s22 =	simm.s32 $0x300;
	s23 =	simm.s32 $0x5000  }
0x2a: {  	[tilespmem:s23], [sflag:$0x1] =	stream.indirect.gather [hbm4b:s4+s19], $0x10, s22, s19, $0xb8;
	[tilespmem:$0x13000] =	vst v63  }
0x2b: {  	s10 =	simm.s32 $0x380;
	s11 =	simm.s32 $0x5800  }
0x2c: {  	[tilespmem:s11], [sflag:$0x1] =	stream.indirect.gather [hbm4b:s4+s19], $0x10, s10, s19, $0xb8;
	[tilespmem:$0x13000] =	vst v63  }
0x2d: {  	s13 =	simm.s32 $0x400;
	s21 =	simm.s32 $0x6000  }
0x2e: {  	[tilespmem:s21], [sflag:$0x1] =	stream.indirect.gather [hbm4b:s4+s19], $0x10, s13, s19, $0xb8;
	[tilespmem:$0x13000] =	vst v63  }
0x2f: {  	s22 =	simm.s32 $0x480;
	s23 =	simm.s32 $0x6800  }
0x30: {  	[tilespmem:s23], [sflag:$0x1] =	stream.indirect.gather [hbm4b:s4+s19], $0x10, s22, s19, $0xb8;
	[tilespmem:$0x13000] =	vst v63  }
0x31: {  	s10 =	simm.s32 $0x500;
	s11 =	simm.s32 $0x7000  }
0x32: {  	[tilespmem:s11], [sflag:$0x1] =	stream.indirect.gather [hbm4b:s4+s19], $0x10, s10, s19, $0xb8;
	[tilespmem:$0x13000] =	vst v63  }
0x33: {  	s13 =	simm.s32 $0x580;
	s21 =	simm.s32 $0x7800  }
0x34: {  	[tilespmem:s21], [sflag:$0x1] =	stream.indirect.gather [hbm4b:s4+s19], $0x10, s13, s19, $0xb8;
	[tilespmem:$0x13000] =	vst v63  }
0x35: {  	s22 =	simm.s32 $0x600;
	s23 =	simm.s32 $0x8000  }
0x36: {  	[tilespmem:s23], [sflag:$0x1] =	stream.indirect.gather [hbm4b:s4+s19], $0x10, s22, s19, $0xb8;
	[tilespmem:$0x13000] =	vst v63  }
0x37: {  	s10 =	simm.s32 $0x680;
	s11 =	simm.s32 $0x8800  }
0x38: {  	[tilespmem:s11], [sflag:$0x1] =	stream.indirect.gather [hbm4b:s4+s19], $0x10, s10, s19, $0xb8;
	[tilespmem:$0x13000] =	vst v63  }
0x39: {  	s13 =	simm.s32 $0x700;
	s21 =	simm.s32 $0x9000  }
0x3a: {  	[tilespmem:s21], [sflag:$0x1] =	stream.indirect.gather [hbm4b:s4+s19], $0x10, s13, s19, $0xb8;
	[tilespmem:$0x13000] =	vst v63  }
0x3b: {  	s8 =	simm.s32 $0x0;
	s22 =	simm.s32 $0x780;
	s23 =	simm.s32 $0x9800  }
0x3c: {  	[tilespmem:s23], [sflag:$0x1] =	stream.indirect.gather [hbm4b:s4+s19], $0x10, s22, s19, $0xb8;
	[tilespmem:$0x13000] =	vst v63  }
.LBB2_2:
0x3d: {  	_ =	swait.ge [sflag:s20], $0x800  }
0x3e: {  	[sflag:s20] =	ssyncset.done $0x0  }
0x3f: {  	s9 =	simm.s32 $0xA000;
	[sflag:s20] =	ssyncadd.s32 $0xFFFFF800  }
0x40: {  	[tilespmem:s9], [sflag:$0x2] =	stream.indirect.gather [hbm4b:s4+s19], $0x10, s16, s19, $0xb8;
	[tilespmem:$0x13000] =	vst v63  }
0x41: {  	s21 =	simm.s32 $0x880;
	s10 =	simm.s32 $0xA800  }
0x42: {  	[tilespmem:s10], [sflag:$0x2] =	stream.indirect.gather [hbm4b:s4+s19], $0x10, s21, s19, $0xb8;
	[tilespmem:$0x13000] =	vst v63  }
0x43: {  	s22 =	simm.s32 $0x900;
	s23 =	simm.s32 $0xB000  }
0x44: {  	[tilespmem:s23], [sflag:$0x2] =	stream.indirect.gather [hbm4b:s4+s19], $0x10, s22, s19, $0xb8;
	[tilespmem:$0x13000] =	vst v63  }
0x45: {  	s11 =	simm.s32 $0xB800;
	s10 =	simm.s32 $0x980  }
0x46: {  	[tilespmem:s11], [sflag:$0x2] =	stream.indirect.gather [hbm4b:s4+s19], $0x10, s10, s19, $0xb8;
	[tilespmem:$0x13000] =	vst v63  }
0x47: {  	s13 =	simm.s32 $0xA00;
	s21 =	simm.s32 $0xC000  }
0x48: {  	[tilespmem:s21], [sflag:$0x2] =	stream.indirect.gather [hbm4b:s4+s19], $0x10, s13, s19, $0xb8;
	[tilespmem:$0x13000] =	vst v63  }
0x49: {  	s22 =	simm.s32 $0xA80;
	s23 =	simm.s32 $0xC800  }
0x4a: {  	[tilespmem:s23], [sflag:$0x2] =	stream.indirect.gather [hbm4b:s4+s19], $0x10, s22, s19, $0xb8;
	[tilespmem:$0x13000] =	vst v63  }
0x4b: {  	s10 =	simm.s32 $0xB00;
	s11 =	simm.s32 $0xD000  }
0x4c: {  	[tilespmem:s11], [sflag:$0x2] =	stream.indirect.gather [hbm4b:s4+s19], $0x10, s10, s19, $0xb8;
	[tilespmem:$0x13000] =	vst v63  }
0x4d: {  	s13 =	simm.s32 $0xB80;
	s21 =	simm.s32 $0xD800  }
0x4e: {  	[tilespmem:s21], [sflag:$0x2] =	stream.indirect.gather [hbm4b:s4+s19], $0x10, s13, s19, $0xb8;
	[tilespmem:$0x13000] =	vst v63  }
0x4f: {  	s22 =	simm.s32 $0xC00;
	s23 =	simm.s32 $0xE000  }
0x50: {  	[tilespmem:s23], [sflag:$0x2] =	stream.indirect.gather [hbm4b:s4+s19], $0x10, s22, s19, $0xb8;
	[tilespmem:$0x13000] =	vst v63  }
0x51: {  	s11 =	simm.s32 $0xC80;
	s13 =	simm.s32 $0xE800  }
0x52: {  	[tilespmem:s13], [sflag:$0x2] =	stream.indirect.gather [hbm4b:s4+s19], $0x10, s11, s19, $0xb8;
	[tilespmem:$0x13000] =	vst v63  }
0x53: {  	s21 =	simm.s32 $0xD00;
	s22 =	simm.s32 $0xF000  }
0x54: {  	[tilespmem:s22], [sflag:$0x2] =	stream.indirect.gather [hbm4b:s4+s19], $0x10, s21, s19, $0xb8;
	[tilespmem:$0x13000] =	vst v63  }
0x55: {  	s23 =	simm.s32 $0xD80  }
0x56: {  	[tilespmem:s24], [sflag:$0x2] =	stream.indirect.gather [hbm4b:s4+s19], $0x10, s23, s19, $0xb8;
	[tilespmem:$0x13000] =	vst v63  }
0x57: {  	_ = 	snop  }
0x58: {  	[tilespmem:s26], [sflag:$0x2] =	stream.indirect.gather [hbm4b:s4+s19], $0x10, s25, s19, $0xb8;
	[tilespmem:$0x13000] =	vst v63  }
0x59: {  	_ = 	snop  }
0x5a: {  	[tilespmem:s29], [sflag:$0x2] =	stream.indirect.gather [hbm4b:s4+s19], $0x10, s28, s19, $0xb8;
	[tilespmem:$0x13000] =	vst v63  }
0x5b: {  	_ = 	snop  }
0x5c: {  	[tilespmem:s31], [sflag:$0x2] =	stream.indirect.gather [hbm4b:s4+s19], $0x10, s30, s19, $0xb8;
	[tilespmem:$0x13000] =	vst v63  }
0x5d: {  	p0 =	seq.s32 s8, $0x61  }
0x5e: {  	[tilespmem:s1], [sflag:$0x2] =	stream.indirect.gather [hbm4b:s4+s19], $0x10, s0, s19, $0xb8;
	[tilespmem:$0x13000] =	vst v63  }
0x5f: {  	p1 =	seq.s32 @!p0 s8, $0x0;
	s9 =	sshll.u32 s8, $0x1;
	_ =	swait.ge [sflag:s18], $0x8000  }
0x60: {  	p1 =	por p0, !p1;
	s10 =	sadd.s32 $0x2, s9;
	[sflag:s18] =	ssyncset.done $0x0  }
.Ltmp0:
0x61: {  	s10 =	sshll.u32 @!p0 s10, $0xB;
	[sflag:s18] =	ssyncadd.s32 $0xFFFF8000;
	(pc) =	sbr.rel @!p1 .LBB2_3-.Ltmp0, $4  }
0x62: {  	s10 =	sadd.s32 @!p0 s3, s10;
	_ =	swait.ge [sflag:s18], $0x800  }
0x63: {  	s10 =	sshrl.u32 @!p0 s10, $0x3;
	[sflag:s18] =	ssyncset.done $0x0  }
0x64: {  	s11 =	sadd.s32 @!p0 s5, s10;
	s13 =	simm.s32 @!p0 $0x0;
	[sflag:s18] =	ssyncadd.s32 $0xFFFFF800  }
0x65: {  	[tilespmem:s13], [sflag:$0x1] =	stream.linear.gather @!p0 [hbm4b:s11+s13], $0x800, $0x38;
	[tilespmem:$0x13000] =	vst v63  }
.Ltmp1:
0x66: {  	(pc) =	sbr.rel .LBB2_5-.Ltmp1, $4  }
0x67: {  	_ = 	snop  }
0x68: {  	_ =	swait.ge [sflag:s17], $0x800  }
0x69: {  	[sflag:s17] =	ssyncset.done $0x0  }
0x6a: {  	p1 =	por $0x0, $0x0;
	[sflag:s17] =	ssyncadd.s32 $0xFFFFF800  }
.LBB2_3:
0x6b: {  	p1 =	por @!p0 $0x1, $0x1  }
.LBB2_5:
0x6c: {  	s11 =	simm.s32 $0x0  }
.LBB2_6:
0x6d: {  	s13 =	sshll.u32 s11, $0x4  }
0x6e: {  	s22 =	sshll.u32 s11, $0x8;
	v16 =	vld [tilespmem:s13+$0x1000]  }
0x6f: {  	s21 =	sand.u32 $0x3FFFFF00, s22;
	v33 =	vld [tilespmem:s13+$0x1010]  }
0x70: {  	v17 =	vld [tilespmem:s21+$0x2000]  }
0x71: {  	v18 =	vld [tilespmem:s21+$0x2010]  }
0x72: {  	v19 =	vld [tilespmem:s21+$0x2020]  }
0x73: {  	v20 =	vld [tilespmem:s21+$0x2030]  }
0x74: {  	v21 =	vld [tilespmem:s21+$0x2040]  }
0x75: {  	v22 =	vld [tilespmem:s21+$0x2050]  }
0x76: {  	v23 =	vld [tilespmem:s21+$0x2060];
	v35 =	vperm.xlane v16, v0;
	v37 =	vperm.xlane v16, v1  }
0x77: {  	s23 =	sor.u32 $0x100, s22;
	v24 =	vld [tilespmem:s21+$0x2070];
	v53 =	vperm.xlane v16, v2;
	v54 =	vperm.xlane v33, v0  }
0x78: {  	v25 =	vld [tilespmem:s21+$0x2080];
	s23 =	sand.u32 $0x3FFFFF00, s23;
	v55 =	vperm.xlane v16, v3;
	v56 =	vperm.xlane v33, v1  }
0x79: {  	v34 =	vld [tilespmem:s23+$0x2000];
	v57 =	vperm.xlane v16, v4;
	v58 =	vperm.xlane v33, v2  }
0x7a: {  	v36 =	vld [tilespmem:s21+$0x2110];
	v60 =	vperm.xlane v16, v5;
	v62 =	vperm.xlane v33, v3  }
0x7b: {  	v38 =	vld [tilespmem:s21+$0x2120];
	v48 =	vperm.xlane v16, v6;
	v50 =	vperm.xlane v33, v4  }
0x7c: {  	v39 =	vld [tilespmem:s21+$0x2130];
	v52 =	vperm.xlane v16, v7;
	v47 =	vperm.xlane v33, v8  }
0x7d: {  	v40 =	vld [tilespmem:s21+$0x2140];
	v17 =	vmul.f32 v17, v35;
	v18 =	vmul.f32 v18, v37  }
0x7e: {  	v26 =	vld [tilespmem:s21+$0x2090];
	v19 =	vmul.f32 v19, v53;
	v34 =	vmul.f32 v34, v54  }
0x7f: {  	v27 =	vld [tilespmem:s21+$0x20A0];
	v20 =	vmul.f32 v20, v55;
	v36 =	vmul.f32 v36, v56  }
0x80: {  	v44 =	vld [tilespmem:s21+$0x2180];
	v59 =	vmul.f32 v21, v57;
	v61 =	vmul.f32 v38, v58  }
0x81: {  	v28 =	vld [tilespmem:s21+$0x20B0];
	v63 =	vmul.f32 v22, v60;
	v49 =	vmul.f32 v39, v62  }
0x82: {  	v41 =	vld [tilespmem:s21+$0x2150];
	v51 =	vmul.f32 v23, v48;
	v53 =	vmul.f32 v40, v50  }
0x83: {  	v42 =	vld [tilespmem:s21+$0x2160];
	v54 =	vperm.xlane v33, v5;
	v21 =	vmul.f32 v24, v52  }
0x84: {  	v43 =	vld [tilespmem:s21+$0x2170];
	v55 =	vperm.xlane v16, v8;
	v17 =	vadd.f32 $0.0e+00, v17;
	v34 =	vadd.f32 $0.0e+00, v34  }
0x85: {  	v38 =	vld [tilespmem:s21+$0x21A0];
	v57 =	vperm.xlane v33, v6;
	v50 =	vmul.f32 v44, v47  }
0x86: {  	v40 =	vld [tilespmem:s21+$0x21E0];
	v44 =	vperm.xlane v33, v14;
	v17 =	vadd.f32 v18, v17;
	v34 =	vadd.f32 v36, v34  }
0x87: {  	v56 =	vmul.f32 v41, v54;
	v54 =	vperm.xlane v33, v10;
	v18 =	vld [tilespmem:s13+$0x1020]  }
0x88: {  	v29 =	vld [tilespmem:s21+$0x20C0];
	v17 =	vadd.f32 v19, v17;
	v34 =	vadd.f32 v61, v34;
	v61 =	vperm.xlane v33, v7  }
0x89: {  	v58 =	vmul.f32 v25, v55;
	v60 =	vmul.f32 v42, v57;
	v19 =	vld [tilespmem:s13+$0x1030]  }
0x8a: {  	v30 =	vld [tilespmem:s21+$0x20D0];
	v57 =	vmul.f32 v38, v54;
	v17 =	vadd.f32 v20, v17;
	v46 =	vmul.f32 v43, v61  }
0x8b: {  	v31 =	vld [tilespmem:s21+$0x20E0];
	v34 =	vadd.f32 v49, v34;
	v49 =	vperm.xlane v16, v11;
	v61 =	vperm.xlane v33, v12  }
0x8c: {  	v32 =	vld [tilespmem:s21+$0x20F0];
	v20 =	vmul.f32 v40, v44;
	v47 =	vperm.xlane v18, v0  }
0x8d: {  	v45 =	vld [tilespmem:s21+$0x21F0];
	v17 =	vadd.f32 v59, v17;
	v59 =	vperm.xlane v16, v9;
	v52 =	vmul.f32 v28, v49  }
0x8e: {  	v35 =	vld [tilespmem:s21+$0x2190];
	v34 =	vadd.f32 v53, v34;
	v53 =	vperm.xlane v16, v12;
	v54 =	vperm.xlane v19, v0  }
0x8f: {  	v22 =	vld [tilespmem:s21+$0x21B0];
	v17 =	vadd.f32 v63, v17;
	v62 =	vmul.f32 v26, v59;
	v63 =	vperm.xlane v16, v10  }
0x90: {  	s23 =	sor.u32 $0x200, s22;
	v39 =	vld [tilespmem:s21+$0x21C0];
	v34 =	vadd.f32 v56, v34;
	v55 =	vmul.f32 v29, v53;
	v56 =	vperm.xlane v16, v13  }
0x91: {  	s23 =	sand.u32 $0x3FFFFF00, s23;
	v23 =	vld [tilespmem:s21+$0x21D0];
	v17 =	vadd.f32 v51, v17;
	v48 =	vmul.f32 v27, v63;
	v51 =	vperm.xlane v33, v9  }
0x92: {  	v25 =	vld [tilespmem:s23+$0x2000];
	v34 =	vadd.f32 v60, v34;
	v59 =	vmul.f32 v30, v56;
	v60 =	vperm.xlane v16, v14  }
0x93: {  	v37 =	vld [tilespmem:s21+$0x2270];
	v16 =	vperm.xlane v16, v15;
	v63 =	vperm.xlane v33, v13  }
0x94: {  	v41 =	vld [tilespmem:s21+$0x2210];
	v56 =	vperm.xlane v18, v3;
	v17 =	vadd.f32 v21, v17;
	v35 =	vmul.f32 v35, v51  }
0x95: {  	v42 =	vld [tilespmem:s21+$0x2230];
	v34 =	vadd.f32 v46, v34;
	v24 =	vmul.f32 v31, v60;
	v16 =	vmul.f32 v32, v16  }
0x96: {  	v36 =	vld [tilespmem:s21+$0x22B0];
	v23 =	vmul.f32 v23, v63;
	v46 =	vperm.xlane v33, v15;
	v17 =	vadd.f32 v58, v17  }
0x97: {  	v38 =	vld [tilespmem:s21+$0x2290];
	v21 =	vmul.f32 v25, v47;
	v51 =	vperm.xlane v18, v2;
	v34 =	vadd.f32 v50, v34  }
0x98: {  	v43 =	vld [tilespmem:s21+$0x2250];
	v63 =	vperm.xlane v19, v2;
	v47 =	vperm.xlane v18, v5;
	v17 =	vadd.f32 v62, v17  }
0x99: {  	v27 =	vld [tilespmem:s21+$0x2240];
	v58 =	vperm.xlane v33, v11;
	v49 =	vmul.f32 v45, v46;
	v34 =	vadd.f32 v35, v34  }
0x9a: {  	s23 =	sor.u32 $0x300, s22;
	v44 =	vld [tilespmem:s21+$0x2360];
	v50 =	vperm.xlane v18, v1;
	v21 =	vadd.f32 $0.0e+00, v21;
	v17 =	vadd.f32 v48, v17  }
0x9b: {  	s23 =	sand.u32 $0x3FFFFF00, s23;
	v40 =	vld [tilespmem:s21+$0x2380];
	v45 =	vperm.xlane v19, v11;
	v22 =	vmul.f32 v22, v58;
	v34 =	vadd.f32 v57, v34  }
0x9c: {  	v62 =	vmul.f32 v39, v61;
	v61 =	vperm.xlane v18, v4;
	v48 =	vld [tilespmem:s23+$0x2000];
	v17 =	vadd.f32 v52, v17  }
0x9d: {  	v26 =	vld [tilespmem:s21+$0x2220];
	v53 =	vmul.f32 v41, v50;
	v50 =	vmul.f32 v43, v47;
	v22 =	vadd.f32 v22, v34  }
0x9e: {  	v46 =	vmul.f32 v27, v61;
	v61 =	vperm.xlane v19, v6;
	v52 =	vld [tilespmem:s21+$0x2310];
	v17 =	vadd.f32 v55, v17  }
0x9f: {  	v60 =	vld [tilespmem:s21+$0x2340];
	v47 =	vperm.xlane v18, v14;
	v21 =	vadd.f32 v53, v21;
	v22 =	vadd.f32 v62, v22  }
0xa0: {  	v53 =	vperm.xlane v19, v4;
	v25 =	vmul.f32 v44, v61;
	v55 =	vld [tilespmem:s21+$0x2320];
	v17 =	vadd.f32 v59, v17  }
0xa1: {  	v28 =	vld [tilespmem:s21+$0x2260];
	v58 =	vmul.f32 v48, v54;
	v22 =	vadd.f32 v23, v22;
	v59 =	vperm.xlane v19, v1  }
0xa2: {  	v29 =	vld [tilespmem:s21+$0x2280];
	v17 =	vadd.f32 v24, v17;
	v24 =	vmul.f32 v26, v51;
	v26 =	vmul.f32 v42, v56  }
0xa3: {  	v30 =	vld [tilespmem:s21+$0x22A0];
	v23 =	vmul.f32 v52, v59;
	v51 =	vperm.xlane v18, v6  }
0xa4: {  	v57 =	vld [tilespmem:s21+$0x2330];
	v20 =	vadd.f32 v20, v22;
	v56 =	vmul.f32 v60, v53;
	v59 =	vperm.xlane v18, v8  }
0xa5: {  	v31 =	vld [tilespmem:s21+$0x22C0];
	v48 =	vmul.f32 v55, v63;
	v17 =	vadd.f32 v16, v17;
	v21 =	vadd.f32 v24, v21  }
0xa6: {  	v62 =	vld [tilespmem:s21+$0x2350];
	v55 =	vperm.xlane v18, v7;
	v16 =	vadd.f32 v49, v20;
	v20 =	vadd.f32 $0.0e+00, v58  }
0xa7: {  	v34 =	vld [tilespmem:s21+$0x2370];
	v63 =	vperm.xlane v18, v9;
	v49 =	vperm.xlane v19, v3;
	v21 =	vadd.f32 v26, v21  }
0xa8: {  	v54 =	vmul.f32 v28, v51;
	v28 =	vld [tilespmem:s21+$0x23B0];
	v58 =	vmul.f32 v37, v55;
	v20 =	vadd.f32 v23, v20  }
0xa9: {  	v32 =	vld [tilespmem:s21+$0x23C0];
	v52 =	vmul.f32 v57, v49;
	v57 =	vperm.xlane v19, v5;
	v21 =	vadd.f32 v46, v21  }
0xaa: {  	v33 =	vld [tilespmem:s21+$0x22E0];
	v49 =	vmul.f32 v38, v63;
	v20 =	vadd.f32 v48, v20;
	v48 =	vperm.xlane v19, v7  }
0xab: {  	v39 =	vld [tilespmem:s21+$0x22D0];
	v60 =	vmul.f32 v62, v57;
	v62 =	vmul.f32 v29, v59;
	v21 =	vadd.f32 v50, v21  }
0xac: {  	v35 =	vld [tilespmem:s21+$0x22F0];
	v20 =	vadd.f32 v52, v20;
	v50 =	vperm.xlane v18, v10;
	v51 =	vmul.f32 v34, v48  }
0xad: {  	v43 =	vld [tilespmem:s21+$0x2390];
	v52 =	vperm.xlane v19, v8;
	v48 =	vmul.f32 v28, v45;
	v21 =	vadd.f32 v54, v21  }
0xae: {  	v37 =	vld [tilespmem:s21+$0x23D0];
	v20 =	vadd.f32 v56, v20;
	v53 =	vmul.f32 v30, v50;
	v54 =	vperm.xlane v18, v11  }
0xaf: {  	v41 =	vld [tilespmem:s21+$0x23A0];
	v55 =	vmul.f32 v40, v52;
	v56 =	vperm.xlane v19, v9;
	v21 =	vadd.f32 v58, v21  }
0xb0: {  	v27 =	vld [tilespmem:s21+$0x24A0];
	v50 =	vmul.f32 v33, v47;
	v52 =	vperm.xlane v19, v13;
	v23 =	vadd.f32 v60, v20  }
0xb1: {  	v44 =	vld [tilespmem:s21+$0x2410];
	v57 =	vmul.f32 v36, v54;
	v58 =	vperm.xlane v18, v12;
	v21 =	vadd.f32 v62, v21  }
0xb2: {  	s23 =	sor.u32 $0x400, s22;
	v20 =	vld [tilespmem:s13+$0x1040];
	v59 =	vmul.f32 v43, v56;
	v60 =	vperm.xlane v19, v10;
	v23 =	vadd.f32 v25, v23  }
0xb3: {  	s23 =	sand.u32 $0x3FFFFF00, s23;
	v42 =	vld [tilespmem:s21+$0x23E0];
	v54 =	vmul.f32 v37, v52;
	v61 =	vmul.f32 v31, v58;
	v21 =	vadd.f32 v49, v21  }
0xb4: {  	v38 =	vld [tilespmem:s23+$0x2000];
	v62 =	vperm.xlane v18, v13;
	v18 =	vperm.xlane v18, v15;
	v23 =	vadd.f32 v51, v23  }
0xb5: {  	v29 =	vld [tilespmem:s21+$0x23F0];
	v63 =	vmul.f32 v41, v60;
	v49 =	vperm.xlane v19, v12;
	v21 =	vadd.f32 v53, v21  }
0xb6: {  	v34 =	vld [tilespmem:s21+$0x2490];
	v46 =	vmul.f32 v39, v62;
	v18 =	vmul.f32 v35, v18;
	v23 =	vadd.f32 v55, v23  }
0xb7: {  	v30 =	vld [tilespmem:s21+$0x2420];
	v56 =	vperm.xlane v20, v0;
	v51 =	vmul.f32 v32, v49;
	v21 =	vadd.f32 v57, v21  }
0xb8: {  	v43 =	vld [tilespmem:s21+$0x2450];
	v53 =	vperm.xlane v19, v14;
	v19 =	vperm.xlane v19, v15;
	v23 =	vadd.f32 v59, v23  }
0xb9: {  	v60 =	vmul.f32 v38, v56;
	v59 =	vperm.xlane v20, v1;
	v26 =	vadd.f32 v61, v21;
	v21 =	vld [tilespmem:s13+$0x1050]  }
0xba: {  	v28 =	vld [tilespmem:s21+$0x24C0];
	v55 =	vmul.f32 v42, v53;
	v23 =	vadd.f32 v63, v23;
	v61 =	vperm.xlane v20, v2  }
0xbb: {  	s23 =	sor.u32 $0x500, s22;
	v40 =	vld [tilespmem:s21+$0x2430];
	v24 =	vadd.f32 $0.0e+00, v60;
	v63 =	vmul.f32 v44, v59;
	v59 =	vperm.xlane v20, v5  }
0xbc: {  	s23 =	sand.u32 $0x3FFFFF00, s23;
	v62 =	vld [tilespmem:s21+$0x2510];
	v58 =	vmul.f32 v29, v19;
	v23 =	vadd.f32 v48, v23;
	v22 =	vadd.f32 v46, v26  }
0xbd: {  	v57 =	vld [tilespmem:s23+$0x2000];
	v49 =	vmul.f32 v30, v61;
	v24 =	vadd.f32 v63, v24;
	v63 =	vmul.f32 v43, v59  }
0xbe: {  	v45 =	vld [tilespmem:s21+$0x25F0];
	v22 =	vadd.f32 v50, v22;
	v50 =	vperm.xlane v20, v3;
	v48 =	vperm.xlane v21, v0  }
0xbf: {  	v23 =	vadd.f32 v51, v23;
	v51 =	vld [tilespmem:s21+$0x2520];
	v53 =	vperm.xlane v21, v1;
	v56 =	vperm.xlane v21, v2  }
0xc0: {  	v31 =	vld [tilespmem:s21+$0x2460];
	v61 =	vperm.xlane v21, v3;
	v59 =	vperm.xlane v21, v6  }
0xc1: {  	v41 =	vld [tilespmem:s21+$0x2470];
	v23 =	vadd.f32 v54, v23;
	v30 =	vmul.f32 v40, v50;
	v54 =	vperm.xlane v20, v4  }
0xc2: {  	v36 =	vld [tilespmem:s21+$0x2440];
	v52 =	vmul.f32 v57, v48;
	v35 =	vmul.f32 v62, v53  }
0xc3: {  	v19 =	vadd.f32 v18, v22;
	v57 =	vld [tilespmem:s21+$0x2540];
	v48 =	vperm.xlane v20, v6;
	v53 =	vperm.xlane v20, v7  }
0xc4: {  	v62 =	vld [tilespmem:s21+$0x2560];
	v23 =	vadd.f32 v55, v23;
	v33 =	vmul.f32 v51, v56;
	v51 =	vperm.xlane v21, v4  }
0xc5: {  	v55 =	vld [tilespmem:s21+$0x2530];
	v25 =	vadd.f32 $0.0e+00, v52;
	v52 =	vmul.f32 v31, v48;
	v48 =	vperm.xlane v20, v10  }
0xc6: {  	v39 =	vld [tilespmem:s21+$0x2480];
	v22 =	vadd.f32 v49, v24;
	v56 =	vmul.f32 v41, v53;
	v53 =	vperm.xlane v21, v9  }
0xc7: {  	v60 =	vld [tilespmem:s21+$0x2550];
	v18 =	vadd.f32 v58, v23;
	v58 =	vmul.f32 v36, v54;
	v27 =	vmul.f32 v27, v48  }
0xc8: {  	v32 =	vld [tilespmem:s21+$0x24B0];
	v22 =	vadd.f32 v30, v22;
	v48 =	vperm.xlane v21, v13;
	v54 =	vmul.f32 v57, v51  }
0xc9: {  	v38 =	vld [tilespmem:s21+$0x24E0];
	v25 =	vadd.f32 v35, v25;
	v57 =	vperm.xlane v20, v8;
	v62 =	vmul.f32 v62, v59  }
0xca: {  	v49 =	vld [tilespmem:s21+$0x2570];
	v22 =	vadd.f32 v58, v22;
	v50 =	vmul.f32 v55, v61;
	v55 =	vperm.xlane v21, v5  }
0xcb: {  	v42 =	vld [tilespmem:s21+$0x2580];
	v51 =	vperm.xlane v20, v11;
	v25 =	vadd.f32 v33, v25;
	v61 =	vperm.xlane v20, v9  }
0xcc: {  	v44 =	vld [tilespmem:s21+$0x25A0];
	v22 =	vadd.f32 v63, v22;
	v63 =	vperm.xlane v21, v7;
	v58 =	vmul.f32 v60, v55  }
0xcd: {  	v36 =	vld [tilespmem:s21+$0x2590];
	v60 =	vmul.f32 v39, v57;
	v31 =	vmul.f32 v34, v61  }
0xce: {  	v40 =	vld [tilespmem:s21+$0x25C0];
	v25 =	vadd.f32 v50, v25;
	v50 =	vperm.xlane v21, v8;
	v55 =	vperm.xlane v20, v12  }
0xcf: {  	v39 =	vld [tilespmem:s21+$0x25D0];
	v57 =	vperm.xlane v21, v10;
	v30 =	vadd.f32 v52, v22;
	v49 =	vmul.f32 v49, v63  }
0xd0: {  	v29 =	vld [tilespmem:s21+$0x24D0];
	v25 =	vadd.f32 v54, v25;
	v52 =	vmul.f32 v42, v50;
	v54 =	vmul.f32 v32, v51  }
0xd1: {  	v22 =	vld [tilespmem:s13+$0x1060];
	v59 =	vmul.f32 v44, v57;
	v44 =	vperm.xlane v21, v12  }
0xd2: {  	v41 =	vld [tilespmem:s21+$0x25B0];
	v28 =	vmul.f32 v28, v55;
	v26 =	vadd.f32 v56, v30;
	v56 =	vmul.f32 v36, v53  }
0xd3: {  	v23 =	vld [tilespmem:s21+$0x24F0];
	v25 =	vadd.f32 v58, v25;
	v58 =	vperm.xlane v20, v13;
	v47 =	vmul.f32 v40, v44  }
0xd4: {  	v37 =	vld [tilespmem:s21+$0x25E0];
	s23 =	sor.u32 $0x600, s22;
	v24 =	vadd.f32 v60, v26;
	v60 =	vperm.xlane v21, v11;
	v50 =	vmul.f32 v39, v48  }
0xd5: {  	s23 =	sand.u32 $0x3FFFFF00, s23;
	v43 =	vld [tilespmem:s21+$0x2650];
	v25 =	vadd.f32 v62, v25;
	v61 =	vmul.f32 v29, v58;
	v62 =	vperm.xlane v20, v14  }
0xd6: {  	v34 =	vld [tilespmem:s23+$0x2000];
	v20 =	vperm.xlane v20, v15;
	v55 =	vperm.xlane v22, v1  }
0xd7: {  	v42 =	vld [tilespmem:s21+$0x2610];
	v57 =	vperm.xlane v22, v2;
	v24 =	vadd.f32 v31, v24;
	v63 =	vmul.f32 v41, v60  }
0xd8: {  	v25 =	vadd.f32 v49, v25;
	v46 =	vmul.f32 v38, v62;
	v20 =	vmul.f32 v23, v20;
	v23 =	vld [tilespmem:s13+$0x1070]  }
0xd9: {  	s23 =	sor.u32 $0x700, s22;
	v36 =	vld [tilespmem:s21+$0x2630];
	v49 =	vperm.xlane v21, v14;
	v21 =	vperm.xlane v21, v15;
	v24 =	vadd.f32 v27, v24  }
0xda: {  	s23 =	sand.u32 $0x3FFFFF00, s23;
	v32 =	vld [tilespmem:s21+$0x2620];
	v62 =	vperm.xlane v22, v3;
	v25 =	vadd.f32 v52, v25;
	v52 =	vperm.xlane v22, v0  }
0xdb: {  	v53 =	vld [tilespmem:s23+$0x2000];
	v51 =	vmul.f32 v37, v49;
	v24 =	vadd.f32 v54, v24;
	v54 =	vmul.f32 v45, v21  }
0xdc: {  	v58 =	vld [tilespmem:s21+$0x2710];
	v45 =	vperm.xlane v22, v7;
	v25 =	vadd.f32 v56, v25;
	v56 =	vmul.f32 v34, v52  }
0xdd: {  	v35 =	vld [tilespmem:s21+$0x26A0];
	v24 =	vadd.f32 v28, v24;
	v60 =	vperm.xlane v23, v0;
	v49 =	vperm.xlane v23, v1  }
0xde: {  	v30 =	vld [tilespmem:s21+$0x2660];
	v28 =	vmul.f32 v36, v62;
	v52 =	vperm.xlane v23, v2;
	v25 =	vadd.f32 v59, v25  }
0xdf: {  	v40 =	vld [tilespmem:s21+$0x26C0];
	v59 =	vmul.f32 v42, v55;
	v26 =	vadd.f32 $0.0e+00, v56;
	v24 =	vadd.f32 v61, v24  }
0xe0: {  	v56 =	vperm.xlane v23, v3;
	v61 =	vmul.f32 v32, v57;
	v25 =	vadd.f32 v63, v25;
	v63 =	vld [tilespmem:s21+$0x2720]  }
0xe1: {  	v55 =	vld [tilespmem:s21+$0x2740];
	v48 =	vmul.f32 v53, v60;
	v34 =	vmul.f32 v58, v49;
	v24 =	vadd.f32 v46, v24  }
0xe2: {  	v31 =	vld [tilespmem:s21+$0x2640];
	v58 =	vperm.xlane v22, v6;
	v26 =	vadd.f32 v59, v26;
	v25 =	vadd.f32 v47, v25  }
0xe3: {  	v41 =	vld [tilespmem:s21+$0x2670];
	v33 =	vadd.f32 $0.0e+00, v48;
	v48 =	vperm.xlane v23, v5;
	v21 =	vadd.f32 v20, v24  }
0xe4: {  	v59 =	vld [tilespmem:s21+$0x2750];
	v24 =	vadd.f32 v61, v26;
	v61 =	vperm.xlane v23, v4;
	v25 =	vadd.f32 v50, v25  }
0xe5: {  	v44 =	vld [tilespmem:s21+$0x26E0];
	v50 =	vperm.xlane v22, v4;
	v32 =	vmul.f32 v63, v52  }
0xe6: {  	v46 =	vld [tilespmem:s21+$0x2770];
	v63 =	vmul.f32 v30, v58;
	v47 =	vmul.f32 v55, v61;
	v25 =	vadd.f32 v51, v25  }
0xe7: {  	v24 =	vadd.f32 v28, v24;
	v61 =	vperm.xlane v22, v10;
	v51 =	vld [tilespmem:s21+$0x2730];
	v53 =	vmul.f32 v31, v50  }
0xe8: {  	v62 =	vld [tilespmem:s21+$0x2760];
	v50 =	vmul.f32 v41, v45;
	v20 =	vadd.f32 v54, v25;
	v54 =	vperm.xlane v22, v5  }
0xe9: {  	v29 =	vld [tilespmem:s21+$0x2680];
	v24 =	vadd.f32 v53, v24;
	v53 =	vmul.f32 v59, v48;
	v59 =	vperm.xlane v23, v7  }
0xea: {  	v38 =	vld [tilespmem:s21+$0x2690];
	v57 =	vmul.f32 v43, v54;
	v54 =	vperm.xlane v23, v6  }
0xeb: {  	v42 =	vld [tilespmem:s21+$0x27C0];
	v31 =	vmul.f32 v46, v59;
	v59 =	vperm.xlane v23, v12  }
0xec: {  	v49 =	vld [tilespmem:s21+$0x2780];
	v33 =	vadd.f32 v34, v33;
	v60 =	vmul.f32 v51, v56;
	v51 =	vperm.xlane v22, v8  }
0xed: {  	v25 =	vld [tilespmem:s21+$0x26D0];
	v24 =	vadd.f32 v57, v24;
	v57 =	vperm.xlane v22, v9;
	v58 =	vmul.f32 v62, v54  }
0xee: {  	v39 =	vld [tilespmem:s21+$0x26B0];
	v32 =	vadd.f32 v32, v33;
	v62 =	vperm.xlane v23, v8;
	v54 =	vperm.xlane v22, v13  }
0xef: {  	v36 =	vld [tilespmem:s21+$0x27E0];
	v56 =	vmul.f32 v29, v51;
	v29 =	vmul.f32 v35, v61  }
0xf0: {  	v52 =	vld [tilespmem:s21+$0x2790];
	v32 =	vadd.f32 v60, v32;
	v61 =	vmul.f32 v42, v59;
	v60 =	vmul.f32 v38, v57  }
0xf1: {  	v34 =	vld [tilespmem:s21+$0x26F0];
	v24 =	vadd.f32 v63, v24;
	v63 =	vperm.xlane v22, v11;
	v46 =	vmul.f32 v49, v62  }
0xf2: {  	v55 =	vld [tilespmem:s21+$0x27A0];
	v49 =	vperm.xlane v22, v12;
	v57 =	vmul.f32 v25, v54  }
0xf3: {  	v30 =	vld [tilespmem:s21+$0x27B0];
	v62 =	vperm.xlane v23, v13;
	v32 =	vadd.f32 v47, v32;
	v47 =	vperm.xlane v23, v9  }
0xf4: {  	v25 =	vld [tilespmem:s13+$0x1090];
	v27 =	vadd.f32 v50, v24;
	v48 =	vmul.f32 v39, v63;
	v63 =	vperm.xlane v23, v14  }
0xf5: {  	s23 =	sor.u32 $0x800, s22;
	v38 =	vld [tilespmem:s21+$0x27D0];
	v32 =	vadd.f32 v53, v32;
	v51 =	vmul.f32 v52, v47;
	v52 =	vperm.xlane v23, v10  }
0xf6: {  	s23 =	sand.u32 $0x3FFFFF00, s23;
	v24 =	vld [tilespmem:s13+$0x1080];
	v53 =	vmul.f32 v40, v49;
	v26 =	vadd.f32 v56, v27;
	v56 =	vperm.xlane v23, v11  }
0xf7: {  	v50 =	vld [tilespmem:s23+$0x2000];
	s23 =	sor.u32 $0x900, s22;
	v23 =	vperm.xlane v23, v15;
	v28 =	vmul.f32 v36, v63  }
0xf8: {  	v45 =	vld [tilespmem:s21+$0x27F0];
	s23 =	sand.u32 $0x3FFFFF00, s23;
	v32 =	vadd.f32 v58, v32;
	v55 =	vmul.f32 v55, v52;
	v58 =	vperm.xlane v22, v14  }
0xf9: {  	v47 =	vld [tilespmem:s23+$0x2000];
	v22 =	vperm.xlane v22, v15;
	v54 =	vperm.xlane v25, v0  }
0xfa: {  	v41 =	vld [tilespmem:s21+$0x2830];
	v59 =	vperm.xlane v25, v1;
	v30 =	vmul.f32 v30, v56  }
0xfb: {  	v52 =	vld [tilespmem:s21+$0x2910];
	v26 =	vadd.f32 v60, v26;
	v60 =	vmul.f32 v44, v58;
	v22 =	vmul.f32 v34, v22  }
0xfc: {  	v31 =	vadd.f32 v31, v32;
	v44 =	vmul.f32 v38, v62;
	v49 =	vperm.xlane v24, v1  }
0xfd: {  	v56 =	vperm.xlane v24, v3;
	v62 =	vperm.xlane v25, v2;
	v26 =	vadd.f32 v29, v26  }
0xfe: {  	v39 =	vld [tilespmem:s21+$0x2810];
	v31 =	vadd.f32 v46, v31;
	v46 =	vperm.xlane v24, v0;
	v58 =	vmul.f32 v47, v54  }
0xff: {  	v40 =	vld [tilespmem:s21+$0x2820];
	v29 =	vmul.f32 v41, v56;
	v47 =	vperm.xlane v25, v3  }
0x100: {  	v43 =	vld [tilespmem:s21+$0x2860];
	v26 =	vadd.f32 v48, v26;
	v48 =	vmul.f32 v45, v23;
	v34 =	vmul.f32 v52, v59  }
0x101: {  	v45 =	vperm.xlane v24, v5;
	v59 =	vperm.xlane v25, v6  }
0x102: {  	v31 =	vadd.f32 v51, v31;
	v50 =	vmul.f32 v50, v46;
	v51 =	vperm.xlane v24, v2;
	v46 =	vld [tilespmem:s21+$0x2940]  }
0x103: {  	v54 =	vld [tilespmem:s21+$0x2960];
	v26 =	vadd.f32 v53, v26;
	v53 =	vmul.f32 v39, v49;
	v49 =	vperm.xlane v24, v6  }
0x104: {  	v42 =	vld [tilespmem:s21+$0x2870];
	v31 =	vadd.f32 v55, v31;
	v55 =	vmul.f32 v40, v51;
	v27 =	vadd.f32 $0.0e+00, v50  }
0x105: {  	v35 =	vld [tilespmem:s21+$0x2840];
	v51 =	vperm.xlane v25, v4;
	v26 =	vadd.f32 v57, v26;
	v52 =	vmul.f32 v43, v49  }
0x106: {  	v57 =	vld [tilespmem:s21+$0x2920];
	v30 =	vadd.f32 v30, v31;
	v27 =	vadd.f32 v53, v27;
	v53 =	vperm.xlane v24, v7  }
0x107: {  	v50 =	vld [tilespmem:s21+$0x2950];
	v26 =	vadd.f32 v60, v26;
	v60 =	vperm.xlane v24, v4;
	v39 =	vmul.f32 v46, v51  }
0x108: {  	v33 =	vld [tilespmem:s21+$0x2850];
	v31 =	vadd.f32 $0.0e+00, v58;
	v46 =	vmul.f32 v54, v59;
	v59 =	vperm.xlane v24, v12  }
0x109: {  	v36 =	vld [tilespmem:s21+$0x2890];
	v30 =	vadd.f32 v61, v30;
	v56 =	vmul.f32 v42, v53;
	v23 =	vadd.f32 v22, v26  }
0x10a: {  	v61 =	vld [tilespmem:s21+$0x2930];
	v63 =	vmul.f32 v35, v60;
	v26 =	vadd.f32 v55, v27;
	v55 =	vperm.xlane v25, v5  }
0x10b: {  	v32 =	vld [tilespmem:s21+$0x2880];
	v31 =	vadd.f32 v34, v31;
	v37 =	vmul.f32 v57, v62;
	v57 =	vperm.xlane v24, v8  }
0x10c: {  	v38 =	vld [tilespmem:s21+$0x28A0];
	v30 =	vadd.f32 v44, v30;
	v62 =	vperm.xlane v24, v9;
	v35 =	vmul.f32 v50, v55  }
0x10d: {  	v58 =	vld [tilespmem:s21+$0x2970];
	v26 =	vadd.f32 v29, v26;
	v50 =	vperm.xlane v24, v10;
	v55 =	vperm.xlane v24, v11  }
0x10e: {  	v34 =	vld [tilespmem:s21+$0x28D0];
	v28 =	vadd.f32 v28, v30;
	v31 =	vadd.f32 v37, v31;
	v49 =	vmul.f32 v36, v62  }
0x10f: {  	v60 =	vld [tilespmem:s21+$0x2980];
	v62 =	vperm.xlane v24, v13;
	v40 =	vmul.f32 v61, v47;
	v26 =	vadd.f32 v63, v26  }
0x110: {  	v44 =	vld [tilespmem:s21+$0x28C0];
	v61 =	vmul.f32 v32, v57;
	v22 =	vadd.f32 v48, v28;
	v48 =	vmul.f32 v33, v45  }
0x111: {  	v63 =	vld [tilespmem:s21+$0x2990];
	v47 =	vperm.xlane v25, v7;
	v54 =	vmul.f32 v38, v50  }
0x112: {  	v57 =	vperm.xlane v25, v9;
	v28 =	vld [tilespmem:s21+$0x28B0];
	v31 =	vadd.f32 v40, v31;
	v26 =	vadd.f32 v48, v26  }
0x113: {  	v37 =	vld [tilespmem:s21+$0x28E0];
	v50 =	vperm.xlane v24, v14;
	v24 =	vperm.xlane v24, v15  }
0x114: {  	v40 =	vld [tilespmem:s21+$0x28F0];
	v51 =	vmul.f32 v58, v47;
	v31 =	vadd.f32 v39, v31;
	v26 =	vadd.f32 v52, v26  }
0x115: {  	v58 =	vld [tilespmem:s21+$0x29E0];
	v47 =	vperm.xlane v25, v11;
	v52 =	vperm.xlane v25, v8  }
0x116: {  	v48 =	vld [tilespmem:s21+$0x29A0];
	v33 =	vmul.f32 v63, v57;
	v31 =	vadd.f32 v35, v31;
	v26 =	vadd.f32 v56, v26  }
0x117: {  	v36 =	vld [tilespmem:s21+$0x29B0];
	v28 =	vmul.f32 v28, v55;
	v55 =	vperm.xlane v25, v14  }
0x118: {  	v56 =	vmul.f32 v60, v52;
	v31 =	vadd.f32 v46, v31;
	v27 =	vadd.f32 v61, v26;
	v26 =	vld [tilespmem:s13+$0x10A0]  }
0x119: {  	v41 =	vld [tilespmem:s21+$0x2A70];
	v60 =	vperm.xlane v25, v10;
	v52 =	vmul.f32 v37, v50  }
0x11a: {  	v38 =	vld [tilespmem:s21+$0x29D0];
	v24 =	vmul.f32 v40, v24;
	v57 =	vmul.f32 v58, v55;
	v31 =	vadd.f32 v51, v31  }
0x11b: {  	v61 =	vmul.f32 v44, v59;
	v46 =	vmul.f32 v48, v60;
	v48 =	vld [tilespmem:s21+$0x2A10];
	v27 =	vadd.f32 v49, v27  }
0x11c: {  	s23 =	sor.u32 $0xA00, s22;
	v44 =	vmul.f32 v36, v47;
	v51 =	vld [tilespmem:s21+$0x2A20];
	v49 =	vmul.f32 v34, v62;
	v31 =	vadd.f32 v56, v31  }
0x11d: {  	s23 =	sand.u32 $0x3FFFFF00, s23;
	v53 =	vld [tilespmem:s21+$0x29C0];
	v27 =	vadd.f32 v54, v27;
	v54 =	vperm.xlane v25, v13;
	v58 =	vperm.xlane v26, v0  }
0x11e: {  	v63 =	vld [tilespmem:s23+$0x2000];
	v31 =	vadd.f32 v33, v31;
	v60 =	vperm.xlane v26, v1;
	v62 =	vperm.xlane v26, v2  }
0x11f: {  	v45 =	vld [tilespmem:s21+$0x29F0];
	v27 =	vadd.f32 v28, v27;
	v56 =	vmul.f32 v38, v54;
	v54 =	vperm.xlane v26, v4  }
0x120: {  	v47 =	vld [tilespmem:s21+$0x2A30];
	v31 =	vadd.f32 v46, v31;
	v46 =	vperm.xlane v25, v12;
	v25 =	vperm.xlane v25, v15  }
0x121: {  	v37 =	vld [tilespmem:s21+$0x2A50];
	v48 =	vmul.f32 v48, v60;
	v50 =	vmul.f32 v51, v62  }
0x122: {  	v51 =	vperm.xlane v26, v3;
	v62 =	vperm.xlane v26, v6;
	v29 =	vadd.f32 v61, v27;
	v27 =	vld [tilespmem:s13+$0x10B0]  }
0x123: {  	v32 =	vld [tilespmem:s21+$0x2A40];
	s23 =	sor.u32 $0xB00, s22;
	v61 =	vmul.f32 v63, v58;
	v58 =	vperm.xlane v26, v5  }
0x124: {  	v35 =	vld [tilespmem:s21+$0x2A60];
	s23 =	sand.u32 $0x3FFFFF00, s23;
	v31 =	vadd.f32 v44, v31;
	v53 =	vmul.f32 v53, v46;
	v29 =	vadd.f32 v49, v29  }
0x125: {  	v59 =	vld [tilespmem:s23+$0x2000];
	v25 =	vmul.f32 v45, v25;
	v34 =	vmul.f32 v47, v51  }
0x126: {  	v63 =	vld [tilespmem:s21+$0x2B10];
	v46 =	vperm.xlane v26, v7;
	v31 =	vadd.f32 v53, v31;
	v28 =	vadd.f32 v52, v29  }
0x127: {  	v55 =	vld [tilespmem:s21+$0x2B30];
	v29 =	vadd.f32 $0.0e+00, v61;
	v61 =	vmul.f32 v37, v58;
	v49 =	vperm.xlane v27, v0  }
0x128: {  	v33 =	vld [tilespmem:s21+$0x2A80];
	v31 =	vadd.f32 v56, v31;
	v53 =	vperm.xlane v27, v1;
	v56 =	vperm.xlane v27, v2  }
0x129: {  	v44 =	vld [tilespmem:s21+$0x2AA0];
	v60 =	vperm.xlane v27, v3;
	v45 =	vperm.xlane v27, v4  }
0x12a: {  	v52 =	vld [tilespmem:s21+$0x2B20];
	v29 =	vadd.f32 v48, v29;
	v48 =	vperm.xlane v27, v5;
	v40 =	vmul.f32 v59, v49  }
0x12b: {  	v47 =	vld [tilespmem:s21+$0x2B60];
	v30 =	vadd.f32 v57, v31;
	v39 =	vmul.f32 v63, v53;
	v57 =	vmul.f32 v32, v54  }
0x12c: {  	v59 =	vld [tilespmem:s21+$0x2B40];
	v42 =	vmul.f32 v55, v60;
	v32 =	vmul.f32 v35, v62  }
0x12d: {  	v24 =	vadd.f32 v24, v28;
	v63 =	vld [tilespmem:s21+$0x2B50];
	v49 =	vmul.f32 v41, v46;
	v54 =	vperm.xlane v26, v9  }
0x12e: {  	v51 =	vld [tilespmem:s21+$0x2B70];
	v60 =	vperm.xlane v27, v8;
	v28 =	vadd.f32 v50, v29;
	v50 =	vperm.xlane v26, v8  }
0x12f: {  	v58 =	vld [tilespmem:s21+$0x2B90];
	v40 =	vadd.f32 $0.0e+00, v40;
	v38 =	vmul.f32 v52, v56;
	v52 =	vperm.xlane v27, v6  }
0x130: {  	v55 =	vld [tilespmem:s21+$0x2B80];
	v25 =	vadd.f32 v25, v30;
	v56 =	vperm.xlane v27, v7;
	v28 =	vadd.f32 v34, v28  }
0x131: {  	v31 =	vld [tilespmem:s13+$0x10D0];
	v53 =	vmul.f32 v33, v50;
	v39 =	vadd.f32 v39, v40;
	v35 =	vmul.f32 v47, v52  }
0x132: {  	v30 =	vld [tilespmem:s21+$0x2A90];
	v36 =	vmul.f32 v59, v45;
	v28 =	vadd.f32 v57, v28;
	v37 =	vmul.f32 v63, v48  }
0x133: {  	v40 =	vld [tilespmem:s21+$0x2AB0];
	v57 =	vperm.xlane v26, v10;
	v59 =	vmul.f32 v51, v56  }
0x134: {  	v63 =	vperm.xlane v26, v11;
	v38 =	vadd.f32 v38, v39;
	v39 =	vld [tilespmem:s21+$0x2AC0];
	v28 =	vadd.f32 v61, v28  }
0x135: {  	v29 =	vld [tilespmem:s13+$0x10C0];
	v34 =	vmul.f32 v55, v60;
	v51 =	vperm.xlane v26, v12  }
0x136: {  	v48 =	vld [tilespmem:s21+$0x2BB0];
	v55 =	vperm.xlane v26, v13;
	v38 =	vadd.f32 v42, v38;
	v28 =	vadd.f32 v32, v28  }
0x137: {  	v30 =	vmul.f32 v30, v54;
	v62 =	vmul.f32 v44, v57;
	v42 =	vld [tilespmem:s21+$0x2AD0]  }
0x138: {  	v61 =	vld [tilespmem:s21+$0x2BA0];
	v36 =	vadd.f32 v36, v38;
	v28 =	vadd.f32 v49, v28;
	v49 =	vperm.xlane v27, v9  }
0x139: {  	v52 =	vld [tilespmem:s21+$0x2BD0];
	v32 =	vmul.f32 v40, v63;
	v54 =	vmul.f32 v39, v51  }
0x13a: {  	v50 =	vld [tilespmem:s21+$0x2BC0];
	v51 =	vperm.xlane v27, v14;
	v36 =	vadd.f32 v37, v36;
	v33 =	vmul.f32 v58, v49  }
0x13b: {  	v38 =	vld [tilespmem:s21+$0x2AE0];
	v28 =	vadd.f32 v53, v28;
	v53 =	vperm.xlane v27, v10;
	v58 =	vperm.xlane v27, v11  }
0x13c: {  	v37 =	vld [tilespmem:s21+$0x2AF0];
	v39 =	vmul.f32 v42, v55;
	v49 =	vperm.xlane v27, v13  }
0x13d: {  	s23 =	sor.u32 $0xC00, s22;
	v56 =	vld [tilespmem:s21+$0x2BF0];
	v35 =	vadd.f32 v35, v36;
	v57 =	vmul.f32 v61, v53;
	v61 =	vmul.f32 v48, v58  }
0x13e: {  	s23 =	sand.u32 $0x3FFFFF00, s23;
	v36 =	vld [tilespmem:s21+$0x2BE0];
	v28 =	vadd.f32 v30, v28;
	v52 =	vmul.f32 v52, v49;
	v49 =	vperm.xlane v31, v1  }
0x13f: {  	v60 =	vld [tilespmem:s23+$0x2000];
	s23 =	sor.u32 $0xD00, s22;
	v35 =	vadd.f32 v59, v35;
	v59 =	vperm.xlane v26, v14;
	v26 =	vperm.xlane v26, v15  }
0x140: {  	s23 =	sand.u32 $0x3FFFFF00, s23;
	v28 =	vadd.f32 v62, v28;
	v62 =	vperm.xlane v27, v12;
	v27 =	vperm.xlane v27, v15  }
0x141: {  	v55 =	vld [tilespmem:s23+$0x2000];
	v34 =	vadd.f32 v34, v35;
	v46 =	vmul.f32 v38, v59;
	v26 =	vmul.f32 v37, v26  }
0x142: {  	v63 =	vld [tilespmem:s21+$0x2C10];
	v59 =	vperm.xlane v29, v2;
	v28 =	vadd.f32 v32, v28;
	v48 =	vmul.f32 v50, v62  }
0x143: {  	v47 =	vld [tilespmem:s21+$0x2C20];
	v30 =	vmul.f32 v36, v51;
	v27 =	vmul.f32 v56, v27;
	v33 =	vadd.f32 v33, v34  }
0x144: {  	v44 =	vld [tilespmem:s21+$0x2C80];
	v56 =	vperm.xlane v29, v1;
	v62 =	vperm.xlane v31, v0  }
0x145: {  	v50 =	vld [tilespmem:s21+$0x2C30];
	v28 =	vadd.f32 v54, v28;
	v54 =	vperm.xlane v29, v0;
	v33 =	vadd.f32 v57, v33  }
0x146: {  	v51 =	vld [tilespmem:s21+$0x2D30];
	v37 =	vmul.f32 v55, v62;
	v62 =	vperm.xlane v29, v7  }
0x147: {  	v57 =	vld [tilespmem:s21+$0x2C50];
	v58 =	vmul.f32 v60, v54;
	v33 =	vadd.f32 v61, v33;
	v61 =	vmul.f32 v63, v56  }
0x148: {  	v34 =	vld [tilespmem:s21+$0x2C60];
	v28 =	vadd.f32 v39, v28;
	v63 =	vmul.f32 v47, v59;
	v47 =	vperm.xlane v29, v3  }
0x149: {  	v60 =	vld [tilespmem:s21+$0x2D10];
	v37 =	vadd.f32 $0.0e+00, v37;
	v54 =	vperm.xlane v29, v5;
	v56 =	vperm.xlane v31, v3  }
0x14a: {  	v53 =	vld [tilespmem:s21+$0x2C40];
	v32 =	vadd.f32 $0.0e+00, v58;
	v58 =	vperm.xlane v29, v6;
	v36 =	vmul.f32 v50, v47  }
0x14b: {  	v55 =	vld [tilespmem:s21+$0x2D40];
	v28 =	vadd.f32 v46, v28;
	v50 =	vperm.xlane v29, v4;
	v42 =	vmul.f32 v51, v56  }
0x14c: {  	v59 =	vld [tilespmem:s21+$0x2D50];
	v33 =	vadd.f32 v48, v33;
	v56 =	vperm.xlane v31, v7;
	v57 =	vmul.f32 v57, v54  }
0x14d: {  	v48 =	vld [tilespmem:s21+$0x2D20];
	v32 =	vadd.f32 v61, v32;
	v61 =	vperm.xlane v31, v4;
	v34 =	vmul.f32 v34, v58  }
0x14e: {  	v51 =	vld [tilespmem:s21+$0x2D70];
	v26 =	vadd.f32 v26, v28;
	v54 =	vperm.xlane v29, v9;
	v40 =	vmul.f32 v60, v49  }
0x14f: {  	v58 =	vld [tilespmem:s21+$0x2D90];
	v33 =	vadd.f32 v52, v33;
	v52 =	vperm.xlane v31, v2;
	v53 =	vmul.f32 v53, v50  }
0x150: {  	v49 =	vperm.xlane v31, v5;
	v50 =	vperm.xlane v29, v8;
	v28 =	vadd.f32 v63, v32;
	v63 =	vld [tilespmem:s21+$0x2D60]  }
0x151: {  	v41 =	vmul.f32 v55, v61;
	v55 =	vld [tilespmem:s21+$0x2D80];
	v61 =	vperm.xlane v29, v11  }
0x152: {  	v30 =	vadd.f32 v30, v33;
	v37 =	vadd.f32 v40, v37;
	v40 =	vld [tilespmem:s21+$0x2C90];
	v38 =	vmul.f32 v48, v52  }
0x153: {  	v60 =	vld [tilespmem:s21+$0x2CA0];
	v39 =	vmul.f32 v59, v49;
	v59 =	vperm.xlane v31, v8;
	v28 =	vadd.f32 v36, v28  }
0x154: {  	v52 =	vperm.xlane v31, v6;
	v27 =	vadd.f32 v27, v30;
	v30 =	vld [tilespmem:s21+$0x2C70];
	v37 =	vadd.f32 v38, v37  }
0x155: {  	v49 =	vperm.xlane v29, v12;
	v48 =	vld [tilespmem:s21+$0x2CB0];
	v28 =	vadd.f32 v53, v28;
	v53 =	vmul.f32 v44, v50  }
0x156: {  	v50 =	vld [tilespmem:s21+$0x2DB0];
	v36 =	vmul.f32 v63, v52;
	v43 =	vmul.f32 v55, v59;
	v37 =	vadd.f32 v42, v37  }
0x157: {  	v63 =	vperm.xlane v31, v9;
	v52 =	vld [tilespmem:s21+$0x2DC0];
	v28 =	vadd.f32 v57, v28;
	v33 =	vmul.f32 v40, v54  }
0x158: {  	v55 =	vld [tilespmem:s21+$0x2DD0];
	v57 =	vperm.xlane v29, v10;
	v54 =	vperm.xlane v29, v13;
	v37 =	vadd.f32 v41, v37  }
0x159: {  	v59 =	vld [tilespmem:s21+$0x2DF0];
	v40 =	vmul.f32 v58, v63;
	v30 =	vmul.f32 v30, v62;
	v28 =	vadd.f32 v34, v28  }
0x15a: {  	v58 =	vperm.xlane v29, v14;
	v63 =	vperm.xlane v29, v15;
	v29 =	vld [tilespmem:s13+$0x10F0];
	v37 =	vadd.f32 v39, v37  }
0x15b: {  	v41 =	vld [tilespmem:s21+$0x2CC0];
	v28 =	vadd.f32 v30, v28  }
0x15c: {  	v35 =	vmul.f32 v51, v56;
	v62 =	vld [tilespmem:s21+$0x2DA0];
	v36 =	vadd.f32 v36, v37  }
0x15d: {  	v47 =	vperm.xlane v31, v13;
	v60 =	vmul.f32 v60, v57;
	v57 =	vld [tilespmem:s21+$0x2DE0];
	v28 =	vadd.f32 v53, v28  }
0x15e: {  	v48 =	vmul.f32 v48, v61;
	v61 =	vperm.xlane v31, v12;
	v39 =	vld [tilespmem:s21+$0x2CD0];
	v35 =	vadd.f32 v35, v36  }
0x15f: {  	v51 =	vperm.xlane v31, v10;
	v56 =	vperm.xlane v31, v11;
	v37 =	vld [tilespmem:s21+$0x2CE0];
	v28 =	vadd.f32 v33, v28  }
0x160: {  	s23 =	sor.u32 $0xE00, s22;
	s22 =	sor.u32 $0xF00, s22;
	v46 =	vmul.f32 v52, v61;
	v53 =	vmul.f32 v41, v49;
	v36 =	vld [tilespmem:s21+$0x2CF0];
	v35 =	vadd.f32 v43, v35  }
0x161: {  	s22 =	sand.u32 $0x3FFFFF00, s22;
	v38 =	vmul.f32 v62, v51;
	v49 =	vperm.xlane v31, v14;
	v30 =	vadd.f32 v60, v28;
	v28 =	vld [tilespmem:s13+$0x10E0]  }
0x162: {  	s23 =	sand.u32 $0x3FFFFF00, s23;
	v31 =	vperm.xlane v31, v15;
	v60 =	vmul.f32 v50, v56;
	v50 =	vld [tilespmem:s22+$0x2000];
	v35 =	vadd.f32 v40, v35  }
0x163: {  	v51 =	vmul.f32 v55, v47;
	v34 =	vmul.f32 v39, v54;
	v30 =	vadd.f32 v48, v30;
	v48 =	vld [tilespmem:s23+$0x2000]  }
0x164: {  	v31 =	vmul.f32 v59, v31;
	v62 =	vmul.f32 v37, v58;
	v35 =	vadd.f32 v38, v35  }
0x165: {  	v52 =	vld [tilespmem:s21+$0x2E10];
	v33 =	vadd.f32 v53, v30;
	v30 =	vmul.f32 v36, v63;
	v53 =	vmul.f32 v57, v49  }
0x166: {  	v55 =	vld [tilespmem:s21+$0x2F10];
	v57 =	vperm.xlane v29, v0;
	v54 =	vperm.xlane v28, v0;
	v35 =	vadd.f32 v60, v35  }
0x167: {  	v56 =	vld [tilespmem:s21+$0x2E20];
	v59 =	vperm.xlane v28, v1;
	v63 =	vperm.xlane v28, v2;
	v33 =	vadd.f32 v34, v33  }
0x168: {  	v60 =	vld [tilespmem:s21+$0x2F20];
	v37 =	vmul.f32 v50, v57;
	v58 =	vmul.f32 v48, v54;
	v35 =	vadd.f32 v46, v35  }
0x169: {  	v61 =	vld [tilespmem:s21+$0x2E30];
	v50 =	vperm.xlane v29, v2;
	v32 =	vadd.f32 v62, v33;
	v62 =	vperm.xlane v29, v1  }
0x16a: {  	v36 =	vmul.f32 v52, v59;
	v48 =	vld [tilespmem:s21+$0x2F30];
	v33 =	vadd.f32 $0.0e+00, v58;
	v35 =	vadd.f32 v51, v35  }
0x16b: {  	v49 =	vld [tilespmem:s21+$0x2E40];
	v52 =	vperm.xlane v28, v3;
	v37 =	vadd.f32 $0.0e+00, v37;
	v41 =	vmul.f32 v55, v62  }
0x16c: {  	v51 =	vmul.f32 v56, v63;
	v33 =	vadd.f32 v36, v33;
	v34 =	vadd.f32 v53, v35;
	v53 =	vld [tilespmem:s21+$0x2F40]  }
0x16d: {  	v54 =	vld [tilespmem:s21+$0x2E50];
	v55 =	vperm.xlane v29, v3;
	v40 =	vmul.f32 v60, v50;
	v37 =	vadd.f32 v41, v37  }
0x16e: {  	v57 =	vld [tilespmem:s21+$0x2F50];
	v56 =	vperm.xlane v28, v4;
	v35 =	vmul.f32 v61, v52;
	v33 =	vadd.f32 v51, v33  }
0x16f: {  	v59 =	vperm.xlane v29, v4;
	v58 =	vld [tilespmem:s21+$0x2E60];
	v42 =	vmul.f32 v48, v55;
	v37 =	vadd.f32 v40, v37  }
0x170: {  	v62 =	vld [tilespmem:s21+$0x2F60];
	v60 =	vmul.f32 v49, v56;
	v61 =	vperm.xlane v28, v5;
	v33 =	vadd.f32 v35, v33  }
0x171: {  	v63 =	vld [tilespmem:s21+$0x2E70];
	v48 =	vperm.xlane v29, v5;
	v37 =	vadd.f32 v42, v37;
	v39 =	vmul.f32 v53, v59  }
0x172: {  	v50 =	vperm.xlane v28, v6;
	v51 =	vld [tilespmem:s21+$0x2F70];
	v49 =	vmul.f32 v54, v61;
	v33 =	vadd.f32 v60, v33  }
0x173: {  	v52 =	vld [tilespmem:s21+$0x2E80];
	v38 =	vmul.f32 v57, v48;
	v53 =	vperm.xlane v29, v6;
	v37 =	vadd.f32 v39, v37  }
0x174: {  	v55 =	vperm.xlane v28, v7;
	v56 =	vld [tilespmem:s21+$0x2F80];
	v54 =	vmul.f32 v58, v50;
	v33 =	vadd.f32 v49, v33  }
0x175: {  	v57 =	vld [tilespmem:s21+$0x2E90];
	v58 =	vperm.xlane v29, v7;
	v43 =	vmul.f32 v62, v53;
	v37 =	vadd.f32 v38, v37  }
0x176: {  	v61 =	vld [tilespmem:s21+$0x2F90];
	v59 =	vmul.f32 v63, v55;
	v60 =	vperm.xlane v28, v8;
	v33 =	vadd.f32 v54, v33  }
0x177: {  	v63 =	vperm.xlane v29, v8;
	v41 =	vmul.f32 v51, v58;
	v62 =	vld [tilespmem:s21+$0x2EA0];
	v37 =	vadd.f32 v43, v37  }
0x178: {  	v50 =	vld [tilespmem:s21+$0x2FA0];
	v48 =	vmul.f32 v52, v60;
	v49 =	vperm.xlane v28, v9;
	v33 =	vadd.f32 v59, v33  }
0x179: {  	v51 =	vld [tilespmem:s21+$0x2EB0];
	v40 =	vmul.f32 v56, v63;
	v52 =	vperm.xlane v29, v9;
	v37 =	vadd.f32 v41, v37  }
0x17a: {  	v55 =	vld [tilespmem:s21+$0x2FB0];
	v53 =	vmul.f32 v57, v49;
	v54 =	vperm.xlane v28, v10;
	v33 =	vadd.f32 v48, v33  }
0x17b: {  	v56 =	vld [tilespmem:s21+$0x2EC0];
	v42 =	vmul.f32 v61, v52;
	v57 =	vperm.xlane v29, v10;
	v37 =	vadd.f32 v40, v37  }
0x17c: {  	[tilespmem:s13+$0x12000] =	vst v17;
	v60 =	vld [tilespmem:s21+$0x2FC0];
	v59 =	vperm.xlane v28, v11;
	v58 =	vmul.f32 v62, v54;
	v17 =	vadd.f32 v53, v33  }
0x17d: {  	[tilespmem:s13+$0x12010] =	vst v16;
	v61 =	vld [tilespmem:s21+$0x2ED0];
	v39 =	vmul.f32 v50, v57;
	v62 =	vperm.xlane v29, v11;
	v16 =	vadd.f32 v42, v37  }
0x17e: {  	[tilespmem:s13+$0x12020] =	vst v19;
	v44 =	vld [tilespmem:s21+$0x2FD0];
	v43 =	vperm.xlane v28, v12;
	v63 =	vmul.f32 v51, v59;
	v17 =	vadd.f32 v58, v17  }
0x17f: {  	[tilespmem:s13+$0x12030] =	vst v18;
	v45 =	vld [tilespmem:s21+$0x2EE0];
	v46 =	vperm.xlane v29, v12;
	v38 =	vmul.f32 v55, v62;
	v16 =	vadd.f32 v39, v16  }
0x180: {  	[tilespmem:s13+$0x12040] =	vst v21;
	v49 =	vld [tilespmem:s21+$0x2FE0];
	v47 =	vmul.f32 v56, v43;
	v48 =	vperm.xlane v28, v13;
	v17 =	vadd.f32 v63, v17  }
0x181: {  	[tilespmem:s13+$0x12050] =	vst v20;
	v50 =	vld [tilespmem:s21+$0x2EF0];
	v36 =	vmul.f32 v60, v46;
	v51 =	vperm.xlane v29, v13;
	v16 =	vadd.f32 v38, v16  }
0x182: {  	[tilespmem:s13+$0x12060] =	vst v23;
	v54 =	vld [tilespmem:s21+$0x2FF0];
	v52 =	vmul.f32 v61, v48;
	v53 =	vperm.xlane v28, v14;
	v17 =	vadd.f32 v47, v17  }
0x183: {  	[tilespmem:s13+$0x12070] =	vst v22;
	v56 =	vperm.xlane v29, v14;
	v55 =	vmul.f32 v44, v51;
	v16 =	vadd.f32 v36, v16  }
0x184: {  	[tilespmem:s13+$0x12080] =	vst v24;
	v57 =	vperm.xlane v28, v15;
	v18 =	vmul.f32 v45, v53;
	v17 =	vadd.f32 v52, v17  }
0x185: {  	[tilespmem:s13+$0x12090] =	vst v25;
	v59 =	vperm.xlane v29, v15;
	v58 =	vmul.f32 v49, v56;
	v16 =	vadd.f32 v55, v16  }
0x186: {  	p2 =	slt.u32 s11, $0x70;
	[tilespmem:s13+$0x120A0] =	vst v26;
	v60 =	vadd.f32 v30, v32;
	v61 =	vmul.f32 v50, v57;
	v17 =	vadd.f32 v18, v17  }
.Ltmp2:
0x187: {  	[tilespmem:s13+$0x120B0] =	vst v27;
	v62 =	vadd.f32 v31, v34;
	v63 =	vmul.f32 v54, v59;
	v16 =	vadd.f32 v58, v16;
	(pc) =	sbr.rel @p2 .LBB2_6-.Ltmp2, $4  }
0x188: {  	[tilespmem:s13+$0x120C0] =	vst v60;
	v17 =	vadd.f32 v61, v17  }
0x189: {  	[tilespmem:s13+$0x120D0] =	vst v62;
	v16 =	vadd.f32 v63, v16  }
0x18a: {  	s23 =	sadd.s32 $0x10, s11;
	[tilespmem:s13+$0x120E0] =	vst v17  }
0x18b: {  	s11 =	smov.u32 s23;
	[tilespmem:s13+$0x120F0] =	vst v16  }
0x18c: {  	s11 =	simm.s32 @p0 $0x0;
	s13 =	simm.s32 @p0 $0x12000  }
0x18d: {  	[hbm4b:s12+s11] =	stream.linear.scatter @p0 [tilespmem:s13], [sflag:$0x3], $0x800, $0x38;
	[tilespmem:$0x13000] =	vst v63  }
0x18e: {  	s11 =	sadd.s32 @!p0 s6, s10;
	s10 =	simm.s32 @!p0 $0x0;
	s13 =	simm.s32 @!p0 $0x1000  }
0x18f: {  	[tilespmem:s13], [sflag:$0x1] =	stream.linear.gather @!p0 [hbm4b:s11+s10], $0x800, $0x38;
	[tilespmem:$0x13000] =	vst v63  }
0x190: {  	s11 =	sshll.u32 @!p0 s8, $0xC  }
0x191: {  	s11 =	sadd.s32 @!p0 s3, s11  }
0x192: {  	s11 =	sshrl.u32 @!p0 s11, $0x3  }
0x193: {  	s13 =	simm.s32 @!p0 $0x12000;
	s11 =	sadd.s32 @!p0 s7, s11  }
0x194: {  	[hbm4b:s11+s10] =	stream.linear.scatter @!p0 [tilespmem:s13], [sflag:$0x3], $0x800, $0x38;
	[tilespmem:$0x13000] =	vst v63  }
0x195: {  	s11 =	simm.s32 @!p0 $0x1  }
0x196: {  	_ =	swait.ge @!p0 [sflag:s11], $0x800  }
0x197: {  	[sflag:s11] =	ssyncset.done @!p0 $0x0  }
0x198: {  	s13 =	simm.s32 @!p0 $0x2000;
	[sflag:s11] =	ssyncadd.s32 @!p0 $0xFFFFF800;
	s11 =	simm.s32 @!p0 $0x80  }
0x199: {  	[tilespmem:s13], [sflag:$0x1] =	stream.indirect.gather @!p0 [hbm4b:s4+s11], $0x10, s10, s11, $0xb8;
	[tilespmem:$0x13000] =	vst v63  }
0x19a: {  	s13 =	simm.s32 @!p0 $0x2800  }
0x19b: {  	[tilespmem:s13], [sflag:$0x1] =	stream.indirect.gather @!p0 [hbm4b:s4+s11], $0x10, s11, s11, $0xb8;
	[tilespmem:$0x13000] =	vst v63  }
0x19c: {  	s21 =	simm.s32 @!p0 $0x3000;
	s13 =	simm.s32 @!p0 $0x100  }
0x19d: {  	[tilespmem:s21], [sflag:$0x1] =	stream.indirect.gather @!p0 [hbm4b:s4+s11], $0x10, s13, s11, $0xb8;
	[tilespmem:$0x13000] =	vst v63  }
0x19e: {  	s13 =	simm.s32 @!p0 $0x180;
	s21 =	simm.s32 @!p0 $0x3800  }
0x19f: {  	[tilespmem:s21], [sflag:$0x1] =	stream.indirect.gather @!p0 [hbm4b:s4+s11], $0x10, s13, s11, $0xb8;
	[tilespmem:$0x13000] =	vst v63  }
0x1a0: {  	s13 =	simm.s32 @!p0 $0x200;
	s21 =	simm.s32 @!p0 $0x4000  }
0x1a1: {  	[tilespmem:s21], [sflag:$0x1] =	stream.indirect.gather @!p0 [hbm4b:s4+s11], $0x10, s13, s11, $0xb8;
	[tilespmem:$0x13000] =	vst v63  }
0x1a2: {  	s13 =	simm.s32 @!p0 $0x280;
	s21 =	simm.s32 @!p0 $0x4800  }
0x1a3: {  	[tilespmem:s21], [sflag:$0x1] =	stream.indirect.gather @!p0 [hbm4b:s4+s11], $0x10, s13, s11, $0xb8;
	[tilespmem:$0x13000] =	vst v63  }
0x1a4: {  	s13 =	simm.s32 @!p0 $0x300;
	s21 =	simm.s32 @!p0 $0x5000  }
0x1a5: {  	[tilespmem:s21], [sflag:$0x1] =	stream.indirect.gather @!p0 [hbm4b:s4+s11], $0x10, s13, s11, $0xb8;
	[tilespmem:$0x13000] =	vst v63  }
0x1a6: {  	s13 =	simm.s32 @!p0 $0x380;
	s21 =	simm.s32 @!p0 $0x5800  }
0x1a7: {  	[tilespmem:s21], [sflag:$0x1] =	stream.indirect.gather @!p0 [hbm4b:s4+s11], $0x10, s13, s11, $0xb8;
	[tilespmem:$0x13000] =	vst v63  }
0x1a8: {  	s13 =	simm.s32 @!p0 $0x400;
	s21 =	simm.s32 @!p0 $0x6000  }
0x1a9: {  	[tilespmem:s21], [sflag:$0x1] =	stream.indirect.gather @!p0 [hbm4b:s4+s11], $0x10, s13, s11, $0xb8;
	[tilespmem:$0x13000] =	vst v63  }
0x1aa: {  	s13 =	simm.s32 @!p0 $0x480;
	s21 =	simm.s32 @!p0 $0x6800  }
0x1ab: {  	[tilespmem:s21], [sflag:$0x1] =	stream.indirect.gather @!p0 [hbm4b:s4+s11], $0x10, s13, s11, $0xb8;
	[tilespmem:$0x13000] =	vst v63  }
0x1ac: {  	s13 =	simm.s32 @!p0 $0x500;
	s21 =	simm.s32 @!p0 $0x7000  }
0x1ad: {  	[tilespmem:s21], [sflag:$0x1] =	stream.indirect.gather @!p0 [hbm4b:s4+s11], $0x10, s13, s11, $0xb8;
	[tilespmem:$0x13000] =	vst v63  }
0x1ae: {  	s13 =	simm.s32 @!p0 $0x580;
	s21 =	simm.s32 @!p0 $0x7800  }
0x1af: {  	[tilespmem:s21], [sflag:$0x1] =	stream.indirect.gather @!p0 [hbm4b:s4+s11], $0x10, s13, s11, $0xb8;
	[tilespmem:$0x13000] =	vst v63  }
0x1b0: {  	s13 =	simm.s32 @!p0 $0x600;
	s21 =	simm.s32 @!p0 $0x8000  }
0x1b1: {  	[tilespmem:s21], [sflag:$0x1] =	stream.indirect.gather @!p0 [hbm4b:s4+s11], $0x10, s13, s11, $0xb8;
	[tilespmem:$0x13000] =	vst v63  }
0x1b2: {  	s13 =	simm.s32 @!p0 $0x680;
	s21 =	simm.s32 @!p0 $0x8800  }
0x1b3: {  	[tilespmem:s21], [sflag:$0x1] =	stream.indirect.gather @!p0 [hbm4b:s4+s11], $0x10, s13, s11, $0xb8;
	[tilespmem:$0x13000] =	vst v63  }
0x1b4: {  	s13 =	simm.s32 @!p0 $0x700;
	s21 =	simm.s32 @!p0 $0x9000  }
0x1b5: {  	[tilespmem:s21], [sflag:$0x1] =	stream.indirect.gather @!p0 [hbm4b:s4+s11], $0x10, s13, s11, $0xb8;
	[tilespmem:$0x13000] =	vst v63  }
0x1b6: {  	s13 =	simm.s32 @!p0 $0x780;
	s21 =	simm.s32 @!p0 $0x9800  }
0x1b7: {  	[tilespmem:s21], [sflag:$0x1] =	stream.indirect.gather @!p0 [hbm4b:s4+s11], $0x10, s13, s11, $0xb8;
	[tilespmem:$0x13000] =	vst v63  }
0x1b8: {  	_ =	swait.ge [sflag:s20], $0x8000  }
0x1b9: {  	s9 =	sadd.s32 $0x3, s9;
	[sflag:s20] =	ssyncset.done $0x0  }
0x1ba: {  	s9 =	sshll.u32 @!p0 s9, $0xB;
	[sflag:s20] =	ssyncadd.s32 $0xFFFF8000  }
0x1bb: {  	s9 =	sadd.s32 @!p0 s3, s9;
	_ =	swait.ge [sflag:s20], $0x800  }
0x1bc: {  	s9 =	sshrl.u32 @!p0 s9, $0x3;
	[sflag:s20] =	ssyncset.done $0x0  }
0x1bd: {  	s11 =	sadd.s32 @!p0 s5, s9;
	s13 =	simm.s32 @!p0 $0x800;
	[sflag:s20] =	ssyncadd.s32 $0xFFFFF800  }
0x1be: {  	[tilespmem:s13], [sflag:$0x2] =	stream.linear.gather @!p0 [hbm4b:s11+s10], $0x800, $0x38;
	[tilespmem:$0x13000] =	vst v63  }
0x1bf: {  	s10 =	simm.s32 @!p1 $0x4  }
0x1c0: {  	_ =	swait.ge @!p1 [sflag:s10], $0x800  }
0x1c1: {  	[sflag:s10] =	ssyncset.done @!p1 $0x0  }
0x1c2: {  	[sflag:s10] =	ssyncadd.s32 @!p1 $0xFFFFF800;
	s10 =	simm.s32 $0x0  }
.LBB2_8:
0x1c3: {  	s11 =	sshll.u32 s10, $0x4  }
0x1c4: {  	s21 =	sshll.u32 s10, $0x8;
	v16 =	vld [tilespmem:s11+$0x1800]  }
0x1c5: {  	s13 =	sand.u32 $0x3FFFFF00, s21;
	v33 =	vld [tilespmem:s11+$0x1810]  }
0x1c6: {  	v17 =	vld [tilespmem:s13+$0xA000]  }
0x1c7: {  	v18 =	vld [tilespmem:s13+$0xA010]  }
0x1c8: {  	v19 =	vld [tilespmem:s13+$0xA020]  }
0x1c9: {  	v20 =	vld [tilespmem:s13+$0xA030]  }
0x1ca: {  	v21 =	vld [tilespmem:s13+$0xA040]  }
0x1cb: {  	v22 =	vld [tilespmem:s13+$0xA050]  }
0x1cc: {  	v23 =	vld [tilespmem:s13+$0xA060];
	v35 =	vperm.xlane v16, v0;
	v37 =	vperm.xlane v16, v1  }
0x1cd: {  	s22 =	sor.u32 $0x100, s21;
	v24 =	vld [tilespmem:s13+$0xA070];
	v53 =	vperm.xlane v16, v2;
	v54 =	vperm.xlane v33, v0  }
0x1ce: {  	v25 =	vld [tilespmem:s13+$0xA080];
	s22 =	sand.u32 $0x3FFFFF00, s22;
	v55 =	vperm.xlane v16, v3;
	v56 =	vperm.xlane v33, v1  }
0x1cf: {  	v34 =	vld [tilespmem:s22+$0xA000];
	v57 =	vperm.xlane v16, v4;
	v58 =	vperm.xlane v33, v2  }
0x1d0: {  	v36 =	vld [tilespmem:s13+$0xA110];
	v60 =	vperm.xlane v16, v5;
	v62 =	vperm.xlane v33, v3  }
0x1d1: {  	v38 =	vld [tilespmem:s13+$0xA120];
	v48 =	vperm.xlane v16, v6;
	v50 =	vperm.xlane v33, v4  }
0x1d2: {  	v39 =	vld [tilespmem:s13+$0xA130];
	v52 =	vperm.xlane v16, v7;
	v47 =	vperm.xlane v33, v8  }
0x1d3: {  	v40 =	vld [tilespmem:s13+$0xA140];
	v17 =	vmul.f32 v17, v35;
	v18 =	vmul.f32 v18, v37  }
0x1d4: {  	v26 =	vld [tilespmem:s13+$0xA090];
	v19 =	vmul.f32 v19, v53;
	v34 =	vmul.f32 v34, v54  }
0x1d5: {  	v27 =	vld [tilespmem:s13+$0xA0A0];
	v20 =	vmul.f32 v20, v55;
	v36 =	vmul.f32 v36, v56  }
0x1d6: {  	v44 =	vld [tilespmem:s13+$0xA180];
	v59 =	vmul.f32 v21, v57;
	v61 =	vmul.f32 v38, v58  }
0x1d7: {  	v28 =	vld [tilespmem:s13+$0xA0B0];
	v63 =	vmul.f32 v22, v60;
	v49 =	vmul.f32 v39, v62  }
0x1d8: {  	v41 =	vld [tilespmem:s13+$0xA150];
	v51 =	vmul.f32 v23, v48;
	v53 =	vmul.f32 v40, v50  }
0x1d9: {  	v42 =	vld [tilespmem:s13+$0xA160];
	v54 =	vperm.xlane v33, v5;
	v21 =	vmul.f32 v24, v52  }
0x1da: {  	v43 =	vld [tilespmem:s13+$0xA170];
	v55 =	vperm.xlane v16, v8;
	v17 =	vadd.f32 $0.0e+00, v17;
	v34 =	vadd.f32 $0.0e+00, v34  }
0x1db: {  	v38 =	vld [tilespmem:s13+$0xA1A0];
	v57 =	vperm.xlane v33, v6;
	v50 =	vmul.f32 v44, v47  }
0x1dc: {  	v40 =	vld [tilespmem:s13+$0xA1E0];
	v44 =	vperm.xlane v33, v14;
	v17 =	vadd.f32 v18, v17;
	v34 =	vadd.f32 v36, v34  }
0x1dd: {  	v56 =	vmul.f32 v41, v54;
	v54 =	vperm.xlane v33, v10;
	v18 =	vld [tilespmem:s11+$0x1820]  }
0x1de: {  	v29 =	vld [tilespmem:s13+$0xA0C0];
	v17 =	vadd.f32 v19, v17;
	v34 =	vadd.f32 v61, v34;
	v61 =	vperm.xlane v33, v7  }
0x1df: {  	v58 =	vmul.f32 v25, v55;
	v60 =	vmul.f32 v42, v57;
	v19 =	vld [tilespmem:s11+$0x1830]  }
0x1e0: {  	v30 =	vld [tilespmem:s13+$0xA0D0];
	v57 =	vmul.f32 v38, v54;
	v17 =	vadd.f32 v20, v17;
	v46 =	vmul.f32 v43, v61  }
0x1e1: {  	v31 =	vld [tilespmem:s13+$0xA0E0];
	v34 =	vadd.f32 v49, v34;
	v49 =	vperm.xlane v16, v11;
	v61 =	vperm.xlane v33, v12  }
0x1e2: {  	v32 =	vld [tilespmem:s13+$0xA0F0];
	v20 =	vmul.f32 v40, v44;
	v47 =	vperm.xlane v18, v0  }
0x1e3: {  	v45 =	vld [tilespmem:s13+$0xA1F0];
	v17 =	vadd.f32 v59, v17;
	v59 =	vperm.xlane v16, v9;
	v52 =	vmul.f32 v28, v49  }
0x1e4: {  	v35 =	vld [tilespmem:s13+$0xA190];
	v34 =	vadd.f32 v53, v34;
	v53 =	vperm.xlane v16, v12;
	v54 =	vperm.xlane v19, v0  }
0x1e5: {  	v22 =	vld [tilespmem:s13+$0xA1B0];
	v17 =	vadd.f32 v63, v17;
	v62 =	vmul.f32 v26, v59;
	v63 =	vperm.xlane v16, v10  }
0x1e6: {  	s23 =	sor.u32 $0x200, s21;
	v39 =	vld [tilespmem:s13+$0xA1C0];
	v34 =	vadd.f32 v56, v34;
	v55 =	vmul.f32 v29, v53;
	v56 =	vperm.xlane v16, v13  }
0x1e7: {  	s22 =	sand.u32 $0x3FFFFF00, s23;
	v23 =	vld [tilespmem:s13+$0xA1D0];
	v17 =	vadd.f32 v51, v17;
	v48 =	vmul.f32 v27, v63;
	v51 =	vperm.xlane v33, v9  }
0x1e8: {  	v25 =	vld [tilespmem:s22+$0xA000];
	v34 =	vadd.f32 v60, v34;
	v59 =	vmul.f32 v30, v56;
	v60 =	vperm.xlane v16, v14  }
0x1e9: {  	v37 =	vld [tilespmem:s13+$0xA270];
	v16 =	vperm.xlane v16, v15;
	v63 =	vperm.xlane v33, v13  }
0x1ea: {  	v41 =	vld [tilespmem:s13+$0xA210];
	v56 =	vperm.xlane v18, v3;
	v17 =	vadd.f32 v21, v17;
	v35 =	vmul.f32 v35, v51  }
0x1eb: {  	v42 =	vld [tilespmem:s13+$0xA230];
	v34 =	vadd.f32 v46, v34;
	v24 =	vmul.f32 v31, v60;
	v16 =	vmul.f32 v32, v16  }
0x1ec: {  	v36 =	vld [tilespmem:s13+$0xA2B0];
	v23 =	vmul.f32 v23, v63;
	v46 =	vperm.xlane v33, v15;
	v17 =	vadd.f32 v58, v17  }
0x1ed: {  	v38 =	vld [tilespmem:s13+$0xA290];
	v21 =	vmul.f32 v25, v47;
	v51 =	vperm.xlane v18, v2;
	v34 =	vadd.f32 v50, v34  }
0x1ee: {  	v43 =	vld [tilespmem:s13+$0xA250];
	v63 =	vperm.xlane v19, v2;
	v47 =	vperm.xlane v18, v5;
	v17 =	vadd.f32 v62, v17  }
0x1ef: {  	v27 =	vld [tilespmem:s13+$0xA240];
	v58 =	vperm.xlane v33, v11;
	v49 =	vmul.f32 v45, v46;
	v34 =	vadd.f32 v35, v34  }
0x1f0: {  	s23 =	sor.u32 $0x300, s21;
	v44 =	vld [tilespmem:s13+$0xA360];
	v50 =	vperm.xlane v18, v1;
	v21 =	vadd.f32 $0.0e+00, v21;
	v17 =	vadd.f32 v48, v17  }
0x1f1: {  	s22 =	sand.u32 $0x3FFFFF00, s23;
	v40 =	vld [tilespmem:s13+$0xA380];
	v45 =	vperm.xlane v19, v11;
	v22 =	vmul.f32 v22, v58;
	v34 =	vadd.f32 v57, v34  }
0x1f2: {  	v62 =	vmul.f32 v39, v61;
	v61 =	vperm.xlane v18, v4;
	v48 =	vld [tilespmem:s22+$0xA000];
	v17 =	vadd.f32 v52, v17  }
0x1f3: {  	v26 =	vld [tilespmem:s13+$0xA220];
	v53 =	vmul.f32 v41, v50;
	v50 =	vmul.f32 v43, v47;
	v22 =	vadd.f32 v22, v34  }
0x1f4: {  	v46 =	vmul.f32 v27, v61;
	v61 =	vperm.xlane v19, v6;
	v52 =	vld [tilespmem:s13+$0xA310];
	v17 =	vadd.f32 v55, v17  }
0x1f5: {  	v60 =	vld [tilespmem:s13+$0xA340];
	v47 =	vperm.xlane v18, v14;
	v21 =	vadd.f32 v53, v21;
	v22 =	vadd.f32 v62, v22  }
0x1f6: {  	v53 =	vperm.xlane v19, v4;
	v25 =	vmul.f32 v44, v61;
	v55 =	vld [tilespmem:s13+$0xA320];
	v17 =	vadd.f32 v59, v17  }
0x1f7: {  	v28 =	vld [tilespmem:s13+$0xA260];
	v58 =	vmul.f32 v48, v54;
	v22 =	vadd.f32 v23, v22;
	v59 =	vperm.xlane v19, v1  }
0x1f8: {  	v29 =	vld [tilespmem:s13+$0xA280];
	v17 =	vadd.f32 v24, v17;
	v24 =	vmul.f32 v26, v51;
	v26 =	vmul.f32 v42, v56  }
0x1f9: {  	v30 =	vld [tilespmem:s13+$0xA2A0];
	v23 =	vmul.f32 v52, v59;
	v51 =	vperm.xlane v18, v6  }
0x1fa: {  	v57 =	vld [tilespmem:s13+$0xA330];
	v20 =	vadd.f32 v20, v22;
	v56 =	vmul.f32 v60, v53;
	v59 =	vperm.xlane v18, v8  }
0x1fb: {  	v31 =	vld [tilespmem:s13+$0xA2C0];
	v48 =	vmul.f32 v55, v63;
	v17 =	vadd.f32 v16, v17;
	v21 =	vadd.f32 v24, v21  }
0x1fc: {  	v62 =	vld [tilespmem:s13+$0xA350];
	v55 =	vperm.xlane v18, v7;
	v16 =	vadd.f32 v49, v20;
	v20 =	vadd.f32 $0.0e+00, v58  }
0x1fd: {  	v34 =	vld [tilespmem:s13+$0xA370];
	v63 =	vperm.xlane v18, v9;
	v49 =	vperm.xlane v19, v3;
	v21 =	vadd.f32 v26, v21  }
0x1fe: {  	v54 =	vmul.f32 v28, v51;
	v28 =	vld [tilespmem:s13+$0xA3B0];
	v58 =	vmul.f32 v37, v55;
	v20 =	vadd.f32 v23, v20  }
0x1ff: {  	v32 =	vld [tilespmem:s13+$0xA3C0];
	v52 =	vmul.f32 v57, v49;
	v57 =	vperm.xlane v19, v5;
	v21 =	vadd.f32 v46, v21  }
0x200: {  	v33 =	vld [tilespmem:s13+$0xA2E0];
	v49 =	vmul.f32 v38, v63;
	v20 =	vadd.f32 v48, v20;
	v48 =	vperm.xlane v19, v7  }
0x201: {  	v39 =	vld [tilespmem:s13+$0xA2D0];
	v60 =	vmul.f32 v62, v57;
	v62 =	vmul.f32 v29, v59;
	v21 =	vadd.f32 v50, v21  }
0x202: {  	v35 =	vld [tilespmem:s13+$0xA2F0];
	v20 =	vadd.f32 v52, v20;
	v50 =	vperm.xlane v18, v10;
	v51 =	vmul.f32 v34, v48  }
0x203: {  	v43 =	vld [tilespmem:s13+$0xA390];
	v52 =	vperm.xlane v19, v8;
	v48 =	vmul.f32 v28, v45;
	v21 =	vadd.f32 v54, v21  }
0x204: {  	v37 =	vld [tilespmem:s13+$0xA3D0];
	v20 =	vadd.f32 v56, v20;
	v53 =	vmul.f32 v30, v50;
	v54 =	vperm.xlane v18, v11  }
0x205: {  	v41 =	vld [tilespmem:s13+$0xA3A0];
	v55 =	vmul.f32 v40, v52;
	v56 =	vperm.xlane v19, v9;
	v21 =	vadd.f32 v58, v21  }
0x206: {  	v27 =	vld [tilespmem:s13+$0xA4A0];
	v50 =	vmul.f32 v33, v47;
	v52 =	vperm.xlane v19, v13;
	v23 =	vadd.f32 v60, v20  }
0x207: {  	v44 =	vld [tilespmem:s13+$0xA410];
	v57 =	vmul.f32 v36, v54;
	v58 =	vperm.xlane v18, v12;
	v21 =	vadd.f32 v62, v21  }
0x208: {  	s23 =	sor.u32 $0x400, s21;
	v20 =	vld [tilespmem:s11+$0x1840];
	v59 =	vmul.f32 v43, v56;
	v60 =	vperm.xlane v19, v10;
	v23 =	vadd.f32 v25, v23  }
0x209: {  	s22 =	sand.u32 $0x3FFFFF00, s23;
	v42 =	vld [tilespmem:s13+$0xA3E0];
	v54 =	vmul.f32 v37, v52;
	v61 =	vmul.f32 v31, v58;
	v21 =	vadd.f32 v49, v21  }
0x20a: {  	v38 =	vld [tilespmem:s22+$0xA000];
	v62 =	vperm.xlane v18, v13;
	v18 =	vperm.xlane v18, v15;
	v23 =	vadd.f32 v51, v23  }
0x20b: {  	v29 =	vld [tilespmem:s13+$0xA3F0];
	v63 =	vmul.f32 v41, v60;
	v49 =	vperm.xlane v19, v12;
	v21 =	vadd.f32 v53, v21  }
0x20c: {  	v34 =	vld [tilespmem:s13+$0xA490];
	v46 =	vmul.f32 v39, v62;
	v18 =	vmul.f32 v35, v18;
	v23 =	vadd.f32 v55, v23  }
0x20d: {  	v30 =	vld [tilespmem:s13+$0xA420];
	v56 =	vperm.xlane v20, v0;
	v51 =	vmul.f32 v32, v49;
	v21 =	vadd.f32 v57, v21  }
0x20e: {  	v43 =	vld [tilespmem:s13+$0xA450];
	v53 =	vperm.xlane v19, v14;
	v19 =	vperm.xlane v19, v15;
	v23 =	vadd.f32 v59, v23  }
0x20f: {  	v60 =	vmul.f32 v38, v56;
	v59 =	vperm.xlane v20, v1;
	v26 =	vadd.f32 v61, v21;
	v21 =	vld [tilespmem:s11+$0x1850]  }
0x210: {  	v28 =	vld [tilespmem:s13+$0xA4C0];
	v55 =	vmul.f32 v42, v53;
	v23 =	vadd.f32 v63, v23;
	v61 =	vperm.xlane v20, v2  }
0x211: {  	s23 =	sor.u32 $0x500, s21;
	v40 =	vld [tilespmem:s13+$0xA430];
	v24 =	vadd.f32 $0.0e+00, v60;
	v63 =	vmul.f32 v44, v59;
	v59 =	vperm.xlane v20, v5  }
0x212: {  	s22 =	sand.u32 $0x3FFFFF00, s23;
	v62 =	vld [tilespmem:s13+$0xA510];
	v58 =	vmul.f32 v29, v19;
	v23 =	vadd.f32 v48, v23;
	v22 =	vadd.f32 v46, v26  }
0x213: {  	v57 =	vld [tilespmem:s22+$0xA000];
	v49 =	vmul.f32 v30, v61;
	v24 =	vadd.f32 v63, v24;
	v63 =	vmul.f32 v43, v59  }
0x214: {  	v45 =	vld [tilespmem:s13+$0xA5F0];
	v22 =	vadd.f32 v50, v22;
	v50 =	vperm.xlane v20, v3;
	v48 =	vperm.xlane v21, v0  }
0x215: {  	v23 =	vadd.f32 v51, v23;
	v51 =	vld [tilespmem:s13+$0xA520];
	v53 =	vperm.xlane v21, v1;
	v56 =	vperm.xlane v21, v2  }
0x216: {  	v31 =	vld [tilespmem:s13+$0xA460];
	v61 =	vperm.xlane v21, v3;
	v59 =	vperm.xlane v21, v6  }
0x217: {  	v41 =	vld [tilespmem:s13+$0xA470];
	v23 =	vadd.f32 v54, v23;
	v30 =	vmul.f32 v40, v50;
	v54 =	vperm.xlane v20, v4  }
0x218: {  	v36 =	vld [tilespmem:s13+$0xA440];
	v52 =	vmul.f32 v57, v48;
	v35 =	vmul.f32 v62, v53  }
0x219: {  	v19 =	vadd.f32 v18, v22;
	v57 =	vld [tilespmem:s13+$0xA540];
	v48 =	vperm.xlane v20, v6;
	v53 =	vperm.xlane v20, v7  }
0x21a: {  	v62 =	vld [tilespmem:s13+$0xA560];
	v23 =	vadd.f32 v55, v23;
	v33 =	vmul.f32 v51, v56;
	v51 =	vperm.xlane v21, v4  }
0x21b: {  	v55 =	vld [tilespmem:s13+$0xA530];
	v25 =	vadd.f32 $0.0e+00, v52;
	v52 =	vmul.f32 v31, v48;
	v48 =	vperm.xlane v20, v10  }
0x21c: {  	v39 =	vld [tilespmem:s13+$0xA480];
	v22 =	vadd.f32 v49, v24;
	v56 =	vmul.f32 v41, v53;
	v53 =	vperm.xlane v21, v9  }
0x21d: {  	v60 =	vld [tilespmem:s13+$0xA550];
	v18 =	vadd.f32 v58, v23;
	v58 =	vmul.f32 v36, v54;
	v27 =	vmul.f32 v27, v48  }
0x21e: {  	v32 =	vld [tilespmem:s13+$0xA4B0];
	v22 =	vadd.f32 v30, v22;
	v48 =	vperm.xlane v21, v13;
	v54 =	vmul.f32 v57, v51  }
0x21f: {  	v38 =	vld [tilespmem:s13+$0xA4E0];
	v25 =	vadd.f32 v35, v25;
	v57 =	vperm.xlane v20, v8;
	v62 =	vmul.f32 v62, v59  }
0x220: {  	v49 =	vld [tilespmem:s13+$0xA570];
	v22 =	vadd.f32 v58, v22;
	v50 =	vmul.f32 v55, v61;
	v55 =	vperm.xlane v21, v5  }
0x221: {  	v42 =	vld [tilespmem:s13+$0xA580];
	v51 =	vperm.xlane v20, v11;
	v25 =	vadd.f32 v33, v25;
	v61 =	vperm.xlane v20, v9  }
0x222: {  	v44 =	vld [tilespmem:s13+$0xA5A0];
	v22 =	vadd.f32 v63, v22;
	v63 =	vperm.xlane v21, v7;
	v58 =	vmul.f32 v60, v55  }
0x223: {  	v36 =	vld [tilespmem:s13+$0xA590];
	v60 =	vmul.f32 v39, v57;
	v31 =	vmul.f32 v34, v61  }
0x224: {  	v40 =	vld [tilespmem:s13+$0xA5C0];
	v25 =	vadd.f32 v50, v25;
	v50 =	vperm.xlane v21, v8;
	v55 =	vperm.xlane v20, v12  }
0x225: {  	v39 =	vld [tilespmem:s13+$0xA5D0];
	v57 =	vperm.xlane v21, v10;
	v30 =	vadd.f32 v52, v22;
	v49 =	vmul.f32 v49, v63  }
0x226: {  	v29 =	vld [tilespmem:s13+$0xA4D0];
	v25 =	vadd.f32 v54, v25;
	v52 =	vmul.f32 v42, v50;
	v54 =	vmul.f32 v32, v51  }
0x227: {  	v22 =	vld [tilespmem:s11+$0x1860];
	v59 =	vmul.f32 v44, v57;
	v44 =	vperm.xlane v21, v12  }
0x228: {  	v41 =	vld [tilespmem:s13+$0xA5B0];
	v28 =	vmul.f32 v28, v55;
	v26 =	vadd.f32 v56, v30;
	v56 =	vmul.f32 v36, v53  }
0x229: {  	v23 =	vld [tilespmem:s13+$0xA4F0];
	v25 =	vadd.f32 v58, v25;
	v58 =	vperm.xlane v20, v13;
	v47 =	vmul.f32 v40, v44  }
0x22a: {  	s23 =	sor.u32 $0x600, s21;
	v37 =	vld [tilespmem:s13+$0xA5E0];
	v24 =	vadd.f32 v60, v26;
	v60 =	vperm.xlane v21, v11;
	v50 =	vmul.f32 v39, v48  }
0x22b: {  	s22 =	sand.u32 $0x3FFFFF00, s23;
	v43 =	vld [tilespmem:s13+$0xA650];
	v25 =	vadd.f32 v62, v25;
	v61 =	vmul.f32 v29, v58;
	v62 =	vperm.xlane v20, v14  }
0x22c: {  	v34 =	vld [tilespmem:s22+$0xA000];
	v20 =	vperm.xlane v20, v15;
	v55 =	vperm.xlane v22, v1  }
0x22d: {  	v42 =	vld [tilespmem:s13+$0xA610];
	v57 =	vperm.xlane v22, v2;
	v24 =	vadd.f32 v31, v24;
	v63 =	vmul.f32 v41, v60  }
0x22e: {  	v25 =	vadd.f32 v49, v25;
	v46 =	vmul.f32 v38, v62;
	v20 =	vmul.f32 v23, v20;
	v23 =	vld [tilespmem:s11+$0x1870]  }
0x22f: {  	s23 =	sor.u32 $0x700, s21;
	v36 =	vld [tilespmem:s13+$0xA630];
	v49 =	vperm.xlane v21, v14;
	v21 =	vperm.xlane v21, v15;
	v24 =	vadd.f32 v27, v24  }
0x230: {  	s22 =	sand.u32 $0x3FFFFF00, s23;
	v32 =	vld [tilespmem:s13+$0xA620];
	v62 =	vperm.xlane v22, v3;
	v25 =	vadd.f32 v52, v25;
	v52 =	vperm.xlane v22, v0  }
0x231: {  	v53 =	vld [tilespmem:s22+$0xA000];
	v51 =	vmul.f32 v37, v49;
	v24 =	vadd.f32 v54, v24;
	v54 =	vmul.f32 v45, v21  }
0x232: {  	v58 =	vld [tilespmem:s13+$0xA710];
	v45 =	vperm.xlane v22, v7;
	v25 =	vadd.f32 v56, v25;
	v56 =	vmul.f32 v34, v52  }
0x233: {  	v35 =	vld [tilespmem:s13+$0xA6A0];
	v24 =	vadd.f32 v28, v24;
	v60 =	vperm.xlane v23, v0;
	v49 =	vperm.xlane v23, v1  }
0x234: {  	v30 =	vld [tilespmem:s13+$0xA660];
	v28 =	vmul.f32 v36, v62;
	v52 =	vperm.xlane v23, v2;
	v25 =	vadd.f32 v59, v25  }
0x235: {  	v40 =	vld [tilespmem:s13+$0xA6C0];
	v59 =	vmul.f32 v42, v55;
	v26 =	vadd.f32 $0.0e+00, v56;
	v24 =	vadd.f32 v61, v24  }
0x236: {  	v56 =	vperm.xlane v23, v3;
	v61 =	vmul.f32 v32, v57;
	v25 =	vadd.f32 v63, v25;
	v63 =	vld [tilespmem:s13+$0xA720]  }
0x237: {  	v55 =	vld [tilespmem:s13+$0xA740];
	v48 =	vmul.f32 v53, v60;
	v34 =	vmul.f32 v58, v49;
	v24 =	vadd.f32 v46, v24  }
0x238: {  	v31 =	vld [tilespmem:s13+$0xA640];
	v58 =	vperm.xlane v22, v6;
	v26 =	vadd.f32 v59, v26;
	v25 =	vadd.f32 v47, v25  }
0x239: {  	v41 =	vld [tilespmem:s13+$0xA670];
	v33 =	vadd.f32 $0.0e+00, v48;
	v48 =	vperm.xlane v23, v5;
	v21 =	vadd.f32 v20, v24  }
0x23a: {  	v59 =	vld [tilespmem:s13+$0xA750];
	v24 =	vadd.f32 v61, v26;
	v61 =	vperm.xlane v23, v4;
	v25 =	vadd.f32 v50, v25  }
0x23b: {  	v44 =	vld [tilespmem:s13+$0xA6E0];
	v50 =	vperm.xlane v22, v4;
	v32 =	vmul.f32 v63, v52  }
0x23c: {  	v46 =	vld [tilespmem:s13+$0xA770];
	v63 =	vmul.f32 v30, v58;
	v47 =	vmul.f32 v55, v61;
	v25 =	vadd.f32 v51, v25  }
0x23d: {  	v24 =	vadd.f32 v28, v24;
	v61 =	vperm.xlane v22, v10;
	v51 =	vld [tilespmem:s13+$0xA730];
	v53 =	vmul.f32 v31, v50  }
0x23e: {  	v62 =	vld [tilespmem:s13+$0xA760];
	v50 =	vmul.f32 v41, v45;
	v20 =	vadd.f32 v54, v25;
	v54 =	vperm.xlane v22, v5  }
0x23f: {  	v29 =	vld [tilespmem:s13+$0xA680];
	v24 =	vadd.f32 v53, v24;
	v53 =	vmul.f32 v59, v48;
	v59 =	vperm.xlane v23, v7  }
0x240: {  	v38 =	vld [tilespmem:s13+$0xA690];
	v57 =	vmul.f32 v43, v54;
	v54 =	vperm.xlane v23, v6  }
0x241: {  	v42 =	vld [tilespmem:s13+$0xA7C0];
	v31 =	vmul.f32 v46, v59;
	v59 =	vperm.xlane v23, v12  }
0x242: {  	v49 =	vld [tilespmem:s13+$0xA780];
	v33 =	vadd.f32 v34, v33;
	v60 =	vmul.f32 v51, v56;
	v51 =	vperm.xlane v22, v8  }
0x243: {  	v25 =	vld [tilespmem:s13+$0xA6D0];
	v24 =	vadd.f32 v57, v24;
	v57 =	vperm.xlane v22, v9;
	v58 =	vmul.f32 v62, v54  }
0x244: {  	v39 =	vld [tilespmem:s13+$0xA6B0];
	v32 =	vadd.f32 v32, v33;
	v62 =	vperm.xlane v23, v8;
	v54 =	vperm.xlane v22, v13  }
0x245: {  	v36 =	vld [tilespmem:s13+$0xA7E0];
	v56 =	vmul.f32 v29, v51;
	v29 =	vmul.f32 v35, v61  }
0x246: {  	v52 =	vld [tilespmem:s13+$0xA790];
	v32 =	vadd.f32 v60, v32;
	v61 =	vmul.f32 v42, v59;
	v60 =	vmul.f32 v38, v57  }
0x247: {  	v34 =	vld [tilespmem:s13+$0xA6F0];
	v24 =	vadd.f32 v63, v24;
	v63 =	vperm.xlane v22, v11;
	v46 =	vmul.f32 v49, v62  }
0x248: {  	v55 =	vld [tilespmem:s13+$0xA7A0];
	v49 =	vperm.xlane v22, v12;
	v57 =	vmul.f32 v25, v54  }
0x249: {  	v30 =	vld [tilespmem:s13+$0xA7B0];
	v62 =	vperm.xlane v23, v13;
	v32 =	vadd.f32 v47, v32;
	v47 =	vperm.xlane v23, v9  }
0x24a: {  	v25 =	vld [tilespmem:s11+$0x1890];
	v27 =	vadd.f32 v50, v24;
	v48 =	vmul.f32 v39, v63;
	v63 =	vperm.xlane v23, v14  }
0x24b: {  	v45 =	vld [tilespmem:s13+$0xA7F0];
	v32 =	vadd.f32 v53, v32;
	v51 =	vmul.f32 v52, v47;
	v52 =	vperm.xlane v23, v10  }
0x24c: {  	s23 =	sor.u32 $0x800, s21;
	v38 =	vld [tilespmem:s13+$0xA7D0];
	v53 =	vmul.f32 v40, v49;
	v26 =	vadd.f32 v56, v27;
	v56 =	vperm.xlane v23, v11  }
0x24d: {  	s22 =	sand.u32 $0x3FFFFF00, s23;
	s23 =	sor.u32 $0x900, s21;
	v24 =	vld [tilespmem:s11+$0x1880];
	v23 =	vperm.xlane v23, v15;
	v28 =	vmul.f32 v36, v63  }
0x24e: {  	v50 =	vld [tilespmem:s22+$0xA000];
	s22 =	sand.u32 $0x3FFFFF00, s23;
	v32 =	vadd.f32 v58, v32;
	v55 =	vmul.f32 v55, v52;
	v58 =	vperm.xlane v22, v14  }
0x24f: {  	v47 =	vld [tilespmem:s22+$0xA000];
	v22 =	vperm.xlane v22, v15;
	v54 =	vperm.xlane v25, v0  }
0x250: {  	v41 =	vld [tilespmem:s13+$0xA830];
	v59 =	vperm.xlane v25, v1;
	v30 =	vmul.f32 v30, v56  }
0x251: {  	v52 =	vld [tilespmem:s13+$0xA910];
	v26 =	vadd.f32 v60, v26;
	v60 =	vmul.f32 v44, v58;
	v22 =	vmul.f32 v34, v22  }
0x252: {  	v44 =	vmul.f32 v38, v62;
	v49 =	vperm.xlane v24, v1  }
0x253: {  	v31 =	vadd.f32 v31, v32;
	v56 =	vperm.xlane v24, v3;
	v62 =	vperm.xlane v25, v2  }
0x254: {  	v39 =	vld [tilespmem:s13+$0xA810];
	v26 =	vadd.f32 v29, v26;
	v58 =	vmul.f32 v47, v54;
	v47 =	vperm.xlane v25, v3  }
0x255: {  	v40 =	vld [tilespmem:s13+$0xA820];
	v31 =	vadd.f32 v46, v31;
	v46 =	vperm.xlane v24, v0;
	v29 =	vmul.f32 v41, v56  }
0x256: {  	v43 =	vld [tilespmem:s13+$0xA860];
	v26 =	vadd.f32 v48, v26;
	v48 =	vmul.f32 v45, v23;
	v34 =	vmul.f32 v52, v59  }
0x257: {  	v45 =	vperm.xlane v24, v5;
	v59 =	vperm.xlane v25, v6  }
0x258: {  	v31 =	vadd.f32 v51, v31;
	v50 =	vmul.f32 v50, v46;
	v51 =	vperm.xlane v24, v2;
	v46 =	vld [tilespmem:s13+$0xA940]  }
0x259: {  	v54 =	vld [tilespmem:s13+$0xA960];
	v26 =	vadd.f32 v53, v26;
	v53 =	vmul.f32 v39, v49;
	v49 =	vperm.xlane v24, v6  }
0x25a: {  	v42 =	vld [tilespmem:s13+$0xA870];
	v31 =	vadd.f32 v55, v31;
	v55 =	vmul.f32 v40, v51;
	v27 =	vadd.f32 $0.0e+00, v50  }
0x25b: {  	v35 =	vld [tilespmem:s13+$0xA840];
	v51 =	vperm.xlane v25, v4;
	v26 =	vadd.f32 v57, v26;
	v52 =	vmul.f32 v43, v49  }
0x25c: {  	v57 =	vld [tilespmem:s13+$0xA920];
	v30 =	vadd.f32 v30, v31;
	v27 =	vadd.f32 v53, v27;
	v53 =	vperm.xlane v24, v7  }
0x25d: {  	v50 =	vld [tilespmem:s13+$0xA950];
	v26 =	vadd.f32 v60, v26;
	v60 =	vperm.xlane v24, v4;
	v39 =	vmul.f32 v46, v51  }
0x25e: {  	v33 =	vld [tilespmem:s13+$0xA850];
	v31 =	vadd.f32 $0.0e+00, v58;
	v46 =	vmul.f32 v54, v59;
	v59 =	vperm.xlane v24, v12  }
0x25f: {  	v36 =	vld [tilespmem:s13+$0xA890];
	v30 =	vadd.f32 v61, v30;
	v56 =	vmul.f32 v42, v53;
	v23 =	vadd.f32 v22, v26  }
0x260: {  	v61 =	vld [tilespmem:s13+$0xA930];
	v63 =	vmul.f32 v35, v60;
	v26 =	vadd.f32 v55, v27;
	v55 =	vperm.xlane v25, v5  }
0x261: {  	v32 =	vld [tilespmem:s13+$0xA880];
	v31 =	vadd.f32 v34, v31;
	v37 =	vmul.f32 v57, v62;
	v57 =	vperm.xlane v24, v8  }
0x262: {  	v38 =	vld [tilespmem:s13+$0xA8A0];
	v30 =	vadd.f32 v44, v30;
	v62 =	vperm.xlane v24, v9;
	v35 =	vmul.f32 v50, v55  }
0x263: {  	v58 =	vld [tilespmem:s13+$0xA970];
	v26 =	vadd.f32 v29, v26;
	v50 =	vperm.xlane v24, v10;
	v55 =	vperm.xlane v24, v11  }
0x264: {  	v34 =	vld [tilespmem:s13+$0xA8D0];
	v28 =	vadd.f32 v28, v30;
	v31 =	vadd.f32 v37, v31;
	v49 =	vmul.f32 v36, v62  }
0x265: {  	v60 =	vld [tilespmem:s13+$0xA980];
	v62 =	vperm.xlane v24, v13;
	v40 =	vmul.f32 v61, v47;
	v26 =	vadd.f32 v63, v26  }
0x266: {  	v44 =	vld [tilespmem:s13+$0xA8C0];
	v61 =	vmul.f32 v32, v57;
	v22 =	vadd.f32 v48, v28;
	v48 =	vmul.f32 v33, v45  }
0x267: {  	v63 =	vld [tilespmem:s13+$0xA990];
	v47 =	vperm.xlane v25, v7;
	v54 =	vmul.f32 v38, v50  }
0x268: {  	v57 =	vperm.xlane v25, v9;
	v28 =	vld [tilespmem:s13+$0xA8B0];
	v31 =	vadd.f32 v40, v31;
	v26 =	vadd.f32 v48, v26  }
0x269: {  	v37 =	vld [tilespmem:s13+$0xA8E0];
	v50 =	vperm.xlane v24, v14;
	v24 =	vperm.xlane v24, v15  }
0x26a: {  	v40 =	vld [tilespmem:s13+$0xA8F0];
	v51 =	vmul.f32 v58, v47;
	v31 =	vadd.f32 v39, v31;
	v26 =	vadd.f32 v52, v26  }
0x26b: {  	v58 =	vld [tilespmem:s13+$0xA9E0];
	v47 =	vperm.xlane v25, v11;
	v52 =	vperm.xlane v25, v8  }
0x26c: {  	v48 =	vld [tilespmem:s13+$0xA9A0];
	v33 =	vmul.f32 v63, v57;
	v31 =	vadd.f32 v35, v31;
	v26 =	vadd.f32 v56, v26  }
0x26d: {  	v36 =	vld [tilespmem:s13+$0xA9B0];
	v28 =	vmul.f32 v28, v55;
	v55 =	vperm.xlane v25, v14  }
0x26e: {  	v56 =	vmul.f32 v60, v52;
	v31 =	vadd.f32 v46, v31;
	v27 =	vadd.f32 v61, v26;
	v26 =	vld [tilespmem:s11+$0x18A0]  }
0x26f: {  	v41 =	vld [tilespmem:s13+$0xAA70];
	v60 =	vperm.xlane v25, v10;
	v52 =	vmul.f32 v37, v50  }
0x270: {  	v38 =	vld [tilespmem:s13+$0xA9D0];
	v24 =	vmul.f32 v40, v24;
	v57 =	vmul.f32 v58, v55;
	v31 =	vadd.f32 v51, v31  }
0x271: {  	v61 =	vmul.f32 v44, v59;
	v46 =	vmul.f32 v48, v60;
	v48 =	vld [tilespmem:s13+$0xAA10];
	v27 =	vadd.f32 v49, v27  }
0x272: {  	s23 =	sor.u32 $0xA00, s21;
	v44 =	vmul.f32 v36, v47;
	v51 =	vld [tilespmem:s13+$0xAA20];
	v49 =	vmul.f32 v34, v62;
	v31 =	vadd.f32 v56, v31  }
0x273: {  	s22 =	sand.u32 $0x3FFFFF00, s23;
	v53 =	vld [tilespmem:s13+$0xA9C0];
	v27 =	vadd.f32 v54, v27;
	v54 =	vperm.xlane v25, v13;
	v58 =	vperm.xlane v26, v0  }
0x274: {  	v63 =	vld [tilespmem:s22+$0xA000];
	v31 =	vadd.f32 v33, v31;
	v60 =	vperm.xlane v26, v1;
	v62 =	vperm.xlane v26, v2  }
0x275: {  	v45 =	vld [tilespmem:s13+$0xA9F0];
	v27 =	vadd.f32 v28, v27;
	v56 =	vmul.f32 v38, v54;
	v54 =	vperm.xlane v26, v4  }
0x276: {  	v47 =	vld [tilespmem:s13+$0xAA30];
	v31 =	vadd.f32 v46, v31;
	v46 =	vperm.xlane v25, v12;
	v25 =	vperm.xlane v25, v15  }
0x277: {  	v37 =	vld [tilespmem:s13+$0xAA50];
	v48 =	vmul.f32 v48, v60;
	v50 =	vmul.f32 v51, v62  }
0x278: {  	v51 =	vperm.xlane v26, v3;
	v62 =	vperm.xlane v26, v6;
	v29 =	vadd.f32 v61, v27;
	v27 =	vld [tilespmem:s11+$0x18B0]  }
0x279: {  	s23 =	sor.u32 $0xB00, s21;
	v32 =	vld [tilespmem:s13+$0xAA40];
	v61 =	vmul.f32 v63, v58;
	v58 =	vperm.xlane v26, v5  }
0x27a: {  	s22 =	sand.u32 $0x3FFFFF00, s23;
	v35 =	vld [tilespmem:s13+$0xAA60];
	v31 =	vadd.f32 v44, v31;
	v53 =	vmul.f32 v53, v46;
	v29 =	vadd.f32 v49, v29  }
0x27b: {  	v59 =	vld [tilespmem:s22+$0xA000];
	v25 =	vmul.f32 v45, v25;
	v34 =	vmul.f32 v47, v51  }
0x27c: {  	v63 =	vld [tilespmem:s13+$0xAB10];
	v46 =	vperm.xlane v26, v7;
	v31 =	vadd.f32 v53, v31;
	v28 =	vadd.f32 v52, v29  }
0x27d: {  	v55 =	vld [tilespmem:s13+$0xAB30];
	v29 =	vadd.f32 $0.0e+00, v61;
	v61 =	vmul.f32 v37, v58;
	v49 =	vperm.xlane v27, v0  }
0x27e: {  	v33 =	vld [tilespmem:s13+$0xAA80];
	v31 =	vadd.f32 v56, v31;
	v53 =	vperm.xlane v27, v1;
	v56 =	vperm.xlane v27, v2  }
0x27f: {  	v44 =	vld [tilespmem:s13+$0xAAA0];
	v60 =	vperm.xlane v27, v3;
	v45 =	vperm.xlane v27, v4  }
0x280: {  	v52 =	vld [tilespmem:s13+$0xAB20];
	v29 =	vadd.f32 v48, v29;
	v48 =	vperm.xlane v27, v5;
	v40 =	vmul.f32 v59, v49  }
0x281: {  	v47 =	vld [tilespmem:s13+$0xAB60];
	v30 =	vadd.f32 v57, v31;
	v39 =	vmul.f32 v63, v53;
	v57 =	vmul.f32 v32, v54  }
0x282: {  	v59 =	vld [tilespmem:s13+$0xAB40];
	v42 =	vmul.f32 v55, v60;
	v32 =	vmul.f32 v35, v62  }
0x283: {  	v24 =	vadd.f32 v24, v28;
	v63 =	vld [tilespmem:s13+$0xAB50];
	v49 =	vmul.f32 v41, v46;
	v54 =	vperm.xlane v26, v9  }
0x284: {  	v51 =	vld [tilespmem:s13+$0xAB70];
	v60 =	vperm.xlane v27, v8;
	v28 =	vadd.f32 v50, v29;
	v50 =	vperm.xlane v26, v8  }
0x285: {  	v58 =	vld [tilespmem:s13+$0xAB90];
	v40 =	vadd.f32 $0.0e+00, v40;
	v38 =	vmul.f32 v52, v56;
	v52 =	vperm.xlane v27, v6  }
0x286: {  	v55 =	vld [tilespmem:s13+$0xAB80];
	v25 =	vadd.f32 v25, v30;
	v56 =	vperm.xlane v27, v7;
	v28 =	vadd.f32 v34, v28  }
0x287: {  	v31 =	vld [tilespmem:s11+$0x18D0];
	v53 =	vmul.f32 v33, v50;
	v39 =	vadd.f32 v39, v40;
	v35 =	vmul.f32 v47, v52  }
0x288: {  	v30 =	vld [tilespmem:s13+$0xAA90];
	v36 =	vmul.f32 v59, v45;
	v28 =	vadd.f32 v57, v28;
	v37 =	vmul.f32 v63, v48  }
0x289: {  	v40 =	vld [tilespmem:s13+$0xAAB0];
	v57 =	vperm.xlane v26, v10;
	v59 =	vmul.f32 v51, v56  }
0x28a: {  	v63 =	vperm.xlane v26, v11;
	v38 =	vadd.f32 v38, v39;
	v39 =	vld [tilespmem:s13+$0xAAC0];
	v28 =	vadd.f32 v61, v28  }
0x28b: {  	v29 =	vld [tilespmem:s11+$0x18C0];
	v34 =	vmul.f32 v55, v60;
	v51 =	vperm.xlane v26, v12  }
0x28c: {  	v48 =	vld [tilespmem:s13+$0xABB0];
	v55 =	vperm.xlane v26, v13;
	v38 =	vadd.f32 v42, v38;
	v28 =	vadd.f32 v32, v28  }
0x28d: {  	v30 =	vmul.f32 v30, v54;
	v62 =	vmul.f32 v44, v57;
	v42 =	vld [tilespmem:s13+$0xAAD0]  }
0x28e: {  	v61 =	vld [tilespmem:s13+$0xABA0];
	v36 =	vadd.f32 v36, v38;
	v28 =	vadd.f32 v49, v28;
	v49 =	vperm.xlane v27, v9  }
0x28f: {  	v52 =	vld [tilespmem:s13+$0xABD0];
	v32 =	vmul.f32 v40, v63;
	v54 =	vmul.f32 v39, v51  }
0x290: {  	v50 =	vld [tilespmem:s13+$0xABC0];
	v51 =	vperm.xlane v27, v14;
	v36 =	vadd.f32 v37, v36;
	v33 =	vmul.f32 v58, v49  }
0x291: {  	v38 =	vld [tilespmem:s13+$0xAAE0];
	v28 =	vadd.f32 v53, v28;
	v53 =	vperm.xlane v27, v10;
	v58 =	vperm.xlane v27, v11  }
0x292: {  	v37 =	vld [tilespmem:s13+$0xAAF0];
	v39 =	vmul.f32 v42, v55;
	v49 =	vperm.xlane v27, v13  }
0x293: {  	v56 =	vld [tilespmem:s13+$0xABF0];
	v35 =	vadd.f32 v35, v36;
	v57 =	vmul.f32 v61, v53;
	v61 =	vmul.f32 v48, v58  }
0x294: {  	s23 =	sor.u32 $0xC00, s21;
	v36 =	vld [tilespmem:s13+$0xABE0];
	v28 =	vadd.f32 v30, v28;
	v52 =	vmul.f32 v52, v49;
	v49 =	vperm.xlane v31, v1  }
0x295: {  	s22 =	sand.u32 $0x3FFFFF00, s23;
	s23 =	sor.u32 $0xD00, s21;
	v35 =	vadd.f32 v59, v35;
	v59 =	vperm.xlane v26, v14;
	v26 =	vperm.xlane v26, v15  }
0x296: {  	v60 =	vld [tilespmem:s22+$0xA000];
	s22 =	sand.u32 $0x3FFFFF00, s23;
	v28 =	vadd.f32 v62, v28;
	v62 =	vperm.xlane v27, v12;
	v27 =	vperm.xlane v27, v15  }
0x297: {  	v55 =	vld [tilespmem:s22+$0xA000];
	v34 =	vadd.f32 v34, v35;
	v46 =	vmul.f32 v38, v59;
	v26 =	vmul.f32 v37, v26  }
0x298: {  	v63 =	vld [tilespmem:s13+$0xAC10];
	v59 =	vperm.xlane v29, v2;
	v28 =	vadd.f32 v32, v28;
	v48 =	vmul.f32 v50, v62  }
0x299: {  	v47 =	vld [tilespmem:s13+$0xAC20];
	v30 =	vmul.f32 v36, v51;
	v27 =	vmul.f32 v56, v27;
	v33 =	vadd.f32 v33, v34  }
0x29a: {  	v44 =	vld [tilespmem:s13+$0xAC80];
	v56 =	vperm.xlane v29, v1;
	v62 =	vperm.xlane v31, v0  }
0x29b: {  	v50 =	vld [tilespmem:s13+$0xAC30];
	v28 =	vadd.f32 v54, v28;
	v54 =	vperm.xlane v29, v0;
	v33 =	vadd.f32 v57, v33  }
0x29c: {  	v51 =	vld [tilespmem:s13+$0xAD30];
	v37 =	vmul.f32 v55, v62;
	v62 =	vperm.xlane v29, v7  }
0x29d: {  	v57 =	vld [tilespmem:s13+$0xAC50];
	v58 =	vmul.f32 v60, v54;
	v33 =	vadd.f32 v61, v33;
	v61 =	vmul.f32 v63, v56  }
0x29e: {  	v34 =	vld [tilespmem:s13+$0xAC60];
	v28 =	vadd.f32 v39, v28;
	v63 =	vmul.f32 v47, v59;
	v47 =	vperm.xlane v29, v3  }
0x29f: {  	v60 =	vld [tilespmem:s13+$0xAD10];
	v37 =	vadd.f32 $0.0e+00, v37;
	v54 =	vperm.xlane v29, v5;
	v56 =	vperm.xlane v31, v3  }
0x2a0: {  	v53 =	vld [tilespmem:s13+$0xAC40];
	v32 =	vadd.f32 $0.0e+00, v58;
	v58 =	vperm.xlane v29, v6;
	v36 =	vmul.f32 v50, v47  }
0x2a1: {  	v55 =	vld [tilespmem:s13+$0xAD40];
	v28 =	vadd.f32 v46, v28;
	v50 =	vperm.xlane v29, v4;
	v42 =	vmul.f32 v51, v56  }
0x2a2: {  	v59 =	vld [tilespmem:s13+$0xAD50];
	v33 =	vadd.f32 v48, v33;
	v56 =	vperm.xlane v31, v7;
	v57 =	vmul.f32 v57, v54  }
0x2a3: {  	v48 =	vld [tilespmem:s13+$0xAD20];
	v32 =	vadd.f32 v61, v32;
	v61 =	vperm.xlane v31, v4;
	v34 =	vmul.f32 v34, v58  }
0x2a4: {  	v51 =	vld [tilespmem:s13+$0xAD70];
	v26 =	vadd.f32 v26, v28;
	v54 =	vperm.xlane v29, v9;
	v40 =	vmul.f32 v60, v49  }
0x2a5: {  	v58 =	vld [tilespmem:s13+$0xAD90];
	v33 =	vadd.f32 v52, v33;
	v52 =	vperm.xlane v31, v2;
	v53 =	vmul.f32 v53, v50  }
0x2a6: {  	v49 =	vperm.xlane v31, v5;
	v50 =	vperm.xlane v29, v8;
	v28 =	vadd.f32 v63, v32;
	v63 =	vld [tilespmem:s13+$0xAD60]  }
0x2a7: {  	v41 =	vmul.f32 v55, v61;
	v55 =	vld [tilespmem:s13+$0xAD80];
	v61 =	vperm.xlane v29, v11  }
0x2a8: {  	v30 =	vadd.f32 v30, v33;
	v37 =	vadd.f32 v40, v37;
	v40 =	vld [tilespmem:s13+$0xAC90];
	v38 =	vmul.f32 v48, v52  }
0x2a9: {  	v60 =	vld [tilespmem:s13+$0xACA0];
	v39 =	vmul.f32 v59, v49;
	v59 =	vperm.xlane v31, v8;
	v28 =	vadd.f32 v36, v28  }
0x2aa: {  	v52 =	vperm.xlane v31, v6;
	v27 =	vadd.f32 v27, v30;
	v30 =	vld [tilespmem:s13+$0xAC70];
	v37 =	vadd.f32 v38, v37  }
0x2ab: {  	v49 =	vperm.xlane v29, v12;
	v48 =	vld [tilespmem:s13+$0xACB0];
	v28 =	vadd.f32 v53, v28;
	v53 =	vmul.f32 v44, v50  }
0x2ac: {  	v50 =	vld [tilespmem:s13+$0xADB0];
	v36 =	vmul.f32 v63, v52;
	v43 =	vmul.f32 v55, v59;
	v37 =	vadd.f32 v42, v37  }
0x2ad: {  	v63 =	vperm.xlane v31, v9;
	v52 =	vld [tilespmem:s13+$0xADC0];
	v28 =	vadd.f32 v57, v28;
	v33 =	vmul.f32 v40, v54  }
0x2ae: {  	v55 =	vld [tilespmem:s13+$0xADD0];
	v57 =	vperm.xlane v29, v10;
	v54 =	vperm.xlane v29, v13;
	v37 =	vadd.f32 v41, v37  }
0x2af: {  	v59 =	vld [tilespmem:s13+$0xADF0];
	v40 =	vmul.f32 v58, v63;
	v30 =	vmul.f32 v30, v62;
	v28 =	vadd.f32 v34, v28  }
0x2b0: {  	v58 =	vperm.xlane v29, v14;
	v63 =	vperm.xlane v29, v15;
	v29 =	vld [tilespmem:s11+$0x18F0];
	v37 =	vadd.f32 v39, v37  }
0x2b1: {  	v41 =	vld [tilespmem:s13+$0xACC0];
	v28 =	vadd.f32 v30, v28  }
0x2b2: {  	v35 =	vmul.f32 v51, v56;
	v62 =	vld [tilespmem:s13+$0xADA0];
	v36 =	vadd.f32 v36, v37  }
0x2b3: {  	v47 =	vperm.xlane v31, v13;
	v60 =	vmul.f32 v60, v57;
	v57 =	vld [tilespmem:s13+$0xADE0];
	v28 =	vadd.f32 v53, v28  }
0x2b4: {  	v48 =	vmul.f32 v48, v61;
	v61 =	vperm.xlane v31, v12;
	v39 =	vld [tilespmem:s13+$0xACD0];
	v35 =	vadd.f32 v35, v36  }
0x2b5: {  	v51 =	vperm.xlane v31, v10;
	v56 =	vperm.xlane v31, v11;
	v37 =	vld [tilespmem:s13+$0xACE0];
	v28 =	vadd.f32 v33, v28  }
0x2b6: {  	s23 =	sor.u32 $0xE00, s21;
	s21 =	sor.u32 $0xF00, s21;
	v46 =	vmul.f32 v52, v61;
	v53 =	vmul.f32 v41, v49;
	v36 =	vld [tilespmem:s13+$0xACF0];
	v35 =	vadd.f32 v43, v35  }
0x2b7: {  	s21 =	sand.u32 $0x3FFFFF00, s21;
	v38 =	vmul.f32 v62, v51;
	v49 =	vperm.xlane v31, v14;
	v30 =	vadd.f32 v60, v28;
	v28 =	vld [tilespmem:s11+$0x18E0]  }
0x2b8: {  	s22 =	sand.u32 $0x3FFFFF00, s23;
	v31 =	vperm.xlane v31, v15;
	v60 =	vmul.f32 v50, v56;
	v50 =	vld [tilespmem:s21+$0xA000];
	v35 =	vadd.f32 v40, v35  }
0x2b9: {  	v51 =	vmul.f32 v55, v47;
	v34 =	vmul.f32 v39, v54;
	v30 =	vadd.f32 v48, v30;
	v48 =	vld [tilespmem:s22+$0xA000]  }
0x2ba: {  	v31 =	vmul.f32 v59, v31;
	v62 =	vmul.f32 v37, v58;
	v35 =	vadd.f32 v38, v35  }
0x2bb: {  	v52 =	vld [tilespmem:s13+$0xAE10];
	v33 =	vadd.f32 v53, v30;
	v30 =	vmul.f32 v36, v63;
	v53 =	vmul.f32 v57, v49  }
0x2bc: {  	v55 =	vld [tilespmem:s13+$0xAF10];
	v57 =	vperm.xlane v29, v0;
	v54 =	vperm.xlane v28, v0;
	v35 =	vadd.f32 v60, v35  }
0x2bd: {  	v56 =	vld [tilespmem:s13+$0xAE20];
	v59 =	vperm.xlane v28, v1;
	v63 =	vperm.xlane v28, v2;
	v33 =	vadd.f32 v34, v33  }
0x2be: {  	v60 =	vld [tilespmem:s13+$0xAF20];
	v37 =	vmul.f32 v50, v57;
	v58 =	vmul.f32 v48, v54;
	v35 =	vadd.f32 v46, v35  }
0x2bf: {  	v61 =	vld [tilespmem:s13+$0xAE30];
	v50 =	vperm.xlane v29, v2;
	v32 =	vadd.f32 v62, v33;
	v62 =	vperm.xlane v29, v1  }
0x2c0: {  	v36 =	vmul.f32 v52, v59;
	v48 =	vld [tilespmem:s13+$0xAF30];
	v33 =	vadd.f32 $0.0e+00, v58;
	v35 =	vadd.f32 v51, v35  }
0x2c1: {  	v49 =	vld [tilespmem:s13+$0xAE40];
	v52 =	vperm.xlane v28, v3;
	v37 =	vadd.f32 $0.0e+00, v37;
	v41 =	vmul.f32 v55, v62  }
0x2c2: {  	v51 =	vmul.f32 v56, v63;
	v33 =	vadd.f32 v36, v33;
	v34 =	vadd.f32 v53, v35;
	v53 =	vld [tilespmem:s13+$0xAF40]  }
0x2c3: {  	v54 =	vld [tilespmem:s13+$0xAE50];
	v55 =	vperm.xlane v29, v3;
	v40 =	vmul.f32 v60, v50;
	v37 =	vadd.f32 v41, v37  }
0x2c4: {  	v57 =	vld [tilespmem:s13+$0xAF50];
	v56 =	vperm.xlane v28, v4;
	v35 =	vmul.f32 v61, v52;
	v33 =	vadd.f32 v51, v33  }
0x2c5: {  	v59 =	vperm.xlane v29, v4;
	v58 =	vld [tilespmem:s13+$0xAE60];
	v42 =	vmul.f32 v48, v55;
	v37 =	vadd.f32 v40, v37  }
0x2c6: {  	v62 =	vld [tilespmem:s13+$0xAF60];
	v60 =	vmul.f32 v49, v56;
	v61 =	vperm.xlane v28, v5;
	v33 =	vadd.f32 v35, v33  }
0x2c7: {  	v63 =	vld [tilespmem:s13+$0xAE70];
	v48 =	vperm.xlane v29, v5;
	v37 =	vadd.f32 v42, v37;
	v39 =	vmul.f32 v53, v59  }
0x2c8: {  	v50 =	vperm.xlane v28, v6;
	v51 =	vld [tilespmem:s13+$0xAF70];
	v49 =	vmul.f32 v54, v61;
	v33 =	vadd.f32 v60, v33  }
0x2c9: {  	v52 =	vld [tilespmem:s13+$0xAE80];
	v38 =	vmul.f32 v57, v48;
	v53 =	vperm.xlane v29, v6;
	v37 =	vadd.f32 v39, v37  }
0x2ca: {  	v55 =	vperm.xlane v28, v7;
	v56 =	vld [tilespmem:s13+$0xAF80];
	v54 =	vmul.f32 v58, v50;
	v33 =	vadd.f32 v49, v33  }
0x2cb: {  	v57 =	vld [tilespmem:s13+$0xAE90];
	v58 =	vperm.xlane v29, v7;
	v43 =	vmul.f32 v62, v53;
	v37 =	vadd.f32 v38, v37  }
0x2cc: {  	v61 =	vld [tilespmem:s13+$0xAF90];
	v59 =	vmul.f32 v63, v55;
	v60 =	vperm.xlane v28, v8;
	v33 =	vadd.f32 v54, v33  }
0x2cd: {  	v63 =	vperm.xlane v29, v8;
	v41 =	vmul.f32 v51, v58;
	v62 =	vld [tilespmem:s13+$0xAEA0];
	v37 =	vadd.f32 v43, v37  }
0x2ce: {  	v50 =	vld [tilespmem:s13+$0xAFA0];
	v48 =	vmul.f32 v52, v60;
	v49 =	vperm.xlane v28, v9;
	v33 =	vadd.f32 v59, v33  }
0x2cf: {  	v51 =	vld [tilespmem:s13+$0xAEB0];
	v40 =	vmul.f32 v56, v63;
	v52 =	vperm.xlane v29, v9;
	v37 =	vadd.f32 v41, v37  }
0x2d0: {  	v55 =	vld [tilespmem:s13+$0xAFB0];
	v53 =	vmul.f32 v57, v49;
	v54 =	vperm.xlane v28, v10;
	v33 =	vadd.f32 v48, v33  }
0x2d1: {  	v56 =	vld [tilespmem:s13+$0xAEC0];
	v42 =	vmul.f32 v61, v52;
	v57 =	vperm.xlane v29, v10;
	v37 =	vadd.f32 v40, v37  }
0x2d2: {  	[tilespmem:s11+$0x12800] =	vst v17;
	v60 =	vld [tilespmem:s13+$0xAFC0];
	v59 =	vperm.xlane v28, v11;
	v58 =	vmul.f32 v62, v54;
	v17 =	vadd.f32 v53, v33  }
0x2d3: {  	[tilespmem:s11+$0x12810] =	vst v16;
	v61 =	vld [tilespmem:s13+$0xAED0];
	v39 =	vmul.f32 v50, v57;
	v62 =	vperm.xlane v29, v11;
	v16 =	vadd.f32 v42, v37  }
0x2d4: {  	[tilespmem:s11+$0x12820] =	vst v19;
	v44 =	vld [tilespmem:s13+$0xAFD0];
	v43 =	vperm.xlane v28, v12;
	v63 =	vmul.f32 v51, v59;
	v17 =	vadd.f32 v58, v17  }
0x2d5: {  	[tilespmem:s11+$0x12830] =	vst v18;
	v45 =	vld [tilespmem:s13+$0xAEE0];
	v46 =	vperm.xlane v29, v12;
	v38 =	vmul.f32 v55, v62;
	v16 =	vadd.f32 v39, v16  }
0x2d6: {  	[tilespmem:s11+$0x12840] =	vst v21;
	v49 =	vld [tilespmem:s13+$0xAFE0];
	v47 =	vmul.f32 v56, v43;
	v48 =	vperm.xlane v28, v13;
	v17 =	vadd.f32 v63, v17  }
0x2d7: {  	[tilespmem:s11+$0x12850] =	vst v20;
	v50 =	vld [tilespmem:s13+$0xAEF0];
	v36 =	vmul.f32 v60, v46;
	v51 =	vperm.xlane v29, v13;
	v16 =	vadd.f32 v38, v16  }
0x2d8: {  	[tilespmem:s11+$0x12860] =	vst v23;
	v54 =	vld [tilespmem:s13+$0xAFF0];
	v52 =	vmul.f32 v61, v48;
	v53 =	vperm.xlane v28, v14;
	v17 =	vadd.f32 v47, v17  }
0x2d9: {  	[tilespmem:s11+$0x12870] =	vst v22;
	v56 =	vperm.xlane v29, v14;
	v55 =	vmul.f32 v44, v51;
	v16 =	vadd.f32 v36, v16  }
0x2da: {  	[tilespmem:s11+$0x12880] =	vst v24;
	v57 =	vperm.xlane v28, v15;
	v18 =	vmul.f32 v45, v53;
	v17 =	vadd.f32 v52, v17  }
0x2db: {  	[tilespmem:s11+$0x12890] =	vst v25;
	v59 =	vperm.xlane v29, v15;
	v58 =	vmul.f32 v49, v56;
	v16 =	vadd.f32 v55, v16  }
0x2dc: {  	p1 =	slt.u32 s10, $0x70;
	[tilespmem:s11+$0x128A0] =	vst v26;
	v60 =	vadd.f32 v30, v32;
	v61 =	vmul.f32 v50, v57;
	v17 =	vadd.f32 v18, v17  }
.Ltmp3:
0x2dd: {  	[tilespmem:s11+$0x128B0] =	vst v27;
	v62 =	vadd.f32 v31, v34;
	v63 =	vmul.f32 v54, v59;
	v16 =	vadd.f32 v58, v16;
	(pc) =	sbr.rel @p1 .LBB2_8-.Ltmp3, $4  }
0x2de: {  	[tilespmem:s11+$0x128C0] =	vst v60;
	v17 =	vadd.f32 v61, v17  }
0x2df: {  	[tilespmem:s11+$0x128D0] =	vst v62;
	v16 =	vadd.f32 v63, v16  }
0x2e0: {  	s23 =	sadd.s32 $0x10, s10;
	[tilespmem:s11+$0x128E0] =	vst v17  }
0x2e1: {  	s10 =	smov.u32 s23;
	[tilespmem:s11+$0x128F0] =	vst v16  }
0x2e2: {  	s9 =	sadd.s32 @!p0 s6, s9;
	s10 =	simm.s32 @!p0 $0x0  }
0x2e3: {  	s11 =	simm.s32 @!p0 $0x1800;
	s23 =	sshll.u32 s8, $0x9;
	s8 =	sadd.s32 $0x1, s8  }
0x2e4: {  	[tilespmem:s11], [sflag:$0x2] =	stream.linear.gather @!p0 [hbm4b:s9+s10], $0x800, $0x38;
	[tilespmem:$0x13000] =	vst v63  }
0x2e5: {  	p0 =	sne.s32 s8, $0x62  }
.Ltmp4:
0x2e6: {  	_ = 	snop;
	(pc) =	sbr.rel @p0 .LBB2_2-.Ltmp4, $3  }
0x2e7: {  	_ =	sdelay $0x1  }
0x2e8: {  	s9 =	sadd.s32 s14, s23  }
0x2e9: {  	[hbm4b:s9+s2] =	stream.linear.scatter [tilespmem:s15], [sflag:$0x4], $0x800, $0x38;
	[tilespmem:$0x13000] =	vst v63  }
0x2ea: {  	_ =	swait.ge [sflag:s17], $0x800  }
0x2eb: {  	[sflag:s17] =	ssyncset.done $0x0  }
0x2ec: {  	s9 =	simm.s32 $0x4;
	[sflag:s17] =	ssyncadd.s32 $0xFFFFF800  }
0x2ed: {  	_ =	swait.ge [sflag:s9], $0x800  }
0x2ee: {  	s10 =	rddreg [dreg:$0x7]  }
0x2ef: {  	s8 =	rddreg [dreg:$0x6];
	s10 =	sadd.s32 $0x1, s10  }
0x2f0: {  	p0 =	sne.s32 s10, s8  }
.Ltmp5:
0x2f1: {  	_ = 	snop;
	(pc) =	sbr.rel @p0 .LBB2_1-.Ltmp5, $3  }
0x2f2: {  	_ =	sdelay $0x1  }
0x2f3: {  	[sflag:s9] =	ssyncset.done $0x0  }
0x2f4: {  	[sflag:s9] =	ssyncadd.s32 $0xFFFFF800  }
0x2f5: {  	_ =	sfence.sel $0x180000  }
0x2f6: {  	[bflag:$0x0] =	sbarrier.arrive $0xFFFF  }
0x2f7: {  	_ =	strace $0x90000047  }
0x2f8: {  	s0 =	stileid.u32;
	[bflag:$0x2] =	sbarrier.arrive $0xFFFF  }
0x2f9: {  	p0 =	sne.s32 s0, $0x0;
	s0 =	rddreg [dreg:$0x1]  }
0x2fa: {  	s0 =	sadd.s32 @!p0 $0x100000, s0  }
0x2fb: {  	[sflag:s0] =	ssyncadd.tile.s32 @!p0 $0x1;
	_ =	shalt  }
.Lfunc_end2:
_tile_overlayer_lowered:
.L_overlay_start_2:
0x2fc: {  	(tag) =	ssettag $0x2  }
0x2fd: {  	s0 =	rddreg [dreg:$0x0];
	s2 =	stileid.u32  }
0x2fe: {  	s1 =	rddreg [dreg:$0x1];
	p0 =	sne.s32 s2, $0x0  }
0x2ff: {  	s3 =	rddreg [dreg:$0x2];
	[bflag:$0x3] =	sbarrier.arrive $0xFFFF;
	s2 =	simm.s32 @!p0 $0x1C05  }
0x300: {  	[timem:s3], [sflag:s2] =	dma.local @!p0 [hbm:s0], s1  }
0x301: {  	s0 =	simm.s32 @!p0 $0x5  }
0x302: {  	_ =	swait.ge @!p0 [sflag:s0], s1  }
0x303: {  	s1 =	ssub.s32 @!p0 $0x0, s1;
	[sflag:s0] =	ssyncset.done @!p0 $0x0  }
0x304: {  	[sflag:s0] =	ssyncadd.s32 @!p0 s1  }
0x305: {  	[bflag:$0x3] =	sbarrier.arrive $0xFFFF  }
0x306: {  	_ =	shalt  }

</sc_bundles>
